<compile_context>
chip_gen: v7x
topology: tpu7x:2x2x1
jax: 0.10.2.dev20260603
libtpu: 0.0.44.dev20260713+nightly
codegen_flags: <defaults>
</compile_context>

<pallas_src>
import jax
import jax.numpy as jnp
from jax.experimental import pallas as pl
from jax.experimental.pallas import tpu as pltpu
from jax.experimental.pallas import tpu_sc as plsc

EMB = 64
NUM_WORKERS = 32
BATCH_BLOCK = 4096


def _sc_gather3(school_table, goal_table, method_table,
                school_idx, goal_idx, method_idx):
    n = school_idx.shape[0]
    b_per_w = n // NUM_WORKERS
    ch = 128
    n_ch = b_per_w // ch
    f32 = jnp.float32
    idx_all = (jnp.stack([school_idx, goal_idx, method_idx])
               .astype(f32)
               .reshape(3, NUM_WORKERS, n_ch, ch)
               .transpose(1, 0, 2, 3))
    out_t = jax.ShapeDtypeStruct((n, 128), f32)
    row_buf = pltpu.VMEM((ch, 128), f32)
    idx_buf = pltpu.VMEM((3, n_ch, ch), jnp.int32)
    fidx_buf = pltpu.VMEM((3, n_ch, ch), f32)
    mesh = plsc.VectorSubcoreMesh(core_axis_name="c", subcore_axis_name="s")

    @pl.kernel(
        out_type=[out_t, out_t, out_t], mesh=mesh,
        scratch_types=[
            idx_buf, fidx_buf, row_buf, row_buf, row_buf, row_buf,
            pltpu.SemaphoreType.DMA, pltpu.SemaphoreType.DMA,
            pltpu.SemaphoreType.DMA, pltpu.SemaphoreType.DMA,
            pltpu.SemaphoreType.DMA, pltpu.SemaphoreType.DMA,
            pltpu.SemaphoreType.DMA, pltpu.SemaphoreType.DMA,
        ])
    def gather_kernel(school_hbm, goal_hbm, method_hbm, idx_hbm,
                      so_hbm, go_hbm, mo_hbm,
                      ib, fb, r0, r1, r2, r3, g0, g1, g2, g3,
                      w0, w1, w2, w3):
        wid = jax.lax.axis_index("s") * 2 + jax.lax.axis_index("c")
        base = wid * b_per_w
        pltpu.sync_copy(idx_hbm.at[wid], fb)
        for t in range(3):
            for c in range(n_ch):
                for j in range(ch // 16):
                    s = pl.ds(j * 16, 16)
                    ib[t, c, s] = fb[t, c, s].astype(jnp.int32)
        tables = (school_hbm, goal_hbm, method_hbm)
        outs = (so_hbm, go_hbm, mo_hbm)
        items = [(t, c) for t in range(3) for c in range(n_ch)]
        D = 4
        rbufs = (r0, r1, r2, r3)
        gsems = (g0, g1, g2, g3)
        wsems = (w0, w1, w2, w3)
        gathers = [None] * D
        writes = [None] * D
        for k in range(len(items) + D - 1):
            if k < len(items):
                t, c = items[k]
                b = k % D
                if writes[b] is not None:
                    writes[b].wait()
                gathers[b] = pltpu.async_copy(
                    tables[t].at[ib.at[t, c]], rbufs[b], gsems[b])
            j = k - (D - 1)
            if 0 <= j < len(items):
                bj = j % D
                gathers[bj].wait()
                jt, jc = items[j]
                writes[bj] = pltpu.async_copy(
                    rbufs[bj],
                    outs[jt].at[pl.ds(base + jc * ch, ch)], wsems[bj])
        for b in range(min(D, len(items))):
            writes[b].wait()

    return gather_kernel(school_table, goal_table, method_table, idx_all)


def _tower_body(school_ref, goal_ref, method_ref, pca_ref,
                W1x_ref, Wp_ref, b1_ref, W2_ref, b2_ref, W3_ref, b3_ref,
                out_ref):
    f32 = jnp.float32
    bf16 = jnp.bfloat16
    x = jnp.concatenate(
        [school_ref[...], goal_ref[...], method_ref[...]],
        axis=-1).astype(bf16)
    h = jnp.dot(x, W1x_ref[...], preferred_element_type=f32)
    h += jnp.dot(pca_ref[...].astype(bf16), Wp_ref[...],
                 preferred_element_type=f32)
    h = jnp.maximum(h + b1_ref[...], 0.0).astype(bf16)
    h = jnp.dot(h, W2_ref[...], preferred_element_type=f32)
    h = jnp.maximum(h + b2_ref[...], 0.0).astype(bf16)
    out_ref[...] = jnp.dot(h, W3_ref[...],
                           preferred_element_type=f32) + b3_ref[...]


def kernel(school_idx, goal_idx, method_idx, subject_pca, grade_pca,
           school_table, goal_table, method_table,
           subject_W, subject_b, grade_W, grade_b,
           W1, b1, W2, b2, W3, b3):
    n = school_idx.shape[0]
    bf16 = jnp.bfloat16
    pad = ((0, 0), (0, 128 - EMB))
    school_emb, goal_emb, method_emb = _sc_gather3(
        jnp.pad(school_table, pad),
        jnp.pad(goal_table, pad),
        jnp.pad(method_table, pad),
        school_idx, goal_idx, method_idx)

    z = jnp.zeros((128 - EMB, W1.shape[1]), W1.dtype)
    W1x = jnp.concatenate(
        [W1[0:64], z, W1[64:128], z, W1[128:192], z], axis=0).astype(bf16)
    Wp = jnp.concatenate(
        [subject_W @ W1[192:224], grade_W @ W1[224:256]],
        axis=0).astype(bf16)
    b1f = b1 + subject_b @ W1[192:224] + grade_b @ W1[224:256]
    pca = jnp.concatenate([subject_pca, grade_pca], axis=-1)

    bs = BATCH_BLOCK

    def full_spec(shape):
        return pl.BlockSpec(shape, lambda i: (0,) * len(shape))

    def batch_spec(cols):
        return pl.BlockSpec((bs, cols), lambda i: (i, 0))

    out = pl.pallas_call(
        _tower_body,
        grid=(n // bs,),
        in_specs=[
            batch_spec(128), batch_spec(128), batch_spec(128),
            batch_spec(pca.shape[1]),
            full_spec(W1x.shape), full_spec(Wp.shape),
            full_spec((1, b1f.shape[0])),
            full_spec(W2.shape), full_spec((1, b2.shape[0])),
            full_spec(W3.shape), full_spec((1, b3.shape[0])),
        ],
        out_specs=batch_spec(W3.shape[1]),
        out_shape=jax.ShapeDtypeStruct((n, W3.shape[1]), jnp.float32),
    )(school_emb, goal_emb, method_emb, pca,
      W1x, Wp, b1f.reshape(1, -1),
      W2.astype(bf16), b2.reshape(1, -1),
      W3.astype(bf16), b3.reshape(1, -1))
    return out

# --- scband reference (transcript-rebuilt; emitter-appended) ---
"""Pipeline reference for scband-student-tower-88613765251388 (READ-ONLY COPY).

The authoritative reference and input builder live on the scoring server;
editing this copy changes nothing except your own understanding.
"""

import jax, jax.numpy as jnp
import numpy as np

B = 16384
SCHOOL_V = 100002
GOAL_V = 1002
METHOD_V = 1002
EMB = 64

def setup_inputs(seed: int = 0) -> dict:
    key = jax.random.key(seed)
    ks = jax.random.split(key, 20)
    d = {}
    d['school_idx'] = jax.random.randint(ks[0], (B,), 0, 100000)
    d['goal_idx'] = jax.random.randint(ks[1], (B,), 0, 1000)
    d['method_idx'] = jax.random.randint(ks[2], (B,), 0, 1000)
    d['subject_pca'] = jax.random.normal(ks[3], (B, 10), dtype=jnp.float32)
    d['grade_pca'] = jax.random.normal(ks[4], (B, 5), dtype=jnp.float32)
    d['school_table'] = jax.random.normal(ks[5], (SCHOOL_V, EMB), dtype=jnp.float32) * 0.05
    d['goal_table'] = jax.random.normal(ks[6], (GOAL_V, EMB), dtype=jnp.float32) * 0.05
    d['method_table'] = jax.random.normal(ks[7], (METHOD_V, EMB), dtype=jnp.float32) * 0.05
    d['subject_W'] = jax.random.normal(ks[8], (10, 32), dtype=jnp.float32) * 0.1
    d['subject_b'] = jnp.zeros((32,), dtype=jnp.float32)
    d['grade_W'] = jax.random.normal(ks[9], (5, 32), dtype=jnp.float32) * 0.1
    d['grade_b'] = jnp.zeros((32,), dtype=jnp.float32)
    d['W1'] = jax.random.normal(ks[10], (256, 256), dtype=jnp.float32) * 0.05
    d['b1'] = jnp.zeros((256,), dtype=jnp.float32)
    d['W2'] = jax.random.normal(ks[11], (256, 128), dtype=jnp.float32) * 0.05
    d['b2'] = jnp.zeros((128,), dtype=jnp.float32)
    d['W3'] = jax.random.normal(ks[12], (128, 32), dtype=jnp.float32) * 0.05
    d['b3'] = jnp.zeros((32,), dtype=jnp.float32)
    return d

def reference(school_idx, goal_idx, method_idx, subject_pca, grade_pca,
              school_table, goal_table, method_table,
              subject_W, subject_b, grade_W, grade_b,
              W1, b1, W2, b2, W3, b3):
    # StringLookup replaced by precomputed integer indices; Dropout layers are
    # identity at inference time.
    school_emb = jnp.take(school_table, school_idx, axis=0)
    goal_emb = jnp.take(goal_table, goal_idx, axis=0)
    method_emb = jnp.take(method_table, method_idx, axis=0)
    subject_emb = subject_pca @ subject_W + subject_b
    grade_emb = grade_pca @ grade_W + grade_b
    x = jnp.concatenate([school_emb, goal_emb, method_emb, subject_emb, grade_emb], axis=-1)
    h = jax.nn.relu(x @ W1 + b1)
    h = jax.nn.relu(h @ W2 + b2)
    out = h @ W3 + b3
    return out

if __name__ == "__main__":
    import jax
    _d = setup_inputs()
    print(jax.jit(kernel)(*tuple(_d.values())))

</pallas_src>

<mosaic_0001>
#map = affine_map<(d0, d1) -> (0, 0)>
#map1 = affine_map<(d0, d1) -> (0, 0, 0, 0)>
module attributes {stable_mosaic.version = 14 : i64} {
  func.func @gather_kernel(%arg0: i32, %arg1: i32, %arg2: memref<100002x128xf32, #tpu.memory_space<hbm>>, %arg3: memref<1002x128xf32, #tpu.memory_space<hbm>>, %arg4: memref<1002x128xf32, #tpu.memory_space<hbm>>, %arg5: memref<32x3x4x128xf32, #tpu.memory_space<hbm>>, %arg6: memref<16384x128xf32, #tpu.memory_space<hbm>>, %arg7: memref<16384x128xf32, #tpu.memory_space<hbm>>, %arg8: memref<16384x128xf32, #tpu.memory_space<hbm>>, %arg9: memref<3x4x128xi32, #tpu.memory_space<vmem>>, %arg10: memref<3x4x128xf32, #tpu.memory_space<vmem>>, %arg11: memref<128x128xf32, #tpu.memory_space<vmem>>, %arg12: memref<128x128xf32, #tpu.memory_space<vmem>>, %arg13: memref<128x128xf32, #tpu.memory_space<vmem>>, %arg14: memref<128x128xf32, #tpu.memory_space<vmem>>, %arg15: memref<!tpu.dma_semaphore, #tpu.memory_space<semaphore_mem>>, %arg16: memref<!tpu.dma_semaphore, #tpu.memory_space<semaphore_mem>>, %arg17: memref<!tpu.dma_semaphore, #tpu.memory_space<semaphore_mem>>, %arg18: memref<!tpu.dma_semaphore, #tpu.memory_space<semaphore_mem>>, %arg19: memref<!tpu.dma_semaphore, #tpu.memory_space<semaphore_mem>>, %arg20: memref<!tpu.dma_semaphore, #tpu.memory_space<semaphore_mem>>, %arg21: memref<!tpu.dma_semaphore, #tpu.memory_space<semaphore_mem>>, %arg22: memref<!tpu.dma_semaphore, #tpu.memory_space<semaphore_mem>>) attributes {dimension_semantics = [#tpu.dimension_semantics<core_parallel>, #tpu.dimension_semantics<subcore_parallel>], iteration_bounds = array<i64: 2, 16>, scalar_prefetch = 0 : i64, scratch_operands = 14 : i64, tpu.core_type = #tpu.core_type<sc_vector_subcore>, window_params = [{transform_indices = #map}, {transform_indices = #map}, {transform_indices = #map}, {transform_indices = #map1}, {transform_indices = #map}, {transform_indices = #map}, {transform_indices = #map}]} {
    %mul3A = arith.constant 2 : i32
    %mul3A_0 = arith.muli %arg1, %mul3A : i32
    %add3A = arith.addi %mul3A_0, %arg0 : i32
    %mul3A_1 = arith.constant 512 : i32
    %mul3A_2 = arith.muli %add3A, %mul3A_1 : i32
    "tpu.region"() ({
      %run_scoped3A = tpu.sem_alloc : memref<!tpu.dma_semaphore, #tpu.memory_space<semaphore_mem>>
      %dma_start3A_1846 = arith.constant 0 : i32
      %dma_start3A_1847 = arith.constant 0 : i32
      %dma_start3A_1848 = arith.constant 0 : i32
      %dma_start3A_1849 = tpu.memref_slice %arg5[%add3A, %dma_start3A_1846, %dma_start3A_1847, %dma_start3A_1848] : memref<32x3x4x128xf32, #tpu.memory_space<hbm>> -> memref<1x3x4x128xf32, #tpu.memory_space<hbm>>
      %dma_start3A_1850 = tpu.memref_squeeze %dma_start3A_1849 : memref<1x3x4x128xf32, #tpu.memory_space<hbm>> -> memref<3x4x128xf32, #tpu.memory_space<hbm>>
      %dma_start3A_1851 = arith.constant 0 : i32
      %dma_start3A_1852 = arith.constant 0 : i32
      %dma_start3A_1853 = arith.constant 0 : i32
      %dma_start3A_1854 = tpu.memref_slice %arg5[%add3A, %dma_start3A_1851, %dma_start3A_1852, %dma_start3A_1853] : memref<32x3x4x128xf32, #tpu.memory_space<hbm>> -> memref<1x3x4x128xf32, #tpu.memory_space<hbm>>
      %dma_start3A_1855 = tpu.memref_squeeze %dma_start3A_1854 : memref<1x3x4x128xf32, #tpu.memory_space<hbm>> -> memref<3x4x128xf32, #tpu.memory_space<hbm>>
      tpu.enqueue_dma source(%dma_start3A_1855 : memref<3x4x128xf32, #tpu.memory_space<hbm>>) target(%arg10 : memref<3x4x128xf32, #tpu.memory_space<vmem>>) target_semaphore(%run_scoped3A : memref<!tpu.dma_semaphore, #tpu.memory_space<semaphore_mem>>)
      %dma_wait3A_1856 = arith.constant 0 : i32
      %dma_wait3A_1857 = arith.constant 0 : i32
      %dma_wait3A_1858 = arith.constant 0 : i32
      %dma_wait3A_1859 = tpu.memref_slice %arg5[%add3A, %dma_wait3A_1856, %dma_wait3A_1857, %dma_wait3A_1858] : memref<32x3x4x128xf32, #tpu.memory_space<hbm>> -> memref<1x3x4x128xf32, #tpu.memory_space<hbm>>
      %dma_wait3A_1860 = tpu.memref_squeeze %dma_wait3A_1859 : memref<1x3x4x128xf32, #tpu.memory_space<hbm>> -> memref<3x4x128xf32, #tpu.memory_space<hbm>>
      %dma_wait3A_1861 = arith.constant 0 : i32
      %dma_wait3A_1862 = arith.constant 0 : i32
      %dma_wait3A_1863 = arith.constant 0 : i32
      %dma_wait3A_1864 = tpu.memref_slice %arg5[%add3A, %dma_wait3A_1861, %dma_wait3A_1862, %dma_wait3A_1863] : memref<32x3x4x128xf32, #tpu.memory_space<hbm>> -> memref<1x3x4x128xf32, #tpu.memory_space<hbm>>
      %dma_wait3A_1865 = tpu.memref_squeeze %dma_wait3A_1864 : memref<1x3x4x128xf32, #tpu.memory_space<hbm>> -> memref<3x4x128xf32, #tpu.memory_space<hbm>>
      tpu.wait_dma2 semaphore(%run_scoped3A : memref<!tpu.dma_semaphore, #tpu.memory_space<semaphore_mem>>) src(%dma_wait3A_1865 : memref<3x4x128xf32, #tpu.memory_space<hbm>>) dst(%arg10 : memref<3x4x128xf32, #tpu.memory_space<vmem>>)
      tpu.yield
    }) : () -> ()
    %get3A = arith.constant 0 : i32
    %get3A_3 = arith.constant 0 : i32
    %get3A_4 = arith.index_cast %get3A : i32 to index
    %get3A_5 = arith.index_cast %get3A_3 : i32 to index
    %get3A_6 = arith.constant 0 : index
    %get3A_7 = tpu.vector_load %arg10[%get3A_4, %get3A_5, %get3A_6] {strides = array<i32>} : memref<3x4x128xf32, #tpu.memory_space<vmem>>, vector<1x1x16xf32>,
    %get3A_8 = vector.shape_cast %get3A_7 : vector<1x1x16xf32> to vector<16xf32>
    %convert_element_type3A = arith.fptosi %get3A_8 : vector<16xf32> to vector<16xi32>
    %swap3A = arith.constant 0 : i32
    %swap3A_9 = arith.constant 0 : i32
    %swap3A_10 = arith.index_cast %swap3A : i32 to index
    %swap3A_11 = arith.index_cast %swap3A_9 : i32 to index
    %swap3A_12 = arith.constant 0 : index
    %swap3A_13 = tpu.vector_load %arg9[%swap3A_10, %swap3A_11, %swap3A_12] {strides = array<i32>} : memref<3x4x128xi32, #tpu.memory_space<vmem>>, vector<1x1x16xi32>,
    %swap3A_14 = vector.shape_cast %swap3A_13 : vector<1x1x16xi32> to vector<16xi32>
    %swap3A_15 = vector.shape_cast %convert_element_type3A : vector<16xi32> to vector<1x1x16xi32>
    tpu.vector_store %arg9[%swap3A_10, %swap3A_11, %swap3A_12], %swap3A_15 {strides = array<i32>} : memref<3x4x128xi32, #tpu.memory_space<vmem>>, vector<1x1x16xi32>,
    %get3A_16 = arith.constant 0 : i32
    %get3A_17 = arith.constant 0 : i32
    %get3A_18 = arith.index_cast %get3A_16 : i32 to index
    %get3A_19 = arith.index_cast %get3A_17 : i32 to index
    %get3A_20 = arith.constant 16 : index
    %get3A_21 = tpu.vector_load %arg10[%get3A_18, %get3A_19, %get3A_20] {strides = array<i32>} : memref<3x4x128xf32, #tpu.memory_space<vmem>>, vector<1x1x16xf32>,
    %get3A_22 = vector.shape_cast %get3A_21 : vector<1x1x16xf32> to vector<16xf32>
    %convert_element_type3A_23 = arith.fptosi %get3A_22 : vector<16xf32> to vector<16xi32>
    %swap3A_24 = arith.constant 0 : i32
    %swap3A_25 = arith.constant 0 : i32
    %swap3A_26 = arith.index_cast %swap3A_24 : i32 to index
    %swap3A_27 = arith.index_cast %swap3A_25 : i32 to index
    %swap3A_28 = arith.constant 16 : index
    %swap3A_29 = tpu.vector_load %arg9[%swap3A_26, %swap3A_27, %swap3A_28] {strides = array<i32>} : memref<3x4x128xi32, #tpu.memory_space<vmem>>, vector<1x1x16xi32>,
    %swap3A_30 = vector.shape_cast %swap3A_29 : vector<1x1x16xi32> to vector<16xi32>
    %swap3A_31 = vector.shape_cast %convert_element_type3A_23 : vector<16xi32> to vector<1x1x16xi32>
    tpu.vector_store %arg9[%swap3A_26, %swap3A_27, %swap3A_28], %swap3A_31 {strides = array<i32>} : memref<3x4x128xi32, #tpu.memory_space<vmem>>, vector<1x1x16xi32>,
    %get3A_32 = arith.constant 0 : i32
    %get3A_33 = arith.constant 0 : i32
    %get3A_34 = arith.index_cast %get3A_32 : i32 to index
    %get3A_35 = arith.index_cast %get3A_33 : i32 to index
    %get3A_36 = arith.constant 32 : index
    %get3A_37 = tpu.vector_load %arg10[%get3A_34, %get3A_35, %get3A_36] {strides = array<i32>} : memref<3x4x128xf32, #tpu.memory_space<vmem>>, vector<1x1x16xf32>,
    %get3A_38 = vector.shape_cast %get3A_37 : vector<1x1x16xf32> to vector<16xf32>
    %convert_element_type3A_39 = arith.fptosi %get3A_38 : vector<16xf32> to vector<16xi32>
    %swap3A_40 = arith.constant 0 : i32
    %swap3A_41 = arith.constant 0 : i32
    %swap3A_42 = arith.index_cast %swap3A_40 : i32 to index
    %swap3A_43 = arith.index_cast %swap3A_41 : i32 to index
    %swap3A_44 = arith.constant 32 : index
    %swap3A_45 = tpu.vector_load %arg9[%swap3A_42, %swap3A_43, %swap3A_44] {strides = array<i32>} : memref<3x4x128xi32, #tpu.memory_space<vmem>>, vector<1x1x16xi32>,
    %swap3A_46 = vector.shape_cast %swap3A_45 : vector<1x1x16xi32> to vector<16xi32>
    %swap3A_47 = vector.shape_cast %convert_element_type3A_39 : vector<16xi32> to vector<1x1x16xi32>
    tpu.vector_store %arg9[%swap3A_42, %swap3A_43, %swap3A_44], %swap3A_47 {strides = array<i32>} : memref<3x4x128xi32, #tpu.memory_space<vmem>>, vector<1x1x16xi32>,
    %get3A_48 = arith.constant 0 : i32
    %get3A_49 = arith.constant 0 : i32
    %get3A_50 = arith.index_cast %get3A_48 : i32 to index
    %get3A_51 = arith.index_cast %get3A_49 : i32 to index
    %get3A_52 = arith.constant 48 : index
    %get3A_53 = tpu.vector_load %arg10[%get3A_50, %get3A_51, %get3A_52] {strides = array<i32>} : memref<3x4x128xf32, #tpu.memory_space<vmem>>, vector<1x1x16xf32>,
    %get3A_54 = vector.shape_cast %get3A_53 : vector<1x1x16xf32> to vector<16xf32>
    %convert_element_type3A_55 = arith.fptosi %get3A_54 : vector<16xf32> to vector<16xi32>
    %swap3A_56 = arith.constant 0 : i32
    %swap3A_57 = arith.constant 0 : i32
    %swap3A_58 = arith.index_cast %swap3A_56 : i32 to index
    %swap3A_59 = arith.index_cast %swap3A_57 : i32 to index
    %swap3A_60 = arith.constant 48 : index
    %swap3A_61 = tpu.vector_load %arg9[%swap3A_58, %swap3A_59, %swap3A_60] {strides = array<i32>} : memref<3x4x128xi32, #tpu.memory_space<vmem>>, vector<1x1x16xi32>,
    %swap3A_62 = vector.shape_cast %swap3A_61 : vector<1x1x16xi32> to vector<16xi32>
    %swap3A_63 = vector.shape_cast %convert_element_type3A_55 : vector<16xi32> to vector<1x1x16xi32>
    tpu.vector_store %arg9[%swap3A_58, %swap3A_59, %swap3A_60], %swap3A_63 {strides = array<i32>} : memref<3x4x128xi32, #tpu.memory_space<vmem>>, vector<1x1x16xi32>,
    %get3A_64 = arith.constant 0 : i32
    %get3A_65 = arith.constant 0 : i32
    %get3A_66 = arith.index_cast %get3A_64 : i32 to index
    %get3A_67 = arith.index_cast %get3A_65 : i32 to index
    %get3A_68 = arith.constant 64 : index
    %get3A_69 = tpu.vector_load %arg10[%get3A_66, %get3A_67, %get3A_68] {strides = array<i32>} : memref<3x4x128xf32, #tpu.memory_space<vmem>>, vector<1x1x16xf32>,
    %get3A_70 = vector.shape_cast %get3A_69 : vector<1x1x16xf32> to vector<16xf32>
    %convert_element_type3A_71 = arith.fptosi %get3A_70 : vector<16xf32> to vector<16xi32>
    %swap3A_72 = arith.constant 0 : i32
    %swap3A_73 = arith.constant 0 : i32
    %swap3A_74 = arith.index_cast %swap3A_72 : i32 to index
    %swap3A_75 = arith.index_cast %swap3A_73 : i32 to index
    %swap3A_76 = arith.constant 64 : index
    %swap3A_77 = tpu.vector_load %arg9[%swap3A_74, %swap3A_75, %swap3A_76] {strides = array<i32>} : memref<3x4x128xi32, #tpu.memory_space<vmem>>, vector<1x1x16xi32>,
    %swap3A_78 = vector.shape_cast %swap3A_77 : vector<1x1x16xi32> to vector<16xi32>
    %swap3A_79 = vector.shape_cast %convert_element_type3A_71 : vector<16xi32> to vector<1x1x16xi32>
    tpu.vector_store %arg9[%swap3A_74, %swap3A_75, %swap3A_76], %swap3A_79 {strides = array<i32>} : memref<3x4x128xi32, #tpu.memory_space<vmem>>, vector<1x1x16xi32>,
    %get3A_80 = arith.constant 0 : i32
    %get3A_81 = arith.constant 0 : i32
    %get3A_82 = arith.index_cast %get3A_80 : i32 to index
    %get3A_83 = arith.index_cast %get3A_81 : i32 to index
    %get3A_84 = arith.constant 80 : index
    %get3A_85 = tpu.vector_load %arg10[%get3A_82, %get3A_83, %get3A_84] {strides = array<i32>} : memref<3x4x128xf32, #tpu.memory_space<vmem>>, vector<1x1x16xf32>,
    %get3A_86 = vector.shape_cast %get3A_85 : vector<1x1x16xf32> to vector<16xf32>
    %convert_element_type3A_87 = arith.fptosi %get3A_86 : vector<16xf32> to vector<16xi32>
    %swap3A_88 = arith.constant 0 : i32
    %swap3A_89 = arith.constant 0 : i32
    %swap3A_90 = arith.index_cast %swap3A_88 : i32 to index
    %swap3A_91 = arith.index_cast %swap3A_89 : i32 to index
    %swap3A_92 = arith.constant 80 : index
    %swap3A_93 = tpu.vector_load %arg9[%swap3A_90, %swap3A_91, %swap3A_92] {strides = array<i32>} : memref<3x4x128xi32, #tpu.memory_space<vmem>>, vector<1x1x16xi32>,
    %swap3A_94 = vector.shape_cast %swap3A_93 : vector<1x1x16xi32> to vector<16xi32>
    %swap3A_95 = vector.shape_cast %convert_element_type3A_87 : vector<16xi32> to vector<1x1x16xi32>
    tpu.vector_store %arg9[%swap3A_90, %swap3A_91, %swap3A_92], %swap3A_95 {strides = array<i32>} : memref<3x4x128xi32, #tpu.memory_space<vmem>>, vector<1x1x16xi32>,
    %get3A_96 = arith.constant 0 : i32
    %get3A_97 = arith.constant 0 : i32
    %get3A_98 = arith.index_cast %get3A_96 : i32 to index
    %get3A_99 = arith.index_cast %get3A_97 : i32 to index
    %get3A_100 = arith.constant 96 : index
    %get3A_101 = tpu.vector_load %arg10[%get3A_98, %get3A_99, %get3A_100] {strides = array<i32>} : memref<3x4x128xf32, #tpu.memory_space<vmem>>, vector<1x1x16xf32>,
    %get3A_102 = vector.shape_cast %get3A_101 : vector<1x1x16xf32> to vector<16xf32>
    %convert_element_type3A_103 = arith.fptosi %get3A_102 : vector<16xf32> to vector<16xi32>
    %swap3A_104 = arith.constant 0 : i32
    %swap3A_105 = arith.constant 0 : i32
    %swap3A_106 = arith.index_cast %swap3A_104 : i32 to index
    %swap3A_107 = arith.index_cast %swap3A_105 : i32 to index
    %swap3A_108 = arith.constant 96 : index
    %swap3A_109 = tpu.vector_load %arg9[%swap3A_106, %swap3A_107, %swap3A_108] {strides = array<i32>} : memref<3x4x128xi32, #tpu.memory_space<vmem>>, vector<1x1x16xi32>,
    %swap3A_110 = vector.shape_cast %swap3A_109 : vector<1x1x16xi32> to vector<16xi32>
    %swap3A_111 = vector.shape_cast %convert_element_type3A_103 : vector<16xi32> to vector<1x1x16xi32>
    tpu.vector_store %arg9[%swap3A_106, %swap3A_107, %swap3A_108], %swap3A_111 {strides = array<i32>} : memref<3x4x128xi32, #tpu.memory_space<vmem>>, vector<1x1x16xi32>,
    %get3A_112 = arith.constant 0 : i32
    %get3A_113 = arith.constant 0 : i32
    %get3A_114 = arith.index_cast %get3A_112 : i32 to index
    %get3A_115 = arith.index_cast %get3A_113 : i32 to index
    %get3A_116 = arith.constant 112 : index
    %get3A_117 = tpu.vector_load %arg10[%get3A_114, %get3A_115, %get3A_116] {strides = array<i32>} : memref<3x4x128xf32, #tpu.memory_space<vmem>>, vector<1x1x16xf32>,
    %get3A_118 = vector.shape_cast %get3A_117 : vector<1x1x16xf32> to vector<16xf32>
    %convert_element_type3A_119 = arith.fptosi %get3A_118 : vector<16xf32> to vector<16xi32>
    %swap3A_120 = arith.constant 0 : i32
    %swap3A_121 = arith.constant 0 : i32
    %swap3A_122 = arith.index_cast %swap3A_120 : i32 to index
    %swap3A_123 = arith.index_cast %swap3A_121 : i32 to index
    %swap3A_124 = arith.constant 112 : index
    %swap3A_125 = tpu.vector_load %arg9[%swap3A_122, %swap3A_123, %swap3A_124] {strides = array<i32>} : memref<3x4x128xi32, #tpu.memory_space<vmem>>, vector<1x1x16xi32>,
    %swap3A_126 = vector.shape_cast %swap3A_125 : vector<1x1x16xi32> to vector<16xi32>
    %swap3A_127 = vector.shape_cast %convert_element_type3A_119 : vector<16xi32> to vector<1x1x16xi32>
    tpu.vector_store %arg9[%swap3A_122, %swap3A_123, %swap3A_124], %swap3A_127 {strides = array<i32>} : memref<3x4x128xi32, #tpu.memory_space<vmem>>, vector<1x1x16xi32>,
    %get3A_128 = arith.constant 0 : i32
    %get3A_129 = arith.constant 1 : i32
    %get3A_130 = arith.index_cast %get3A_128 : i32 to index
    %get3A_131 = arith.index_cast %get3A_129 : i32 to index
    %get3A_132 = arith.constant 0 : index
    %get3A_133 = tpu.vector_load %arg10[%get3A_130, %get3A_131, %get3A_132] {strides = array<i32>} : memref<3x4x128xf32, #tpu.memory_space<vmem>>, vector<1x1x16xf32>,
    %get3A_134 = vector.shape_cast %get3A_133 : vector<1x1x16xf32> to vector<16xf32>
    %convert_element_type3A_135 = arith.fptosi %get3A_134 : vector<16xf32> to vector<16xi32>
    %swap3A_136 = arith.constant 0 : i32
    %swap3A_137 = arith.constant 1 : i32
    %swap3A_138 = arith.index_cast %swap3A_136 : i32 to index
    %swap3A_139 = arith.index_cast %swap3A_137 : i32 to index
    %swap3A_140 = arith.constant 0 : index
    %swap3A_141 = tpu.vector_load %arg9[%swap3A_138, %swap3A_139, %swap3A_140] {strides = array<i32>} : memref<3x4x128xi32, #tpu.memory_space<vmem>>, vector<1x1x16xi32>,
    %swap3A_142 = vector.shape_cast %swap3A_141 : vector<1x1x16xi32> to vector<16xi32>
    %swap3A_143 = vector.shape_cast %convert_element_type3A_135 : vector<16xi32> to vector<1x1x16xi32>
    tpu.vector_store %arg9[%swap3A_138, %swap3A_139, %swap3A_140], %swap3A_143 {strides = array<i32>} : memref<3x4x128xi32, #tpu.memory_space<vmem>>, vector<1x1x16xi32>,
    %get3A_144 = arith.constant 0 : i32
    %get3A_145 = arith.constant 1 : i32
    %get3A_146 = arith.index_cast %get3A_144 : i32 to index
    %get3A_147 = arith.index_cast %get3A_145 : i32 to index
    %get3A_148 = arith.constant 16 : index
    %get3A_149 = tpu.vector_load %arg10[%get3A_146, %get3A_147, %get3A_148] {strides = array<i32>} : memref<3x4x128xf32, #tpu.memory_space<vmem>>, vector<1x1x16xf32>,
    %get3A_150 = vector.shape_cast %get3A_149 : vector<1x1x16xf32> to vector<16xf32>
    %convert_element_type3A_151 = arith.fptosi %get3A_150 : vector<16xf32> to vector<16xi32>
    %swap3A_152 = arith.constant 0 : i32
    %swap3A_153 = arith.constant 1 : i32
    %swap3A_154 = arith.index_cast %swap3A_152 : i32 to index
    %swap3A_155 = arith.index_cast %swap3A_153 : i32 to index
    %swap3A_156 = arith.constant 16 : index
    %swap3A_157 = tpu.vector_load %arg9[%swap3A_154, %swap3A_155, %swap3A_156] {strides = array<i32>} : memref<3x4x128xi32, #tpu.memory_space<vmem>>, vector<1x1x16xi32>,
    %swap3A_158 = vector.shape_cast %swap3A_157 : vector<1x1x16xi32> to vector<16xi32>
    %swap3A_159 = vector.shape_cast %convert_element_type3A_151 : vector<16xi32> to vector<1x1x16xi32>
    tpu.vector_store %arg9[%swap3A_154, %swap3A_155, %swap3A_156], %swap3A_159 {strides = array<i32>} : memref<3x4x128xi32, #tpu.memory_space<vmem>>, vector<1x1x16xi32>,
    %get3A_160 = arith.constant 0 : i32
    %get3A_161 = arith.constant 1 : i32
    %get3A_162 = arith.index_cast %get3A_160 : i32 to index
    %get3A_163 = arith.index_cast %get3A_161 : i32 to index
    %get3A_164 = arith.constant 32 : index
    %get3A_165 = tpu.vector_load %arg10[%get3A_162, %get3A_163, %get3A_164] {strides = array<i32>} : memref<3x4x128xf32, #tpu.memory_space<vmem>>, vector<1x1x16xf32>,
    %get3A_166 = vector.shape_cast %get3A_165 : vector<1x1x16xf32> to vector<16xf32>
    %convert_element_type3A_167 = arith.fptosi %get3A_166 : vector<16xf32> to vector<16xi32>
    %swap3A_168 = arith.constant 0 : i32
    %swap3A_169 = arith.constant 1 : i32
    %swap3A_170 = arith.index_cast %swap3A_168 : i32 to index
    %swap3A_171 = arith.index_cast %swap3A_169 : i32 to index
    %swap3A_172 = arith.constant 32 : index
    %swap3A_173 = tpu.vector_load %arg9[%swap3A_170, %swap3A_171, %swap3A_172] {strides = array<i32>} : memref<3x4x128xi32, #tpu.memory_space<vmem>>, vector<1x1x16xi32>,
    %swap3A_174 = vector.shape_cast %swap3A_173 : vector<1x1x16xi32> to vector<16xi32>
    %swap3A_175 = vector.shape_cast %convert_element_type3A_167 : vector<16xi32> to vector<1x1x16xi32>
    tpu.vector_store %arg9[%swap3A_170, %swap3A_171, %swap3A_172], %swap3A_175 {strides = array<i32>} : memref<3x4x128xi32, #tpu.memory_space<vmem>>, vector<1x1x16xi32>,
    %get3A_176 = arith.constant 0 : i32
    %get3A_177 = arith.constant 1 : i32
    %get3A_178 = arith.index_cast %get3A_176 : i32 to index
    %get3A_179 = arith.index_cast %get3A_177 : i32 to index
    %get3A_180 = arith.constant 48 : index
    %get3A_181 = tpu.vector_load %arg10[%get3A_178, %get3A_179, %get3A_180] {strides = array<i32>} : memref<3x4x128xf32, #tpu.memory_space<vmem>>, vector<1x1x16xf32>,
    %get3A_182 = vector.shape_cast %get3A_181 : vector<1x1x16xf32> to vector<16xf32>
    %convert_element_type3A_183 = arith.fptosi %get3A_182 : vector<16xf32> to vector<16xi32>
    %swap3A_184 = arith.constant 0 : i32
    %swap3A_185 = arith.constant 1 : i32
    %swap3A_186 = arith.index_cast %swap3A_184 : i32 to index
    %swap3A_187 = arith.index_cast %swap3A_185 : i32 to index
    %swap3A_188 = arith.constant 48 : index
    %swap3A_189 = tpu.vector_load %arg9[%swap3A_186, %swap3A_187, %swap3A_188] {strides = array<i32>} : memref<3x4x128xi32, #tpu.memory_space<vmem>>, vector<1x1x16xi32>,
    %swap3A_190 = vector.shape_cast %swap3A_189 : vector<1x1x16xi32> to vector<16xi32>
    %swap3A_191 = vector.shape_cast %convert_element_type3A_183 : vector<16xi32> to vector<1x1x16xi32>
    tpu.vector_store %arg9[%swap3A_186, %swap3A_187, %swap3A_188], %swap3A_191 {strides = array<i32>} : memref<3x4x128xi32, #tpu.memory_space<vmem>>, vector<1x1x16xi32>,
    %get3A_192 = arith.constant 0 : i32
    %get3A_193 = arith.constant 1 : i32
    %get3A_194 = arith.index_cast %get3A_192 : i32 to index
    %get3A_195 = arith.index_cast %get3A_193 : i32 to index
    %get3A_196 = arith.constant 64 : index
    %get3A_197 = tpu.vector_load %arg10[%get3A_194, %get3A_195, %get3A_196] {strides = array<i32>} : memref<3x4x128xf32, #tpu.memory_space<vmem>>, vector<1x1x16xf32>,
    %get3A_198 = vector.shape_cast %get3A_197 : vector<1x1x16xf32> to vector<16xf32>
    %convert_element_type3A_199 = arith.fptosi %get3A_198 : vector<16xf32> to vector<16xi32>
    %swap3A_200 = arith.constant 0 : i32
    %swap3A_201 = arith.constant 1 : i32
    %swap3A_202 = arith.index_cast %swap3A_200 : i32 to index
    %swap3A_203 = arith.index_cast %swap3A_201 : i32 to index
    %swap3A_204 = arith.constant 64 : index
    %swap3A_205 = tpu.vector_load %arg9[%swap3A_202, %swap3A_203, %swap3A_204] {strides = array<i32>} : memref<3x4x128xi32, #tpu.memory_space<vmem>>, vector<1x1x16xi32>,
    %swap3A_206 = vector.shape_cast %swap3A_205 : vector<1x1x16xi32> to vector<16xi32>
    %swap3A_207 = vector.shape_cast %convert_element_type3A_199 : vector<16xi32> to vector<1x1x16xi32>
    tpu.vector_store %arg9[%swap3A_202, %swap3A_203, %swap3A_204], %swap3A_207 {strides = array<i32>} : memref<3x4x128xi32, #tpu.memory_space<vmem>>, vector<1x1x16xi32>,
    %get3A_208 = arith.constant 0 : i32
    %get3A_209 = arith.constant 1 : i32
    %get3A_210 = arith.index_cast %get3A_208 : i32 to index
    %get3A_211 = arith.index_cast %get3A_209 : i32 to index
    %get3A_212 = arith.constant 80 : index
    %get3A_213 = tpu.vector_load %arg10[%get3A_210, %get3A_211, %get3A_212] {strides = array<i32>} : memref<3x4x128xf32, #tpu.memory_space<vmem>>, vector<1x1x16xf32>,
    %get3A_214 = vector.shape_cast %get3A_213 : vector<1x1x16xf32> to vector<16xf32>
    %convert_element_type3A_215 = arith.fptosi %get3A_214 : vector<16xf32> to vector<16xi32>
    %swap3A_216 = arith.constant 0 : i32
    %swap3A_217 = arith.constant 1 : i32
    %swap3A_218 = arith.index_cast %swap3A_216 : i32 to index
    %swap3A_219 = arith.index_cast %swap3A_217 : i32 to index
    %swap3A_220 = arith.constant 80 : index
    %swap3A_221 = tpu.vector_load %arg9[%swap3A_218, %swap3A_219, %swap3A_220] {strides = array<i32>} : memref<3x4x128xi32, #tpu.memory_space<vmem>>, vector<1x1x16xi32>,
    %swap3A_222 = vector.shape_cast %swap3A_221 : vector<1x1x16xi32> to vector<16xi32>
    %swap3A_223 = vector.shape_cast %convert_element_type3A_215 : vector<16xi32> to vector<1x1x16xi32>
    tpu.vector_store %arg9[%swap3A_218, %swap3A_219, %swap3A_220], %swap3A_223 {strides = array<i32>} : memref<3x4x128xi32, #tpu.memory_space<vmem>>, vector<1x1x16xi32>,
    %get3A_224 = arith.constant 0 : i32
    %get3A_225 = arith.constant 1 : i32
    %get3A_226 = arith.index_cast %get3A_224 : i32 to index
    %get3A_227 = arith.index_cast %get3A_225 : i32 to index
    %get3A_228 = arith.constant 96 : index
    %get3A_229 = tpu.vector_load %arg10[%get3A_226, %get3A_227, %get3A_228] {strides = array<i32>} : memref<3x4x128xf32, #tpu.memory_space<vmem>>, vector<1x1x16xf32>,
    %get3A_230 = vector.shape_cast %get3A_229 : vector<1x1x16xf32> to vector<16xf32>
    %convert_element_type3A_231 = arith.fptosi %get3A_230 : vector<16xf32> to vector<16xi32>
    %swap3A_232 = arith.constant 0 : i32
    %swap3A_233 = arith.constant 1 : i32
    %swap3A_234 = arith.index_cast %swap3A_232 : i32 to index
    %swap3A_235 = arith.index_cast %swap3A_233 : i32 to index
    %swap3A_236 = arith.constant 96 : index
    %swap3A_237 = tpu.vector_load %arg9[%swap3A_234, %swap3A_235, %swap3A_236] {strides = array<i32>} : memref<3x4x128xi32, #tpu.memory_space<vmem>>, vector<1x1x16xi32>,
    %swap3A_238 = vector.shape_cast %swap3A_237 : vector<1x1x16xi32> to vector<16xi32>
    %swap3A_239 = vector.shape_cast %convert_element_type3A_231 : vector<16xi32> to vector<1x1x16xi32>
    tpu.vector_store %arg9[%swap3A_234, %swap3A_235, %swap3A_236], %swap3A_239 {strides = array<i32>} : memref<3x4x128xi32, #tpu.memory_space<vmem>>, vector<1x1x16xi32>,
    %get3A_240 = arith.constant 0 : i32
    %get3A_241 = arith.constant 1 : i32
    %get3A_242 = arith.index_cast %get3A_240 : i32 to index
    %get3A_243 = arith.index_cast %get3A_241 : i32 to index
    %get3A_244 = arith.constant 112 : index
    %get3A_245 = tpu.vector_load %arg10[%get3A_242, %get3A_243, %get3A_244] {strides = array<i32>} : memref<3x4x128xf32, #tpu.memory_space<vmem>>, vector<1x1x16xf32>,
    %get3A_246 = vector.shape_cast %get3A_245 : vector<1x1x16xf32> to vector<16xf32>
    %convert_element_type3A_247 = arith.fptosi %get3A_246 : vector<16xf32> to vector<16xi32>
    %swap3A_248 = arith.constant 0 : i32
    %swap3A_249 = arith.constant 1 : i32
    %swap3A_250 = arith.index_cast %swap3A_248 : i32 to index
    %swap3A_251 = arith.index_cast %swap3A_249 : i32 to index
    %swap3A_252 = arith.constant 112 : index
    %swap3A_253 = tpu.vector_load %arg9[%swap3A_250, %swap3A_251, %swap3A_252] {strides = array<i32>} : memref<3x4x128xi32, #tpu.memory_space<vmem>>, vector<1x1x16xi32>,
    %swap3A_254 = vector.shape_cast %swap3A_253 : vector<1x1x16xi32> to vector<16xi32>
    %swap3A_255 = vector.shape_cast %convert_element_type3A_247 : vector<16xi32> to vector<1x1x16xi32>
    tpu.vector_store %arg9[%swap3A_250, %swap3A_251, %swap3A_252], %swap3A_255 {strides = array<i32>} : memref<3x4x128xi32, #tpu.memory_space<vmem>>, vector<1x1x16xi32>,
    %get3A_256 = arith.constant 0 : i32
    %get3A_257 = arith.constant 2 : i32
    %get3A_258 = arith.index_cast %get3A_256 : i32 to index
    %get3A_259 = arith.index_cast %get3A_257 : i32 to index
    %get3A_260 = arith.constant 0 : index
    %get3A_261 = tpu.vector_load %arg10[%get3A_258, %get3A_259, %get3A_260] {strides = array<i32>} : memref<3x4x128xf32, #tpu.memory_space<vmem>>, vector<1x1x16xf32>,
    %get3A_262 = vector.shape_cast %get3A_261 : vector<1x1x16xf32> to vector<16xf32>
    %convert_element_type3A_263 = arith.fptosi %get3A_262 : vector<16xf32> to vector<16xi32>
    %swap3A_264 = arith.constant 0 : i32
    %swap3A_265 = arith.constant 2 : i32
    %swap3A_266 = arith.index_cast %swap3A_264 : i32 to index
    %swap3A_267 = arith.index_cast %swap3A_265 : i32 to index
    %swap3A_268 = arith.constant 0 : index
    %swap3A_269 = tpu.vector_load %arg9[%swap3A_266, %swap3A_267, %swap3A_268] {strides = array<i32>} : memref<3x4x128xi32, #tpu.memory_space<vmem>>, vector<1x1x16xi32>,
    %swap3A_270 = vector.shape_cast %swap3A_269 : vector<1x1x16xi32> to vector<16xi32>
    %swap3A_271 = vector.shape_cast %convert_element_type3A_263 : vector<16xi32> to vector<1x1x16xi32>
    tpu.vector_store %arg9[%swap3A_266, %swap3A_267, %swap3A_268], %swap3A_271 {strides = array<i32>} : memref<3x4x128xi32, #tpu.memory_space<vmem>>, vector<1x1x16xi32>,
    %get3A_272 = arith.constant 0 : i32
    %get3A_273 = arith.constant 2 : i32
    %get3A_274 = arith.index_cast %get3A_272 : i32 to index
    %get3A_275 = arith.index_cast %get3A_273 : i32 to index
    %get3A_276 = arith.constant 16 : index
    %get3A_277 = tpu.vector_load %arg10[%get3A_274, %get3A_275, %get3A_276] {strides = array<i32>} : memref<3x4x128xf32, #tpu.memory_space<vmem>>, vector<1x1x16xf32>,
    %get3A_278 = vector.shape_cast %get3A_277 : vector<1x1x16xf32> to vector<16xf32>
    %convert_element_type3A_279 = arith.fptosi %get3A_278 : vector<16xf32> to vector<16xi32>
    %swap3A_280 = arith.constant 0 : i32
    %swap3A_281 = arith.constant 2 : i32
    %swap3A_282 = arith.index_cast %swap3A_280 : i32 to index
    %swap3A_283 = arith.index_cast %swap3A_281 : i32 to index
    %swap3A_284 = arith.constant 16 : index
    %swap3A_285 = tpu.vector_load %arg9[%swap3A_282, %swap3A_283, %swap3A_284] {strides = array<i32>} : memref<3x4x128xi32, #tpu.memory_space<vmem>>, vector<1x1x16xi32>,
    %swap3A_286 = vector.shape_cast %swap3A_285 : vector<1x1x16xi32> to vector<16xi32>
    %swap3A_287 = vector.shape_cast %convert_element_type3A_279 : vector<16xi32> to vector<1x1x16xi32>
    tpu.vector_store %arg9[%swap3A_282, %swap3A_283, %swap3A_284], %swap3A_287 {strides = array<i32>} : memref<3x4x128xi32, #tpu.memory_space<vmem>>, vector<1x1x16xi32>,
    %get3A_288 = arith.constant 0 : i32
    %get3A_289 = arith.constant 2 : i32
    %get3A_290 = arith.index_cast %get3A_288 : i32 to index
    %get3A_291 = arith.index_cast %get3A_289 : i32 to index
    %get3A_292 = arith.constant 32 : index
    %get3A_293 = tpu.vector_load %arg10[%get3A_290, %get3A_291, %get3A_292] {strides = array<i32>} : memref<3x4x128xf32, #tpu.memory_space<vmem>>, vector<1x1x16xf32>,
    %get3A_294 = vector.shape_cast %get3A_293 : vector<1x1x16xf32> to vector<16xf32>
    %convert_element_type3A_295 = arith.fptosi %get3A_294 : vector<16xf32> to vector<16xi32>
    %swap3A_296 = arith.constant 0 : i32
    %swap3A_297 = arith.constant 2 : i32
    %swap3A_298 = arith.index_cast %swap3A_296 : i32 to index
    %swap3A_299 = arith.index_cast %swap3A_297 : i32 to index
    %swap3A_300 = arith.constant 32 : index
    %swap3A_301 = tpu.vector_load %arg9[%swap3A_298, %swap3A_299, %swap3A_300] {strides = array<i32>} : memref<3x4x128xi32, #tpu.memory_space<vmem>>, vector<1x1x16xi32>,
    %swap3A_302 = vector.shape_cast %swap3A_301 : vector<1x1x16xi32> to vector<16xi32>
    %swap3A_303 = vector.shape_cast %convert_element_type3A_295 : vector<16xi32> to vector<1x1x16xi32>
    tpu.vector_store %arg9[%swap3A_298, %swap3A_299, %swap3A_300], %swap3A_303 {strides = array<i32>} : memref<3x4x128xi32, #tpu.memory_space<vmem>>, vector<1x1x16xi32>,
    %get3A_304 = arith.constant 0 : i32
    %get3A_305 = arith.constant 2 : i32
    %get3A_306 = arith.index_cast %get3A_304 : i32 to index
    %get3A_307 = arith.index_cast %get3A_305 : i32 to index
    %get3A_308 = arith.constant 48 : index
    %get3A_309 = tpu.vector_load %arg10[%get3A_306, %get3A_307, %get3A_308] {strides = array<i32>} : memref<3x4x128xf32, #tpu.memory_space<vmem>>, vector<1x1x16xf32>,
    %get3A_310 = vector.shape_cast %get3A_309 : vector<1x1x16xf32> to vector<16xf32>
    %convert_element_type3A_311 = arith.fptosi %get3A_310 : vector<16xf32> to vector<16xi32>
    %swap3A_312 = arith.constant 0 : i32
    %swap3A_313 = arith.constant 2 : i32
    %swap3A_314 = arith.index_cast %swap3A_312 : i32 to index
    %swap3A_315 = arith.index_cast %swap3A_313 : i32 to index
    %swap3A_316 = arith.constant 48 : index
    %swap3A_317 = tpu.vector_load %arg9[%swap3A_314, %swap3A_315, %swap3A_316] {strides = array<i32>} : memref<3x4x128xi32, #tpu.memory_space<vmem>>, vector<1x1x16xi32>,
    %swap3A_318 = vector.shape_cast %swap3A_317 : vector<1x1x16xi32> to vector<16xi32>
    %swap3A_319 = vector.shape_cast %convert_element_type3A_311 : vector<16xi32> to vector<1x1x16xi32>
    tpu.vector_store %arg9[%swap3A_314, %swap3A_315, %swap3A_316], %swap3A_319 {strides = array<i32>} : memref<3x4x128xi32, #tpu.memory_space<vmem>>, vector<1x1x16xi32>,
    %get3A_320 = arith.constant 0 : i32
    %get3A_321 = arith.constant 2 : i32
    %get3A_322 = arith.index_cast %get3A_320 : i32 to index
    %get3A_323 = arith.index_cast %get3A_321 : i32 to index
    %get3A_324 = arith.constant 64 : index
    %get3A_325 = tpu.vector_load %arg10[%get3A_322, %get3A_323, %get3A_324] {strides = array<i32>} : memref<3x4x128xf32, #tpu.memory_space<vmem>>, vector<1x1x16xf32>,
    %get3A_326 = vector.shape_cast %get3A_325 : vector<1x1x16xf32> to vector<16xf32>
    %convert_element_type3A_327 = arith.fptosi %get3A_326 : vector<16xf32> to vector<16xi32>
    %swap3A_328 = arith.constant 0 : i32
    %swap3A_329 = arith.constant 2 : i32
    %swap3A_330 = arith.index_cast %swap3A_328 : i32 to index
    %swap3A_331 = arith.index_cast %swap3A_329 : i32 to index
    %swap3A_332 = arith.constant 64 : index
    %swap3A_333 = tpu.vector_load %arg9[%swap3A_330, %swap3A_331, %swap3A_332] {strides = array<i32>} : memref<3x4x128xi32, #tpu.memory_space<vmem>>, vector<1x1x16xi32>,
    %swap3A_334 = vector.shape_cast %swap3A_333 : vector<1x1x16xi32> to vector<16xi32>
    %swap3A_335 = vector.shape_cast %convert_element_type3A_327 : vector<16xi32> to vector<1x1x16xi32>
    tpu.vector_store %arg9[%swap3A_330, %swap3A_331, %swap3A_332], %swap3A_335 {strides = array<i32>} : memref<3x4x128xi32, #tpu.memory_space<vmem>>, vector<1x1x16xi32>,
    %get3A_336 = arith.constant 0 : i32
    %get3A_337 = arith.constant 2 : i32
    %get3A_338 = arith.index_cast %get3A_336 : i32 to index
    %get3A_339 = arith.index_cast %get3A_337 : i32 to index
    %get3A_340 = arith.constant 80 : index
    %get3A_341 = tpu.vector_load %arg10[%get3A_338, %get3A_339, %get3A_340] {strides = array<i32>} : memref<3x4x128xf32, #tpu.memory_space<vmem>>, vector<1x1x16xf32>,
    %get3A_342 = vector.shape_cast %get3A_341 : vector<1x1x16xf32> to vector<16xf32>
    %convert_element_type3A_343 = arith.fptosi %get3A_342 : vector<16xf32> to vector<16xi32>
    %swap3A_344 = arith.constant 0 : i32
    %swap3A_345 = arith.constant 2 : i32
    %swap3A_346 = arith.index_cast %swap3A_344 : i32 to index
    %swap3A_347 = arith.index_cast %swap3A_345 : i32 to index
    %swap3A_348 = arith.constant 80 : index
    %swap3A_349 = tpu.vector_load %arg9[%swap3A_346, %swap3A_347, %swap3A_348] {strides = array<i32>} : memref<3x4x128xi32, #tpu.memory_space<vmem>>, vector<1x1x16xi32>,
    %swap3A_350 = vector.shape_cast %swap3A_349 : vector<1x1x16xi32> to vector<16xi32>
    %swap3A_351 = vector.shape_cast %convert_element_type3A_343 : vector<16xi32> to vector<1x1x16xi32>
    tpu.vector_store %arg9[%swap3A_346, %swap3A_347, %swap3A_348], %swap3A_351 {strides = array<i32>} : memref<3x4x128xi32, #tpu.memory_space<vmem>>, vector<1x1x16xi32>,
    %get3A_352 = arith.constant 0 : i32
    %get3A_353 = arith.constant 2 : i32
    %get3A_354 = arith.index_cast %get3A_352 : i32 to index
    %get3A_355 = arith.index_cast %get3A_353 : i32 to index
    %get3A_356 = arith.constant 96 : index
    %get3A_357 = tpu.vector_load %arg10[%get3A_354, %get3A_355, %get3A_356] {strides = array<i32>} : memref<3x4x128xf32, #tpu.memory_space<vmem>>, vector<1x1x16xf32>,
    %get3A_358 = vector.shape_cast %get3A_357 : vector<1x1x16xf32> to vector<16xf32>
    %convert_element_type3A_359 = arith.fptosi %get3A_358 : vector<16xf32> to vector<16xi32>
    %swap3A_360 = arith.constant 0 : i32
    %swap3A_361 = arith.constant 2 : i32
    %swap3A_362 = arith.index_cast %swap3A_360 : i32 to index
    %swap3A_363 = arith.index_cast %swap3A_361 : i32 to index
    %swap3A_364 = arith.constant 96 : index
    %swap3A_365 = tpu.vector_load %arg9[%swap3A_362, %swap3A_363, %swap3A_364] {strides = array<i32>} : memref<3x4x128xi32, #tpu.memory_space<vmem>>, vector<1x1x16xi32>,
    %swap3A_366 = vector.shape_cast %swap3A_365 : vector<1x1x16xi32> to vector<16xi32>
    %swap3A_367 = vector.shape_cast %convert_element_type3A_359 : vector<16xi32> to vector<1x1x16xi32>
    tpu.vector_store %arg9[%swap3A_362, %swap3A_363, %swap3A_364], %swap3A_367 {strides = array<i32>} : memref<3x4x128xi32, #tpu.memory_space<vmem>>, vector<1x1x16xi32>,
    %get3A_368 = arith.constant 0 : i32
    %get3A_369 = arith.constant 2 : i32
    %get3A_370 = arith.index_cast %get3A_368 : i32 to index
    %get3A_371 = arith.index_cast %get3A_369 : i32 to index
    %get3A_372 = arith.constant 112 : index
    %get3A_373 = tpu.vector_load %arg10[%get3A_370, %get3A_371, %get3A_372] {strides = array<i32>} : memref<3x4x128xf32, #tpu.memory_space<vmem>>, vector<1x1x16xf32>,
    %get3A_374 = vector.shape_cast %get3A_373 : vector<1x1x16xf32> to vector<16xf32>
    %convert_element_type3A_375 = arith.fptosi %get3A_374 : vector<16xf32> to vector<16xi32>
    %swap3A_376 = arith.constant 0 : i32
    %swap3A_377 = arith.constant 2 : i32
    %swap3A_378 = arith.index_cast %swap3A_376 : i32 to index
    %swap3A_379 = arith.index_cast %swap3A_377 : i32 to index
    %swap3A_380 = arith.constant 112 : index
    %swap3A_381 = tpu.vector_load %arg9[%swap3A_378, %swap3A_379, %swap3A_380] {strides = array<i32>} : memref<3x4x128xi32, #tpu.memory_space<vmem>>, vector<1x1x16xi32>,
    %swap3A_382 = vector.shape_cast %swap3A_381 : vector<1x1x16xi32> to vector<16xi32>
    %swap3A_383 = vector.shape_cast %convert_element_type3A_375 : vector<16xi32> to vector<1x1x16xi32>
    tpu.vector_store %arg9[%swap3A_378, %swap3A_379, %swap3A_380], %swap3A_383 {strides = array<i32>} : memref<3x4x128xi32, #tpu.memory_space<vmem>>, vector<1x1x16xi32>,
    %get3A_384 = arith.constant 0 : i32
    %get3A_385 = arith.constant 3 : i32
    %get3A_386 = arith.index_cast %get3A_384 : i32 to index
    %get3A_387 = arith.index_cast %get3A_385 : i32 to index
    %get3A_388 = arith.constant 0 : index
    %get3A_389 = tpu.vector_load %arg10[%get3A_386, %get3A_387, %get3A_388] {strides = array<i32>} : memref<3x4x128xf32, #tpu.memory_space<vmem>>, vector<1x1x16xf32>,
    %get3A_390 = vector.shape_cast %get3A_389 : vector<1x1x16xf32> to vector<16xf32>
    %convert_element_type3A_391 = arith.fptosi %get3A_390 : vector<16xf32> to vector<16xi32>
    %swap3A_392 = arith.constant 0 : i32
    %swap3A_393 = arith.constant 3 : i32
    %swap3A_394 = arith.index_cast %swap3A_392 : i32 to index
    %swap3A_395 = arith.index_cast %swap3A_393 : i32 to index
    %swap3A_396 = arith.constant 0 : index
    %swap3A_397 = tpu.vector_load %arg9[%swap3A_394, %swap3A_395, %swap3A_396] {strides = array<i32>} : memref<3x4x128xi32, #tpu.memory_space<vmem>>, vector<1x1x16xi32>,
    %swap3A_398 = vector.shape_cast %swap3A_397 : vector<1x1x16xi32> to vector<16xi32>
    %swap3A_399 = vector.shape_cast %convert_element_type3A_391 : vector<16xi32> to vector<1x1x16xi32>
    tpu.vector_store %arg9[%swap3A_394, %swap3A_395, %swap3A_396], %swap3A_399 {strides = array<i32>} : memref<3x4x128xi32, #tpu.memory_space<vmem>>, vector<1x1x16xi32>,
    %get3A_400 = arith.constant 0 : i32
    %get3A_401 = arith.constant 3 : i32
    %get3A_402 = arith.index_cast %get3A_400 : i32 to index
    %get3A_403 = arith.index_cast %get3A_401 : i32 to index
    %get3A_404 = arith.constant 16 : index
    %get3A_405 = tpu.vector_load %arg10[%get3A_402, %get3A_403, %get3A_404] {strides = array<i32>} : memref<3x4x128xf32, #tpu.memory_space<vmem>>, vector<1x1x16xf32>,
    %get3A_406 = vector.shape_cast %get3A_405 : vector<1x1x16xf32> to vector<16xf32>
    %convert_element_type3A_407 = arith.fptosi %get3A_406 : vector<16xf32> to vector<16xi32>
    %swap3A_408 = arith.constant 0 : i32
    %swap3A_409 = arith.constant 3 : i32
    %swap3A_410 = arith.index_cast %swap3A_408 : i32 to index
    %swap3A_411 = arith.index_cast %swap3A_409 : i32 to index
    %swap3A_412 = arith.constant 16 : index
    %swap3A_413 = tpu.vector_load %arg9[%swap3A_410, %swap3A_411, %swap3A_412] {strides = array<i32>} : memref<3x4x128xi32, #tpu.memory_space<vmem>>, vector<1x1x16xi32>,
    %swap3A_414 = vector.shape_cast %swap3A_413 : vector<1x1x16xi32> to vector<16xi32>
    %swap3A_415 = vector.shape_cast %convert_element_type3A_407 : vector<16xi32> to vector<1x1x16xi32>
    tpu.vector_store %arg9[%swap3A_410, %swap3A_411, %swap3A_412], %swap3A_415 {strides = array<i32>} : memref<3x4x128xi32, #tpu.memory_space<vmem>>, vector<1x1x16xi32>,
    %get3A_416 = arith.constant 0 : i32
    %get3A_417 = arith.constant 3 : i32
    %get3A_418 = arith.index_cast %get3A_416 : i32 to index
    %get3A_419 = arith.index_cast %get3A_417 : i32 to index
    %get3A_420 = arith.constant 32 : index
    %get3A_421 = tpu.vector_load %arg10[%get3A_418, %get3A_419, %get3A_420] {strides = array<i32>} : memref<3x4x128xf32, #tpu.memory_space<vmem>>, vector<1x1x16xf32>,
    %get3A_422 = vector.shape_cast %get3A_421 : vector<1x1x16xf32> to vector<16xf32>
    %convert_element_type3A_423 = arith.fptosi %get3A_422 : vector<16xf32> to vector<16xi32>
    %swap3A_424 = arith.constant 0 : i32
    %swap3A_425 = arith.constant 3 : i32
    %swap3A_426 = arith.index_cast %swap3A_424 : i32 to index
    %swap3A_427 = arith.index_cast %swap3A_425 : i32 to index
    %swap3A_428 = arith.constant 32 : index
    %swap3A_429 = tpu.vector_load %arg9[%swap3A_426, %swap3A_427, %swap3A_428] {strides = array<i32>} : memref<3x4x128xi32, #tpu.memory_space<vmem>>, vector<1x1x16xi32>,
    %swap3A_430 = vector.shape_cast %swap3A_429 : vector<1x1x16xi32> to vector<16xi32>
    %swap3A_431 = vector.shape_cast %convert_element_type3A_423 : vector<16xi32> to vector<1x1x16xi32>
    tpu.vector_store %arg9[%swap3A_426, %swap3A_427, %swap3A_428], %swap3A_431 {strides = array<i32>} : memref<3x4x128xi32, #tpu.memory_space<vmem>>, vector<1x1x16xi32>,
    %get3A_432 = arith.constant 0 : i32
    %get3A_433 = arith.constant 3 : i32
    %get3A_434 = arith.index_cast %get3A_432 : i32 to index
    %get3A_435 = arith.index_cast %get3A_433 : i32 to index
    %get3A_436 = arith.constant 48 : index
    %get3A_437 = tpu.vector_load %arg10[%get3A_434, %get3A_435, %get3A_436] {strides = array<i32>} : memref<3x4x128xf32, #tpu.memory_space<vmem>>, vector<1x1x16xf32>,
    %get3A_438 = vector.shape_cast %get3A_437 : vector<1x1x16xf32> to vector<16xf32>
    %convert_element_type3A_439 = arith.fptosi %get3A_438 : vector<16xf32> to vector<16xi32>
    %swap3A_440 = arith.constant 0 : i32
    %swap3A_441 = arith.constant 3 : i32
    %swap3A_442 = arith.index_cast %swap3A_440 : i32 to index
    %swap3A_443 = arith.index_cast %swap3A_441 : i32 to index
    %swap3A_444 = arith.constant 48 : index
    %swap3A_445 = tpu.vector_load %arg9[%swap3A_442, %swap3A_443, %swap3A_444] {strides = array<i32>} : memref<3x4x128xi32, #tpu.memory_space<vmem>>, vector<1x1x16xi32>,
    %swap3A_446 = vector.shape_cast %swap3A_445 : vector<1x1x16xi32> to vector<16xi32>
    %swap3A_447 = vector.shape_cast %convert_element_type3A_439 : vector<16xi32> to vector<1x1x16xi32>
    tpu.vector_store %arg9[%swap3A_442, %swap3A_443, %swap3A_444], %swap3A_447 {strides = array<i32>} : memref<3x4x128xi32, #tpu.memory_space<vmem>>, vector<1x1x16xi32>,
    %get3A_448 = arith.constant 0 : i32
    %get3A_449 = arith.constant 3 : i32
    %get3A_450 = arith.index_cast %get3A_448 : i32 to index
    %get3A_451 = arith.index_cast %get3A_449 : i32 to index
    %get3A_452 = arith.constant 64 : index
    %get3A_453 = tpu.vector_load %arg10[%get3A_450, %get3A_451, %get3A_452] {strides = array<i32>} : memref<3x4x128xf32, #tpu.memory_space<vmem>>, vector<1x1x16xf32>,
    %get3A_454 = vector.shape_cast %get3A_453 : vector<1x1x16xf32> to vector<16xf32>
    %convert_element_type3A_455 = arith.fptosi %get3A_454 : vector<16xf32> to vector<16xi32>
    %swap3A_456 = arith.constant 0 : i32
    %swap3A_457 = arith.constant 3 : i32
    %swap3A_458 = arith.index_cast %swap3A_456 : i32 to index
    %swap3A_459 = arith.index_cast %swap3A_457 : i32 to index
    %swap3A_460 = arith.constant 64 : index
    %swap3A_461 = tpu.vector_load %arg9[%swap3A_458, %swap3A_459, %swap3A_460] {strides = array<i32>} : memref<3x4x128xi32, #tpu.memory_space<vmem>>, vector<1x1x16xi32>,
    %swap3A_462 = vector.shape_cast %swap3A_461 : vector<1x1x16xi32> to vector<16xi32>
    %swap3A_463 = vector.shape_cast %convert_element_type3A_455 : vector<16xi32> to vector<1x1x16xi32>
    tpu.vector_store %arg9[%swap3A_458, %swap3A_459, %swap3A_460], %swap3A_463 {strides = array<i32>} : memref<3x4x128xi32, #tpu.memory_space<vmem>>, vector<1x1x16xi32>,
    %get3A_464 = arith.constant 0 : i32
    %get3A_465 = arith.constant 3 : i32
    %get3A_466 = arith.index_cast %get3A_464 : i32 to index
    %get3A_467 = arith.index_cast %get3A_465 : i32 to index
    %get3A_468 = arith.constant 80 : index
    %get3A_469 = tpu.vector_load %arg10[%get3A_466, %get3A_467, %get3A_468] {strides = array<i32>} : memref<3x4x128xf32, #tpu.memory_space<vmem>>, vector<1x1x16xf32>,
    %get3A_470 = vector.shape_cast %get3A_469 : vector<1x1x16xf32> to vector<16xf32>
    %convert_element_type3A_471 = arith.fptosi %get3A_470 : vector<16xf32> to vector<16xi32>
    %swap3A_472 = arith.constant 0 : i32
    %swap3A_473 = arith.constant 3 : i32
    %swap3A_474 = arith.index_cast %swap3A_472 : i32 to index
    %swap3A_475 = arith.index_cast %swap3A_473 : i32 to index
    %swap3A_476 = arith.constant 80 : index
    %swap3A_477 = tpu.vector_load %arg9[%swap3A_474, %swap3A_475, %swap3A_476] {strides = array<i32>} : memref<3x4x128xi32, #tpu.memory_space<vmem>>, vector<1x1x16xi32>,
    %swap3A_478 = vector.shape_cast %swap3A_477 : vector<1x1x16xi32> to vector<16xi32>
    %swap3A_479 = vector.shape_cast %convert_element_type3A_471 : vector<16xi32> to vector<1x1x16xi32>
    tpu.vector_store %arg9[%swap3A_474, %swap3A_475, %swap3A_476], %swap3A_479 {strides = array<i32>} : memref<3x4x128xi32, #tpu.memory_space<vmem>>, vector<1x1x16xi32>,
    %get3A_480 = arith.constant 0 : i32
    %get3A_481 = arith.constant 3 : i32
    %get3A_482 = arith.index_cast %get3A_480 : i32 to index
    %get3A_483 = arith.index_cast %get3A_481 : i32 to index
    %get3A_484 = arith.constant 96 : index
    %get3A_485 = tpu.vector_load %arg10[%get3A_482, %get3A_483, %get3A_484] {strides = array<i32>} : memref<3x4x128xf32, #tpu.memory_space<vmem>>, vector<1x1x16xf32>,
    %get3A_486 = vector.shape_cast %get3A_485 : vector<1x1x16xf32> to vector<16xf32>
    %convert_element_type3A_487 = arith.fptosi %get3A_486 : vector<16xf32> to vector<16xi32>
    %swap3A_488 = arith.constant 0 : i32
    %swap3A_489 = arith.constant 3 : i32
    %swap3A_490 = arith.index_cast %swap3A_488 : i32 to index
    %swap3A_491 = arith.index_cast %swap3A_489 : i32 to index
    %swap3A_492 = arith.constant 96 : index
    %swap3A_493 = tpu.vector_load %arg9[%swap3A_490, %swap3A_491, %swap3A_492] {strides = array<i32>} : memref<3x4x128xi32, #tpu.memory_space<vmem>>, vector<1x1x16xi32>,
    %swap3A_494 = vector.shape_cast %swap3A_493 : vector<1x1x16xi32> to vector<16xi32>
    %swap3A_495 = vector.shape_cast %convert_element_type3A_487 : vector<16xi32> to vector<1x1x16xi32>
    tpu.vector_store %arg9[%swap3A_490, %swap3A_491, %swap3A_492], %swap3A_495 {strides = array<i32>} : memref<3x4x128xi32, #tpu.memory_space<vmem>>, vector<1x1x16xi32>,
    %get3A_496 = arith.constant 0 : i32
    %get3A_497 = arith.constant 3 : i32
    %get3A_498 = arith.index_cast %get3A_496 : i32 to index
    %get3A_499 = arith.index_cast %get3A_497 : i32 to index
    %get3A_500 = arith.constant 112 : index
    %get3A_501 = tpu.vector_load %arg10[%get3A_498, %get3A_499, %get3A_500] {strides = array<i32>} : memref<3x4x128xf32, #tpu.memory_space<vmem>>, vector<1x1x16xf32>,
    %get3A_502 = vector.shape_cast %get3A_501 : vector<1x1x16xf32> to vector<16xf32>
    %convert_element_type3A_503 = arith.fptosi %get3A_502 : vector<16xf32> to vector<16xi32>
    %swap3A_504 = arith.constant 0 : i32
    %swap3A_505 = arith.constant 3 : i32
    %swap3A_506 = arith.index_cast %swap3A_504 : i32 to index
    %swap3A_507 = arith.index_cast %swap3A_505 : i32 to index
    %swap3A_508 = arith.constant 112 : index
    %swap3A_509 = tpu.vector_load %arg9[%swap3A_506, %swap3A_507, %swap3A_508] {strides = array<i32>} : memref<3x4x128xi32, #tpu.memory_space<vmem>>, vector<1x1x16xi32>,
    %swap3A_510 = vector.shape_cast %swap3A_509 : vector<1x1x16xi32> to vector<16xi32>
    %swap3A_511 = vector.shape_cast %convert_element_type3A_503 : vector<16xi32> to vector<1x1x16xi32>
    tpu.vector_store %arg9[%swap3A_506, %swap3A_507, %swap3A_508], %swap3A_511 {strides = array<i32>} : memref<3x4x128xi32, #tpu.memory_space<vmem>>, vector<1x1x16xi32>,
    %get3A_512 = arith.constant 1 : i32
    %get3A_513 = arith.constant 0 : i32
    %get3A_514 = arith.index_cast %get3A_512 : i32 to index
    %get3A_515 = arith.index_cast %get3A_513 : i32 to index
    %get3A_516 = arith.constant 0 : index
    %get3A_517 = tpu.vector_load %arg10[%get3A_514, %get3A_515, %get3A_516] {strides = array<i32>} : memref<3x4x128xf32, #tpu.memory_space<vmem>>, vector<1x1x16xf32>,
    %get3A_518 = vector.shape_cast %get3A_517 : vector<1x1x16xf32> to vector<16xf32>
    %convert_element_type3A_519 = arith.fptosi %get3A_518 : vector<16xf32> to vector<16xi32>
    %swap3A_520 = arith.constant 1 : i32
    %swap3A_521 = arith.constant 0 : i32
    %swap3A_522 = arith.index_cast %swap3A_520 : i32 to index
    %swap3A_523 = arith.index_cast %swap3A_521 : i32 to index
    %swap3A_524 = arith.constant 0 : index
    %swap3A_525 = tpu.vector_load %arg9[%swap3A_522, %swap3A_523, %swap3A_524] {strides = array<i32>} : memref<3x4x128xi32, #tpu.memory_space<vmem>>, vector<1x1x16xi32>,
    %swap3A_526 = vector.shape_cast %swap3A_525 : vector<1x1x16xi32> to vector<16xi32>
    %swap3A_527 = vector.shape_cast %convert_element_type3A_519 : vector<16xi32> to vector<1x1x16xi32>
    tpu.vector_store %arg9[%swap3A_522, %swap3A_523, %swap3A_524], %swap3A_527 {strides = array<i32>} : memref<3x4x128xi32, #tpu.memory_space<vmem>>, vector<1x1x16xi32>,
    %get3A_528 = arith.constant 1 : i32
    %get3A_529 = arith.constant 0 : i32
    %get3A_530 = arith.index_cast %get3A_528 : i32 to index
    %get3A_531 = arith.index_cast %get3A_529 : i32 to index
    %get3A_532 = arith.constant 16 : index
    %get3A_533 = tpu.vector_load %arg10[%get3A_530, %get3A_531, %get3A_532] {strides = array<i32>} : memref<3x4x128xf32, #tpu.memory_space<vmem>>, vector<1x1x16xf32>,
    %get3A_534 = vector.shape_cast %get3A_533 : vector<1x1x16xf32> to vector<16xf32>
    %convert_element_type3A_535 = arith.fptosi %get3A_534 : vector<16xf32> to vector<16xi32>
    %swap3A_536 = arith.constant 1 : i32
    %swap3A_537 = arith.constant 0 : i32
    %swap3A_538 = arith.index_cast %swap3A_536 : i32 to index
    %swap3A_539 = arith.index_cast %swap3A_537 : i32 to index
    %swap3A_540 = arith.constant 16 : index
    %swap3A_541 = tpu.vector_load %arg9[%swap3A_538, %swap3A_539, %swap3A_540] {strides = array<i32>} : memref<3x4x128xi32, #tpu.memory_space<vmem>>, vector<1x1x16xi32>,
    %swap3A_542 = vector.shape_cast %swap3A_541 : vector<1x1x16xi32> to vector<16xi32>
    %swap3A_543 = vector.shape_cast %convert_element_type3A_535 : vector<16xi32> to vector<1x1x16xi32>
    tpu.vector_store %arg9[%swap3A_538, %swap3A_539, %swap3A_540], %swap3A_543 {strides = array<i32>} : memref<3x4x128xi32, #tpu.memory_space<vmem>>, vector<1x1x16xi32>,
    %get3A_544 = arith.constant 1 : i32
    %get3A_545 = arith.constant 0 : i32
    %get3A_546 = arith.index_cast %get3A_544 : i32 to index
    %get3A_547 = arith.index_cast %get3A_545 : i32 to index
    %get3A_548 = arith.constant 32 : index
    %get3A_549 = tpu.vector_load %arg10[%get3A_546, %get3A_547, %get3A_548] {strides = array<i32>} : memref<3x4x128xf32, #tpu.memory_space<vmem>>, vector<1x1x16xf32>,
    %get3A_550 = vector.shape_cast %get3A_549 : vector<1x1x16xf32> to vector<16xf32>
    %convert_element_type3A_551 = arith.fptosi %get3A_550 : vector<16xf32> to vector<16xi32>
    %swap3A_552 = arith.constant 1 : i32
    %swap3A_553 = arith.constant 0 : i32
    %swap3A_554 = arith.index_cast %swap3A_552 : i32 to index
    %swap3A_555 = arith.index_cast %swap3A_553 : i32 to index
    %swap3A_556 = arith.constant 32 : index
    %swap3A_557 = tpu.vector_load %arg9[%swap3A_554, %swap3A_555, %swap3A_556] {strides = array<i32>} : memref<3x4x128xi32, #tpu.memory_space<vmem>>, vector<1x1x16xi32>,
    %swap3A_558 = vector.shape_cast %swap3A_557 : vector<1x1x16xi32> to vector<16xi32>
    %swap3A_559 = vector.shape_cast %convert_element_type3A_551 : vector<16xi32> to vector<1x1x16xi32>
    tpu.vector_store %arg9[%swap3A_554, %swap3A_555, %swap3A_556], %swap3A_559 {strides = array<i32>} : memref<3x4x128xi32, #tpu.memory_space<vmem>>, vector<1x1x16xi32>,
    %get3A_560 = arith.constant 1 : i32
    %get3A_561 = arith.constant 0 : i32
    %get3A_562 = arith.index_cast %get3A_560 : i32 to index
    %get3A_563 = arith.index_cast %get3A_561 : i32 to index
    %get3A_564 = arith.constant 48 : index
    %get3A_565 = tpu.vector_load %arg10[%get3A_562, %get3A_563, %get3A_564] {strides = array<i32>} : memref<3x4x128xf32, #tpu.memory_space<vmem>>, vector<1x1x16xf32>,
    %get3A_566 = vector.shape_cast %get3A_565 : vector<1x1x16xf32> to vector<16xf32>
    %convert_element_type3A_567 = arith.fptosi %get3A_566 : vector<16xf32> to vector<16xi32>
    %swap3A_568 = arith.constant 1 : i32
    %swap3A_569 = arith.constant 0 : i32
    %swap3A_570 = arith.index_cast %swap3A_568 : i32 to index
    %swap3A_571 = arith.index_cast %swap3A_569 : i32 to index
    %swap3A_572 = arith.constant 48 : index
    %swap3A_573 = tpu.vector_load %arg9[%swap3A_570, %swap3A_571, %swap3A_572] {strides = array<i32>} : memref<3x4x128xi32, #tpu.memory_space<vmem>>, vector<1x1x16xi32>,
    %swap3A_574 = vector.shape_cast %swap3A_573 : vector<1x1x16xi32> to vector<16xi32>
    %swap3A_575 = vector.shape_cast %convert_element_type3A_567 : vector<16xi32> to vector<1x1x16xi32>
    tpu.vector_store %arg9[%swap3A_570, %swap3A_571, %swap3A_572], %swap3A_575 {strides = array<i32>} : memref<3x4x128xi32, #tpu.memory_space<vmem>>, vector<1x1x16xi32>,
    %get3A_576 = arith.constant 1 : i32
    %get3A_577 = arith.constant 0 : i32
    %get3A_578 = arith.index_cast %get3A_576 : i32 to index
    %get3A_579 = arith.index_cast %get3A_577 : i32 to index
    %get3A_580 = arith.constant 64 : index
    %get3A_581 = tpu.vector_load %arg10[%get3A_578, %get3A_579, %get3A_580] {strides = array<i32>} : memref<3x4x128xf32, #tpu.memory_space<vmem>>, vector<1x1x16xf32>,
    %get3A_582 = vector.shape_cast %get3A_581 : vector<1x1x16xf32> to vector<16xf32>
    %convert_element_type3A_583 = arith.fptosi %get3A_582 : vector<16xf32> to vector<16xi32>
    %swap3A_584 = arith.constant 1 : i32
    %swap3A_585 = arith.constant 0 : i32
    %swap3A_586 = arith.index_cast %swap3A_584 : i32 to index
    %swap3A_587 = arith.index_cast %swap3A_585 : i32 to index
    %swap3A_588 = arith.constant 64 : index
    %swap3A_589 = tpu.vector_load %arg9[%swap3A_586, %swap3A_587, %swap3A_588] {strides = array<i32>} : memref<3x4x128xi32, #tpu.memory_space<vmem>>, vector<1x1x16xi32>,
    %swap3A_590 = vector.shape_cast %swap3A_589 : vector<1x1x16xi32> to vector<16xi32>
    %swap3A_591 = vector.shape_cast %convert_element_type3A_583 : vector<16xi32> to vector<1x1x16xi32>
    tpu.vector_store %arg9[%swap3A_586, %swap3A_587, %swap3A_588], %swap3A_591 {strides = array<i32>} : memref<3x4x128xi32, #tpu.memory_space<vmem>>, vector<1x1x16xi32>,
    %get3A_592 = arith.constant 1 : i32
    %get3A_593 = arith.constant 0 : i32
    %get3A_594 = arith.index_cast %get3A_592 : i32 to index
    %get3A_595 = arith.index_cast %get3A_593 : i32 to index
    %get3A_596 = arith.constant 80 : index
    %get3A_597 = tpu.vector_load %arg10[%get3A_594, %get3A_595, %get3A_596] {strides = array<i32>} : memref<3x4x128xf32, #tpu.memory_space<vmem>>, vector<1x1x16xf32>,
    %get3A_598 = vector.shape_cast %get3A_597 : vector<1x1x16xf32> to vector<16xf32>
    %convert_element_type3A_599 = arith.fptosi %get3A_598 : vector<16xf32> to vector<16xi32>
    %swap3A_600 = arith.constant 1 : i32
    %swap3A_601 = arith.constant 0 : i32
    %swap3A_602 = arith.index_cast %swap3A_600 : i32 to index
    %swap3A_603 = arith.index_cast %swap3A_601 : i32 to index
    %swap3A_604 = arith.constant 80 : index
    %swap3A_605 = tpu.vector_load %arg9[%swap3A_602, %swap3A_603, %swap3A_604] {strides = array<i32>} : memref<3x4x128xi32, #tpu.memory_space<vmem>>, vector<1x1x16xi32>,
    %swap3A_606 = vector.shape_cast %swap3A_605 : vector<1x1x16xi32> to vector<16xi32>
    %swap3A_607 = vector.shape_cast %convert_element_type3A_599 : vector<16xi32> to vector<1x1x16xi32>
    tpu.vector_store %arg9[%swap3A_602, %swap3A_603, %swap3A_604], %swap3A_607 {strides = array<i32>} : memref<3x4x128xi32, #tpu.memory_space<vmem>>, vector<1x1x16xi32>,
    %get3A_608 = arith.constant 1 : i32
    %get3A_609 = arith.constant 0 : i32
    %get3A_610 = arith.index_cast %get3A_608 : i32 to index
    %get3A_611 = arith.index_cast %get3A_609 : i32 to index
    %get3A_612 = arith.constant 96 : index
    %get3A_613 = tpu.vector_load %arg10[%get3A_610, %get3A_611, %get3A_612] {strides = array<i32>} : memref<3x4x128xf32, #tpu.memory_space<vmem>>, vector<1x1x16xf32>,
    %get3A_614 = vector.shape_cast %get3A_613 : vector<1x1x16xf32> to vector<16xf32>
    %convert_element_type3A_615 = arith.fptosi %get3A_614 : vector<16xf32> to vector<16xi32>
    %swap3A_616 = arith.constant 1 : i32
    %swap3A_617 = arith.constant 0 : i32
    %swap3A_618 = arith.index_cast %swap3A_616 : i32 to index
    %swap3A_619 = arith.index_cast %swap3A_617 : i32 to index
    %swap3A_620 = arith.constant 96 : index
    %swap3A_621 = tpu.vector_load %arg9[%swap3A_618, %swap3A_619, %swap3A_620] {strides = array<i32>} : memref<3x4x128xi32, #tpu.memory_space<vmem>>, vector<1x1x16xi32>,
    %swap3A_622 = vector.shape_cast %swap3A_621 : vector<1x1x16xi32> to vector<16xi32>
    %swap3A_623 = vector.shape_cast %convert_element_type3A_615 : vector<16xi32> to vector<1x1x16xi32>
    tpu.vector_store %arg9[%swap3A_618, %swap3A_619, %swap3A_620], %swap3A_623 {strides = array<i32>} : memref<3x4x128xi32, #tpu.memory_space<vmem>>, vector<1x1x16xi32>,
    %get3A_624 = arith.constant 1 : i32
    %get3A_625 = arith.constant 0 : i32
    %get3A_626 = arith.index_cast %get3A_624 : i32 to index
    %get3A_627 = arith.index_cast %get3A_625 : i32 to index
    %get3A_628 = arith.constant 112 : index
    %get3A_629 = tpu.vector_load %arg10[%get3A_626, %get3A_627, %get3A_628] {strides = array<i32>} : memref<3x4x128xf32, #tpu.memory_space<vmem>>, vector<1x1x16xf32>,
    %get3A_630 = vector.shape_cast %get3A_629 : vector<1x1x16xf32> to vector<16xf32>
    %convert_element_type3A_631 = arith.fptosi %get3A_630 : vector<16xf32> to vector<16xi32>
    %swap3A_632 = arith.constant 1 : i32
    %swap3A_633 = arith.constant 0 : i32
    %swap3A_634 = arith.index_cast %swap3A_632 : i32 to index
    %swap3A_635 = arith.index_cast %swap3A_633 : i32 to index
    %swap3A_636 = arith.constant 112 : index
    %swap3A_637 = tpu.vector_load %arg9[%swap3A_634, %swap3A_635, %swap3A_636] {strides = array<i32>} : memref<3x4x128xi32, #tpu.memory_space<vmem>>, vector<1x1x16xi32>,
    %swap3A_638 = vector.shape_cast %swap3A_637 : vector<1x1x16xi32> to vector<16xi32>
    %swap3A_639 = vector.shape_cast %convert_element_type3A_631 : vector<16xi32> to vector<1x1x16xi32>
    tpu.vector_store %arg9[%swap3A_634, %swap3A_635, %swap3A_636], %swap3A_639 {strides = array<i32>} : memref<3x4x128xi32, #tpu.memory_space<vmem>>, vector<1x1x16xi32>,
    %get3A_640 = arith.constant 1 : i32
    %get3A_641 = arith.constant 1 : i32
    %get3A_642 = arith.index_cast %get3A_640 : i32 to index
    %get3A_643 = arith.index_cast %get3A_641 : i32 to index
    %get3A_644 = arith.constant 0 : index
    %get3A_645 = tpu.vector_load %arg10[%get3A_642, %get3A_643, %get3A_644] {strides = array<i32>} : memref<3x4x128xf32, #tpu.memory_space<vmem>>, vector<1x1x16xf32>,
    %get3A_646 = vector.shape_cast %get3A_645 : vector<1x1x16xf32> to vector<16xf32>
    %convert_element_type3A_647 = arith.fptosi %get3A_646 : vector<16xf32> to vector<16xi32>
    %swap3A_648 = arith.constant 1 : i32
    %swap3A_649 = arith.constant 1 : i32
    %swap3A_650 = arith.index_cast %swap3A_648 : i32 to index
    %swap3A_651 = arith.index_cast %swap3A_649 : i32 to index
    %swap3A_652 = arith.constant 0 : index
    %swap3A_653 = tpu.vector_load %arg9[%swap3A_650, %swap3A_651, %swap3A_652] {strides = array<i32>} : memref<3x4x128xi32, #tpu.memory_space<vmem>>, vector<1x1x16xi32>,
    %swap3A_654 = vector.shape_cast %swap3A_653 : vector<1x1x16xi32> to vector<16xi32>
    %swap3A_655 = vector.shape_cast %convert_element_type3A_647 : vector<16xi32> to vector<1x1x16xi32>
    tpu.vector_store %arg9[%swap3A_650, %swap3A_651, %swap3A_652], %swap3A_655 {strides = array<i32>} : memref<3x4x128xi32, #tpu.memory_space<vmem>>, vector<1x1x16xi32>,
    %get3A_656 = arith.constant 1 : i32
    %get3A_657 = arith.constant 1 : i32
    %get3A_658 = arith.index_cast %get3A_656 : i32 to index
    %get3A_659 = arith.index_cast %get3A_657 : i32 to index
    %get3A_660 = arith.constant 16 : index
    %get3A_661 = tpu.vector_load %arg10[%get3A_658, %get3A_659, %get3A_660] {strides = array<i32>} : memref<3x4x128xf32, #tpu.memory_space<vmem>>, vector<1x1x16xf32>,
    %get3A_662 = vector.shape_cast %get3A_661 : vector<1x1x16xf32> to vector<16xf32>
    %convert_element_type3A_663 = arith.fptosi %get3A_662 : vector<16xf32> to vector<16xi32>
    %swap3A_664 = arith.constant 1 : i32
    %swap3A_665 = arith.constant 1 : i32
    %swap3A_666 = arith.index_cast %swap3A_664 : i32 to index
    %swap3A_667 = arith.index_cast %swap3A_665 : i32 to index
    %swap3A_668 = arith.constant 16 : index
    %swap3A_669 = tpu.vector_load %arg9[%swap3A_666, %swap3A_667, %swap3A_668] {strides = array<i32>} : memref<3x4x128xi32, #tpu.memory_space<vmem>>, vector<1x1x16xi32>,
    %swap3A_670 = vector.shape_cast %swap3A_669 : vector<1x1x16xi32> to vector<16xi32>
    %swap3A_671 = vector.shape_cast %convert_element_type3A_663 : vector<16xi32> to vector<1x1x16xi32>
    tpu.vector_store %arg9[%swap3A_666, %swap3A_667, %swap3A_668], %swap3A_671 {strides = array<i32>} : memref<3x4x128xi32, #tpu.memory_space<vmem>>, vector<1x1x16xi32>,
    %get3A_672 = arith.constant 1 : i32
    %get3A_673 = arith.constant 1 : i32
    %get3A_674 = arith.index_cast %get3A_672 : i32 to index
    %get3A_675 = arith.index_cast %get3A_673 : i32 to index
    %get3A_676 = arith.constant 32 : index
    %get3A_677 = tpu.vector_load %arg10[%get3A_674, %get3A_675, %get3A_676] {strides = array<i32>} : memref<3x4x128xf32, #tpu.memory_space<vmem>>, vector<1x1x16xf32>,
    %get3A_678 = vector.shape_cast %get3A_677 : vector<1x1x16xf32> to vector<16xf32>
    %convert_element_type3A_679 = arith.fptosi %get3A_678 : vector<16xf32> to vector<16xi32>
    %swap3A_680 = arith.constant 1 : i32
    %swap3A_681 = arith.constant 1 : i32
    %swap3A_682 = arith.index_cast %swap3A_680 : i32 to index
    %swap3A_683 = arith.index_cast %swap3A_681 : i32 to index
    %swap3A_684 = arith.constant 32 : index
    %swap3A_685 = tpu.vector_load %arg9[%swap3A_682, %swap3A_683, %swap3A_684] {strides = array<i32>} : memref<3x4x128xi32, #tpu.memory_space<vmem>>, vector<1x1x16xi32>,
    %swap3A_686 = vector.shape_cast %swap3A_685 : vector<1x1x16xi32> to vector<16xi32>
    %swap3A_687 = vector.shape_cast %convert_element_type3A_679 : vector<16xi32> to vector<1x1x16xi32>
    tpu.vector_store %arg9[%swap3A_682, %swap3A_683, %swap3A_684], %swap3A_687 {strides = array<i32>} : memref<3x4x128xi32, #tpu.memory_space<vmem>>, vector<1x1x16xi32>,
    %get3A_688 = arith.constant 1 : i32
    %get3A_689 = arith.constant 1 : i32
    %get3A_690 = arith.index_cast %get3A_688 : i32 to index
    %get3A_691 = arith.index_cast %get3A_689 : i32 to index
    %get3A_692 = arith.constant 48 : index
    %get3A_693 = tpu.vector_load %arg10[%get3A_690, %get3A_691, %get3A_692] {strides = array<i32>} : memref<3x4x128xf32, #tpu.memory_space<vmem>>, vector<1x1x16xf32>,
    %get3A_694 = vector.shape_cast %get3A_693 : vector<1x1x16xf32> to vector<16xf32>
    %convert_element_type3A_695 = arith.fptosi %get3A_694 : vector<16xf32> to vector<16xi32>
    %swap3A_696 = arith.constant 1 : i32
    %swap3A_697 = arith.constant 1 : i32
    %swap3A_698 = arith.index_cast %swap3A_696 : i32 to index
    %swap3A_699 = arith.index_cast %swap3A_697 : i32 to index
    %swap3A_700 = arith.constant 48 : index
    %swap3A_701 = tpu.vector_load %arg9[%swap3A_698, %swap3A_699, %swap3A_700] {strides = array<i32>} : memref<3x4x128xi32, #tpu.memory_space<vmem>>, vector<1x1x16xi32>,
    %swap3A_702 = vector.shape_cast %swap3A_701 : vector<1x1x16xi32> to vector<16xi32>
    %swap3A_703 = vector.shape_cast %convert_element_type3A_695 : vector<16xi32> to vector<1x1x16xi32>
    tpu.vector_store %arg9[%swap3A_698, %swap3A_699, %swap3A_700], %swap3A_703 {strides = array<i32>} : memref<3x4x128xi32, #tpu.memory_space<vmem>>, vector<1x1x16xi32>,
    %get3A_704 = arith.constant 1 : i32
    %get3A_705 = arith.constant 1 : i32
    %get3A_706 = arith.index_cast %get3A_704 : i32 to index
    %get3A_707 = arith.index_cast %get3A_705 : i32 to index
    %get3A_708 = arith.constant 64 : index
    %get3A_709 = tpu.vector_load %arg10[%get3A_706, %get3A_707, %get3A_708] {strides = array<i32>} : memref<3x4x128xf32, #tpu.memory_space<vmem>>, vector<1x1x16xf32>,
    %get3A_710 = vector.shape_cast %get3A_709 : vector<1x1x16xf32> to vector<16xf32>
    %convert_element_type3A_711 = arith.fptosi %get3A_710 : vector<16xf32> to vector<16xi32>
    %swap3A_712 = arith.constant 1 : i32
    %swap3A_713 = arith.constant 1 : i32
    %swap3A_714 = arith.index_cast %swap3A_712 : i32 to index
    %swap3A_715 = arith.index_cast %swap3A_713 : i32 to index
    %swap3A_716 = arith.constant 64 : index
    %swap3A_717 = tpu.vector_load %arg9[%swap3A_714, %swap3A_715, %swap3A_716] {strides = array<i32>} : memref<3x4x128xi32, #tpu.memory_space<vmem>>, vector<1x1x16xi32>,
    %swap3A_718 = vector.shape_cast %swap3A_717 : vector<1x1x16xi32> to vector<16xi32>
    %swap3A_719 = vector.shape_cast %convert_element_type3A_711 : vector<16xi32> to vector<1x1x16xi32>
    tpu.vector_store %arg9[%swap3A_714, %swap3A_715, %swap3A_716], %swap3A_719 {strides = array<i32>} : memref<3x4x128xi32, #tpu.memory_space<vmem>>, vector<1x1x16xi32>,
    %get3A_720 = arith.constant 1 : i32
    %get3A_721 = arith.constant 1 : i32
    %get3A_722 = arith.index_cast %get3A_720 : i32 to index
    %get3A_723 = arith.index_cast %get3A_721 : i32 to index
    %get3A_724 = arith.constant 80 : index
    %get3A_725 = tpu.vector_load %arg10[%get3A_722, %get3A_723, %get3A_724] {strides = array<i32>} : memref<3x4x128xf32, #tpu.memory_space<vmem>>, vector<1x1x16xf32>,
    %get3A_726 = vector.shape_cast %get3A_725 : vector<1x1x16xf32> to vector<16xf32>
    %convert_element_type3A_727 = arith.fptosi %get3A_726 : vector<16xf32> to vector<16xi32>
    %swap3A_728 = arith.constant 1 : i32
    %swap3A_729 = arith.constant 1 : i32
    %swap3A_730 = arith.index_cast %swap3A_728 : i32 to index
    %swap3A_731 = arith.index_cast %swap3A_729 : i32 to index
    %swap3A_732 = arith.constant 80 : index
    %swap3A_733 = tpu.vector_load %arg9[%swap3A_730, %swap3A_731, %swap3A_732] {strides = array<i32>} : memref<3x4x128xi32, #tpu.memory_space<vmem>>, vector<1x1x16xi32>,
    %swap3A_734 = vector.shape_cast %swap3A_733 : vector<1x1x16xi32> to vector<16xi32>
    %swap3A_735 = vector.shape_cast %convert_element_type3A_727 : vector<16xi32> to vector<1x1x16xi32>
    tpu.vector_store %arg9[%swap3A_730, %swap3A_731, %swap3A_732], %swap3A_735 {strides = array<i32>} : memref<3x4x128xi32, #tpu.memory_space<vmem>>, vector<1x1x16xi32>,
    %get3A_736 = arith.constant 1 : i32
    %get3A_737 = arith.constant 1 : i32
    %get3A_738 = arith.index_cast %get3A_736 : i32 to index
    %get3A_739 = arith.index_cast %get3A_737 : i32 to index
    %get3A_740 = arith.constant 96 : index
    %get3A_741 = tpu.vector_load %arg10[%get3A_738, %get3A_739, %get3A_740] {strides = array<i32>} : memref<3x4x128xf32, #tpu.memory_space<vmem>>, vector<1x1x16xf32>,
    %get3A_742 = vector.shape_cast %get3A_741 : vector<1x1x16xf32> to vector<16xf32>
    %convert_element_type3A_743 = arith.fptosi %get3A_742 : vector<16xf32> to vector<16xi32>
    %swap3A_744 = arith.constant 1 : i32
    %swap3A_745 = arith.constant 1 : i32
    %swap3A_746 = arith.index_cast %swap3A_744 : i32 to index
    %swap3A_747 = arith.index_cast %swap3A_745 : i32 to index
    %swap3A_748 = arith.constant 96 : index
    %swap3A_749 = tpu.vector_load %arg9[%swap3A_746, %swap3A_747, %swap3A_748] {strides = array<i32>} : memref<3x4x128xi32, #tpu.memory_space<vmem>>, vector<1x1x16xi32>,
    %swap3A_750 = vector.shape_cast %swap3A_749 : vector<1x1x16xi32> to vector<16xi32>
    %swap3A_751 = vector.shape_cast %convert_element_type3A_743 : vector<16xi32> to vector<1x1x16xi32>
    tpu.vector_store %arg9[%swap3A_746, %swap3A_747, %swap3A_748], %swap3A_751 {strides = array<i32>} : memref<3x4x128xi32, #tpu.memory_space<vmem>>, vector<1x1x16xi32>,
    %get3A_752 = arith.constant 1 : i32
    %get3A_753 = arith.constant 1 : i32
    %get3A_754 = arith.index_cast %get3A_752 : i32 to index
    %get3A_755 = arith.index_cast %get3A_753 : i32 to index
    %get3A_756 = arith.constant 112 : index
    %get3A_757 = tpu.vector_load %arg10[%get3A_754, %get3A_755, %get3A_756] {strides = array<i32>} : memref<3x4x128xf32, #tpu.memory_space<vmem>>, vector<1x1x16xf32>,
    %get3A_758 = vector.shape_cast %get3A_757 : vector<1x1x16xf32> to vector<16xf32>
    %convert_element_type3A_759 = arith.fptosi %get3A_758 : vector<16xf32> to vector<16xi32>
    %swap3A_760 = arith.constant 1 : i32
    %swap3A_761 = arith.constant 1 : i32
    %swap3A_762 = arith.index_cast %swap3A_760 : i32 to index
    %swap3A_763 = arith.index_cast %swap3A_761 : i32 to index
    %swap3A_764 = arith.constant 112 : index
    %swap3A_765 = tpu.vector_load %arg9[%swap3A_762, %swap3A_763, %swap3A_764] {strides = array<i32>} : memref<3x4x128xi32, #tpu.memory_space<vmem>>, vector<1x1x16xi32>,
    %swap3A_766 = vector.shape_cast %swap3A_765 : vector<1x1x16xi32> to vector<16xi32>
    %swap3A_767 = vector.shape_cast %convert_element_type3A_759 : vector<16xi32> to vector<1x1x16xi32>
    tpu.vector_store %arg9[%swap3A_762, %swap3A_763, %swap3A_764], %swap3A_767 {strides = array<i32>} : memref<3x4x128xi32, #tpu.memory_space<vmem>>, vector<1x1x16xi32>,
    %get3A_768 = arith.constant 1 : i32
    %get3A_769 = arith.constant 2 : i32
    %get3A_770 = arith.index_cast %get3A_768 : i32 to index
    %get3A_771 = arith.index_cast %get3A_769 : i32 to index
    %get3A_772 = arith.constant 0 : index
    %get3A_773 = tpu.vector_load %arg10[%get3A_770, %get3A_771, %get3A_772] {strides = array<i32>} : memref<3x4x128xf32, #tpu.memory_space<vmem>>, vector<1x1x16xf32>,
    %get3A_774 = vector.shape_cast %get3A_773 : vector<1x1x16xf32> to vector<16xf32>
    %convert_element_type3A_775 = arith.fptosi %get3A_774 : vector<16xf32> to vector<16xi32>
    %swap3A_776 = arith.constant 1 : i32
    %swap3A_777 = arith.constant 2 : i32
    %swap3A_778 = arith.index_cast %swap3A_776 : i32 to index
    %swap3A_779 = arith.index_cast %swap3A_777 : i32 to index
    %swap3A_780 = arith.constant 0 : index
    %swap3A_781 = tpu.vector_load %arg9[%swap3A_778, %swap3A_779, %swap3A_780] {strides = array<i32>} : memref<3x4x128xi32, #tpu.memory_space<vmem>>, vector<1x1x16xi32>,
    %swap3A_782 = vector.shape_cast %swap3A_781 : vector<1x1x16xi32> to vector<16xi32>
    %swap3A_783 = vector.shape_cast %convert_element_type3A_775 : vector<16xi32> to vector<1x1x16xi32>
    tpu.vector_store %arg9[%swap3A_778, %swap3A_779, %swap3A_780], %swap3A_783 {strides = array<i32>} : memref<3x4x128xi32, #tpu.memory_space<vmem>>, vector<1x1x16xi32>,
    %get3A_784 = arith.constant 1 : i32
    %get3A_785 = arith.constant 2 : i32
    %get3A_786 = arith.index_cast %get3A_784 : i32 to index
    %get3A_787 = arith.index_cast %get3A_785 : i32 to index
    %get3A_788 = arith.constant 16 : index
    %get3A_789 = tpu.vector_load %arg10[%get3A_786, %get3A_787, %get3A_788] {strides = array<i32>} : memref<3x4x128xf32, #tpu.memory_space<vmem>>, vector<1x1x16xf32>,
    %get3A_790 = vector.shape_cast %get3A_789 : vector<1x1x16xf32> to vector<16xf32>
    %convert_element_type3A_791 = arith.fptosi %get3A_790 : vector<16xf32> to vector<16xi32>
    %swap3A_792 = arith.constant 1 : i32
    %swap3A_793 = arith.constant 2 : i32
    %swap3A_794 = arith.index_cast %swap3A_792 : i32 to index
    %swap3A_795 = arith.index_cast %swap3A_793 : i32 to index
    %swap3A_796 = arith.constant 16 : index
    %swap3A_797 = tpu.vector_load %arg9[%swap3A_794, %swap3A_795, %swap3A_796] {strides = array<i32>} : memref<3x4x128xi32, #tpu.memory_space<vmem>>, vector<1x1x16xi32>,
    %swap3A_798 = vector.shape_cast %swap3A_797 : vector<1x1x16xi32> to vector<16xi32>
    %swap3A_799 = vector.shape_cast %convert_element_type3A_791 : vector<16xi32> to vector<1x1x16xi32>
    tpu.vector_store %arg9[%swap3A_794, %swap3A_795, %swap3A_796], %swap3A_799 {strides = array<i32>} : memref<3x4x128xi32, #tpu.memory_space<vmem>>, vector<1x1x16xi32>,
    %get3A_800 = arith.constant 1 : i32
    %get3A_801 = arith.constant 2 : i32
    %get3A_802 = arith.index_cast %get3A_800 : i32 to index
    %get3A_803 = arith.index_cast %get3A_801 : i32 to index
    %get3A_804 = arith.constant 32 : index
    %get3A_805 = tpu.vector_load %arg10[%get3A_802, %get3A_803, %get3A_804] {strides = array<i32>} : memref<3x4x128xf32, #tpu.memory_space<vmem>>, vector<1x1x16xf32>,
    %get3A_806 = vector.shape_cast %get3A_805 : vector<1x1x16xf32> to vector<16xf32>
    %convert_element_type3A_807 = arith.fptosi %get3A_806 : vector<16xf32> to vector<16xi32>
    %swap3A_808 = arith.constant 1 : i32
    %swap3A_809 = arith.constant 2 : i32
    %swap3A_810 = arith.index_cast %swap3A_808 : i32 to index
    %swap3A_811 = arith.index_cast %swap3A_809 : i32 to index
    %swap3A_812 = arith.constant 32 : index
    %swap3A_813 = tpu.vector_load %arg9[%swap3A_810, %swap3A_811, %swap3A_812] {strides = array<i32>} : memref<3x4x128xi32, #tpu.memory_space<vmem>>, vector<1x1x16xi32>,
    %swap3A_814 = vector.shape_cast %swap3A_813 : vector<1x1x16xi32> to vector<16xi32>
    %swap3A_815 = vector.shape_cast %convert_element_type3A_807 : vector<16xi32> to vector<1x1x16xi32>
    tpu.vector_store %arg9[%swap3A_810, %swap3A_811, %swap3A_812], %swap3A_815 {strides = array<i32>} : memref<3x4x128xi32, #tpu.memory_space<vmem>>, vector<1x1x16xi32>,
    %get3A_816 = arith.constant 1 : i32
    %get3A_817 = arith.constant 2 : i32
    %get3A_818 = arith.index_cast %get3A_816 : i32 to index
    %get3A_819 = arith.index_cast %get3A_817 : i32 to index
    %get3A_820 = arith.constant 48 : index
    %get3A_821 = tpu.vector_load %arg10[%get3A_818, %get3A_819, %get3A_820] {strides = array<i32>} : memref<3x4x128xf32, #tpu.memory_space<vmem>>, vector<1x1x16xf32>,
    %get3A_822 = vector.shape_cast %get3A_821 : vector<1x1x16xf32> to vector<16xf32>
    %convert_element_type3A_823 = arith.fptosi %get3A_822 : vector<16xf32> to vector<16xi32>
    %swap3A_824 = arith.constant 1 : i32
    %swap3A_825 = arith.constant 2 : i32
    %swap3A_826 = arith.index_cast %swap3A_824 : i32 to index
    %swap3A_827 = arith.index_cast %swap3A_825 : i32 to index
    %swap3A_828 = arith.constant 48 : index
    %swap3A_829 = tpu.vector_load %arg9[%swap3A_826, %swap3A_827, %swap3A_828] {strides = array<i32>} : memref<3x4x128xi32, #tpu.memory_space<vmem>>, vector<1x1x16xi32>,
    %swap3A_830 = vector.shape_cast %swap3A_829 : vector<1x1x16xi32> to vector<16xi32>
    %swap3A_831 = vector.shape_cast %convert_element_type3A_823 : vector<16xi32> to vector<1x1x16xi32>
    tpu.vector_store %arg9[%swap3A_826, %swap3A_827, %swap3A_828], %swap3A_831 {strides = array<i32>} : memref<3x4x128xi32, #tpu.memory_space<vmem>>, vector<1x1x16xi32>,
    %get3A_832 = arith.constant 1 : i32
    %get3A_833 = arith.constant 2 : i32
    %get3A_834 = arith.index_cast %get3A_832 : i32 to index
    %get3A_835 = arith.index_cast %get3A_833 : i32 to index
    %get3A_836 = arith.constant 64 : index
    %get3A_837 = tpu.vector_load %arg10[%get3A_834, %get3A_835, %get3A_836] {strides = array<i32>} : memref<3x4x128xf32, #tpu.memory_space<vmem>>, vector<1x1x16xf32>,
    %get3A_838 = vector.shape_cast %get3A_837 : vector<1x1x16xf32> to vector<16xf32>
    %convert_element_type3A_839 = arith.fptosi %get3A_838 : vector<16xf32> to vector<16xi32>
    %swap3A_840 = arith.constant 1 : i32
    %swap3A_841 = arith.constant 2 : i32
    %swap3A_842 = arith.index_cast %swap3A_840 : i32 to index
    %swap3A_843 = arith.index_cast %swap3A_841 : i32 to index
    %swap3A_844 = arith.constant 64 : index
    %swap3A_845 = tpu.vector_load %arg9[%swap3A_842, %swap3A_843, %swap3A_844] {strides = array<i32>} : memref<3x4x128xi32, #tpu.memory_space<vmem>>, vector<1x1x16xi32>,
    %swap3A_846 = vector.shape_cast %swap3A_845 : vector<1x1x16xi32> to vector<16xi32>
    %swap3A_847 = vector.shape_cast %convert_element_type3A_839 : vector<16xi32> to vector<1x1x16xi32>
    tpu.vector_store %arg9[%swap3A_842, %swap3A_843, %swap3A_844], %swap3A_847 {strides = array<i32>} : memref<3x4x128xi32, #tpu.memory_space<vmem>>, vector<1x1x16xi32>,
    %get3A_848 = arith.constant 1 : i32
    %get3A_849 = arith.constant 2 : i32
    %get3A_850 = arith.index_cast %get3A_848 : i32 to index
    %get3A_851 = arith.index_cast %get3A_849 : i32 to index
    %get3A_852 = arith.constant 80 : index
    %get3A_853 = tpu.vector_load %arg10[%get3A_850, %get3A_851, %get3A_852] {strides = array<i32>} : memref<3x4x128xf32, #tpu.memory_space<vmem>>, vector<1x1x16xf32>,
    %get3A_854 = vector.shape_cast %get3A_853 : vector<1x1x16xf32> to vector<16xf32>
    %convert_element_type3A_855 = arith.fptosi %get3A_854 : vector<16xf32> to vector<16xi32>
    %swap3A_856 = arith.constant 1 : i32
    %swap3A_857 = arith.constant 2 : i32
    %swap3A_858 = arith.index_cast %swap3A_856 : i32 to index
    %swap3A_859 = arith.index_cast %swap3A_857 : i32 to index
    %swap3A_860 = arith.constant 80 : index
    %swap3A_861 = tpu.vector_load %arg9[%swap3A_858, %swap3A_859, %swap3A_860] {strides = array<i32>} : memref<3x4x128xi32, #tpu.memory_space<vmem>>, vector<1x1x16xi32>,
    %swap3A_862 = vector.shape_cast %swap3A_861 : vector<1x1x16xi32> to vector<16xi32>
    %swap3A_863 = vector.shape_cast %convert_element_type3A_855 : vector<16xi32> to vector<1x1x16xi32>
    tpu.vector_store %arg9[%swap3A_858, %swap3A_859, %swap3A_860], %swap3A_863 {strides = array<i32>} : memref<3x4x128xi32, #tpu.memory_space<vmem>>, vector<1x1x16xi32>,
    %get3A_864 = arith.constant 1 : i32
    %get3A_865 = arith.constant 2 : i32
    %get3A_866 = arith.index_cast %get3A_864 : i32 to index
    %get3A_867 = arith.index_cast %get3A_865 : i32 to index
    %get3A_868 = arith.constant 96 : index
    %get3A_869 = tpu.vector_load %arg10[%get3A_866, %get3A_867, %get3A_868] {strides = array<i32>} : memref<3x4x128xf32, #tpu.memory_space<vmem>>, vector<1x1x16xf32>,
    %get3A_870 = vector.shape_cast %get3A_869 : vector<1x1x16xf32> to vector<16xf32>
    %convert_element_type3A_871 = arith.fptosi %get3A_870 : vector<16xf32> to vector<16xi32>
    %swap3A_872 = arith.constant 1 : i32
    %swap3A_873 = arith.constant 2 : i32
    %swap3A_874 = arith.index_cast %swap3A_872 : i32 to index
    %swap3A_875 = arith.index_cast %swap3A_873 : i32 to index
    %swap3A_876 = arith.constant 96 : index
    %swap3A_877 = tpu.vector_load %arg9[%swap3A_874, %swap3A_875, %swap3A_876] {strides = array<i32>} : memref<3x4x128xi32, #tpu.memory_space<vmem>>, vector<1x1x16xi32>,
    %swap3A_878 = vector.shape_cast %swap3A_877 : vector<1x1x16xi32> to vector<16xi32>
    %swap3A_879 = vector.shape_cast %convert_element_type3A_871 : vector<16xi32> to vector<1x1x16xi32>
    tpu.vector_store %arg9[%swap3A_874, %swap3A_875, %swap3A_876], %swap3A_879 {strides = array<i32>} : memref<3x4x128xi32, #tpu.memory_space<vmem>>, vector<1x1x16xi32>,
    %get3A_880 = arith.constant 1 : i32
    %get3A_881 = arith.constant 2 : i32
    %get3A_882 = arith.index_cast %get3A_880 : i32 to index
    %get3A_883 = arith.index_cast %get3A_881 : i32 to index
    %get3A_884 = arith.constant 112 : index
    %get3A_885 = tpu.vector_load %arg10[%get3A_882, %get3A_883, %get3A_884] {strides = array<i32>} : memref<3x4x128xf32, #tpu.memory_space<vmem>>, vector<1x1x16xf32>,
    %get3A_886 = vector.shape_cast %get3A_885 : vector<1x1x16xf32> to vector<16xf32>
    %convert_element_type3A_887 = arith.fptosi %get3A_886 : vector<16xf32> to vector<16xi32>
    %swap3A_888 = arith.constant 1 : i32
    %swap3A_889 = arith.constant 2 : i32
    %swap3A_890 = arith.index_cast %swap3A_888 : i32 to index
    %swap3A_891 = arith.index_cast %swap3A_889 : i32 to index
    %swap3A_892 = arith.constant 112 : index
    %swap3A_893 = tpu.vector_load %arg9[%swap3A_890, %swap3A_891, %swap3A_892] {strides = array<i32>} : memref<3x4x128xi32, #tpu.memory_space<vmem>>, vector<1x1x16xi32>,
    %swap3A_894 = vector.shape_cast %swap3A_893 : vector<1x1x16xi32> to vector<16xi32>
    %swap3A_895 = vector.shape_cast %convert_element_type3A_887 : vector<16xi32> to vector<1x1x16xi32>
    tpu.vector_store %arg9[%swap3A_890, %swap3A_891, %swap3A_892], %swap3A_895 {strides = array<i32>} : memref<3x4x128xi32, #tpu.memory_space<vmem>>, vector<1x1x16xi32>,
    %get3A_896 = arith.constant 1 : i32
    %get3A_897 = arith.constant 3 : i32
    %get3A_898 = arith.index_cast %get3A_896 : i32 to index
    %get3A_899 = arith.index_cast %get3A_897 : i32 to index
    %get3A_900 = arith.constant 0 : index
    %get3A_901 = tpu.vector_load %arg10[%get3A_898, %get3A_899, %get3A_900] {strides = array<i32>} : memref<3x4x128xf32, #tpu.memory_space<vmem>>, vector<1x1x16xf32>,
    %get3A_902 = vector.shape_cast %get3A_901 : vector<1x1x16xf32> to vector<16xf32>
    %convert_element_type3A_903 = arith.fptosi %get3A_902 : vector<16xf32> to vector<16xi32>
    %swap3A_904 = arith.constant 1 : i32
    %swap3A_905 = arith.constant 3 : i32
    %swap3A_906 = arith.index_cast %swap3A_904 : i32 to index
    %swap3A_907 = arith.index_cast %swap3A_905 : i32 to index
    %swap3A_908 = arith.constant 0 : index
    %swap3A_909 = tpu.vector_load %arg9[%swap3A_906, %swap3A_907, %swap3A_908] {strides = array<i32>} : memref<3x4x128xi32, #tpu.memory_space<vmem>>, vector<1x1x16xi32>,
    %swap3A_910 = vector.shape_cast %swap3A_909 : vector<1x1x16xi32> to vector<16xi32>
    %swap3A_911 = vector.shape_cast %convert_element_type3A_903 : vector<16xi32> to vector<1x1x16xi32>
    tpu.vector_store %arg9[%swap3A_906, %swap3A_907, %swap3A_908], %swap3A_911 {strides = array<i32>} : memref<3x4x128xi32, #tpu.memory_space<vmem>>, vector<1x1x16xi32>,
    %get3A_912 = arith.constant 1 : i32
    %get3A_913 = arith.constant 3 : i32
    %get3A_914 = arith.index_cast %get3A_912 : i32 to index
    %get3A_915 = arith.index_cast %get3A_913 : i32 to index
    %get3A_916 = arith.constant 16 : index
    %get3A_917 = tpu.vector_load %arg10[%get3A_914, %get3A_915, %get3A_916] {strides = array<i32>} : memref<3x4x128xf32, #tpu.memory_space<vmem>>, vector<1x1x16xf32>,
    %get3A_918 = vector.shape_cast %get3A_917 : vector<1x1x16xf32> to vector<16xf32>
    %convert_element_type3A_919 = arith.fptosi %get3A_918 : vector<16xf32> to vector<16xi32>
    %swap3A_920 = arith.constant 1 : i32
    %swap3A_921 = arith.constant 3 : i32
    %swap3A_922 = arith.index_cast %swap3A_920 : i32 to index
    %swap3A_923 = arith.index_cast %swap3A_921 : i32 to index
    %swap3A_924 = arith.constant 16 : index
    %swap3A_925 = tpu.vector_load %arg9[%swap3A_922, %swap3A_923, %swap3A_924] {strides = array<i32>} : memref<3x4x128xi32, #tpu.memory_space<vmem>>, vector<1x1x16xi32>,
    %swap3A_926 = vector.shape_cast %swap3A_925 : vector<1x1x16xi32> to vector<16xi32>
    %swap3A_927 = vector.shape_cast %convert_element_type3A_919 : vector<16xi32> to vector<1x1x16xi32>
    tpu.vector_store %arg9[%swap3A_922, %swap3A_923, %swap3A_924], %swap3A_927 {strides = array<i32>} : memref<3x4x128xi32, #tpu.memory_space<vmem>>, vector<1x1x16xi32>,
    %get3A_928 = arith.constant 1 : i32
    %get3A_929 = arith.constant 3 : i32
    %get3A_930 = arith.index_cast %get3A_928 : i32 to index
    %get3A_931 = arith.index_cast %get3A_929 : i32 to index
    %get3A_932 = arith.constant 32 : index
    %get3A_933 = tpu.vector_load %arg10[%get3A_930, %get3A_931, %get3A_932] {strides = array<i32>} : memref<3x4x128xf32, #tpu.memory_space<vmem>>, vector<1x1x16xf32>,
    %get3A_934 = vector.shape_cast %get3A_933 : vector<1x1x16xf32> to vector<16xf32>
    %convert_element_type3A_935 = arith.fptosi %get3A_934 : vector<16xf32> to vector<16xi32>
    %swap3A_936 = arith.constant 1 : i32
    %swap3A_937 = arith.constant 3 : i32
    %swap3A_938 = arith.index_cast %swap3A_936 : i32 to index
    %swap3A_939 = arith.index_cast %swap3A_937 : i32 to index
    %swap3A_940 = arith.constant 32 : index
    %swap3A_941 = tpu.vector_load %arg9[%swap3A_938, %swap3A_939, %swap3A_940] {strides = array<i32>} : memref<3x4x128xi32, #tpu.memory_space<vmem>>, vector<1x1x16xi32>,
    %swap3A_942 = vector.shape_cast %swap3A_941 : vector<1x1x16xi32> to vector<16xi32>
    %swap3A_943 = vector.shape_cast %convert_element_type3A_935 : vector<16xi32> to vector<1x1x16xi32>
    tpu.vector_store %arg9[%swap3A_938, %swap3A_939, %swap3A_940], %swap3A_943 {strides = array<i32>} : memref<3x4x128xi32, #tpu.memory_space<vmem>>, vector<1x1x16xi32>,
    %get3A_944 = arith.constant 1 : i32
    %get3A_945 = arith.constant 3 : i32
    %get3A_946 = arith.index_cast %get3A_944 : i32 to index
    %get3A_947 = arith.index_cast %get3A_945 : i32 to index
    %get3A_948 = arith.constant 48 : index
    %get3A_949 = tpu.vector_load %arg10[%get3A_946, %get3A_947, %get3A_948] {strides = array<i32>} : memref<3x4x128xf32, #tpu.memory_space<vmem>>, vector<1x1x16xf32>,
    %get3A_950 = vector.shape_cast %get3A_949 : vector<1x1x16xf32> to vector<16xf32>
    %convert_element_type3A_951 = arith.fptosi %get3A_950 : vector<16xf32> to vector<16xi32>
    %swap3A_952 = arith.constant 1 : i32
    %swap3A_953 = arith.constant 3 : i32
    %swap3A_954 = arith.index_cast %swap3A_952 : i32 to index
    %swap3A_955 = arith.index_cast %swap3A_953 : i32 to index
    %swap3A_956 = arith.constant 48 : index
    %swap3A_957 = tpu.vector_load %arg9[%swap3A_954, %swap3A_955, %swap3A_956] {strides = array<i32>} : memref<3x4x128xi32, #tpu.memory_space<vmem>>, vector<1x1x16xi32>,
    %swap3A_958 = vector.shape_cast %swap3A_957 : vector<1x1x16xi32> to vector<16xi32>
    %swap3A_959 = vector.shape_cast %convert_element_type3A_951 : vector<16xi32> to vector<1x1x16xi32>
    tpu.vector_store %arg9[%swap3A_954, %swap3A_955, %swap3A_956], %swap3A_959 {strides = array<i32>} : memref<3x4x128xi32, #tpu.memory_space<vmem>>, vector<1x1x16xi32>,
    %get3A_960 = arith.constant 1 : i32
    %get3A_961 = arith.constant 3 : i32
    %get3A_962 = arith.index_cast %get3A_960 : i32 to index
    %get3A_963 = arith.index_cast %get3A_961 : i32 to index
    %get3A_964 = arith.constant 64 : index
    %get3A_965 = tpu.vector_load %arg10[%get3A_962, %get3A_963, %get3A_964] {strides = array<i32>} : memref<3x4x128xf32, #tpu.memory_space<vmem>>, vector<1x1x16xf32>,
    %get3A_966 = vector.shape_cast %get3A_965 : vector<1x1x16xf32> to vector<16xf32>
    %convert_element_type3A_967 = arith.fptosi %get3A_966 : vector<16xf32> to vector<16xi32>
    %swap3A_968 = arith.constant 1 : i32
    %swap3A_969 = arith.constant 3 : i32
    %swap3A_970 = arith.index_cast %swap3A_968 : i32 to index
    %swap3A_971 = arith.index_cast %swap3A_969 : i32 to index
    %swap3A_972 = arith.constant 64 : index
    %swap3A_973 = tpu.vector_load %arg9[%swap3A_970, %swap3A_971, %swap3A_972] {strides = array<i32>} : memref<3x4x128xi32, #tpu.memory_space<vmem>>, vector<1x1x16xi32>,
    %swap3A_974 = vector.shape_cast %swap3A_973 : vector<1x1x16xi32> to vector<16xi32>
    %swap3A_975 = vector.shape_cast %convert_element_type3A_967 : vector<16xi32> to vector<1x1x16xi32>
    tpu.vector_store %arg9[%swap3A_970, %swap3A_971, %swap3A_972], %swap3A_975 {strides = array<i32>} : memref<3x4x128xi32, #tpu.memory_space<vmem>>, vector<1x1x16xi32>,
    %get3A_976 = arith.constant 1 : i32
    %get3A_977 = arith.constant 3 : i32
    %get3A_978 = arith.index_cast %get3A_976 : i32 to index
    %get3A_979 = arith.index_cast %get3A_977 : i32 to index
    %get3A_980 = arith.constant 80 : index
    %get3A_981 = tpu.vector_load %arg10[%get3A_978, %get3A_979, %get3A_980] {strides = array<i32>} : memref<3x4x128xf32, #tpu.memory_space<vmem>>, vector<1x1x16xf32>,
    %get3A_982 = vector.shape_cast %get3A_981 : vector<1x1x16xf32> to vector<16xf32>
    %convert_element_type3A_983 = arith.fptosi %get3A_982 : vector<16xf32> to vector<16xi32>
    %swap3A_984 = arith.constant 1 : i32
    %swap3A_985 = arith.constant 3 : i32
    %swap3A_986 = arith.index_cast %swap3A_984 : i32 to index
    %swap3A_987 = arith.index_cast %swap3A_985 : i32 to index
    %swap3A_988 = arith.constant 80 : index
    %swap3A_989 = tpu.vector_load %arg9[%swap3A_986, %swap3A_987, %swap3A_988] {strides = array<i32>} : memref<3x4x128xi32, #tpu.memory_space<vmem>>, vector<1x1x16xi32>,
    %swap3A_990 = vector.shape_cast %swap3A_989 : vector<1x1x16xi32> to vector<16xi32>
    %swap3A_991 = vector.shape_cast %convert_element_type3A_983 : vector<16xi32> to vector<1x1x16xi32>
    tpu.vector_store %arg9[%swap3A_986, %swap3A_987, %swap3A_988], %swap3A_991 {strides = array<i32>} : memref<3x4x128xi32, #tpu.memory_space<vmem>>, vector<1x1x16xi32>,
    %get3A_992 = arith.constant 1 : i32
    %get3A_993 = arith.constant 3 : i32
    %get3A_994 = arith.index_cast %get3A_992 : i32 to index
    %get3A_995 = arith.index_cast %get3A_993 : i32 to index
    %get3A_996 = arith.constant 96 : index
    %get3A_997 = tpu.vector_load %arg10[%get3A_994, %get3A_995, %get3A_996] {strides = array<i32>} : memref<3x4x128xf32, #tpu.memory_space<vmem>>, vector<1x1x16xf32>,
    %get3A_998 = vector.shape_cast %get3A_997 : vector<1x1x16xf32> to vector<16xf32>
    %convert_element_type3A_999 = arith.fptosi %get3A_998 : vector<16xf32> to vector<16xi32>
    %swap3A_1000 = arith.constant 1 : i32
    %swap3A_1001 = arith.constant 3 : i32
    %swap3A_1002 = arith.index_cast %swap3A_1000 : i32 to index
    %swap3A_1003 = arith.index_cast %swap3A_1001 : i32 to index
    %swap3A_1004 = arith.constant 96 : index
    %swap3A_1005 = tpu.vector_load %arg9[%swap3A_1002, %swap3A_1003, %swap3A_1004] {strides = array<i32>} : memref<3x4x128xi32, #tpu.memory_space<vmem>>, vector<1x1x16xi32>,
    %swap3A_1006 = vector.shape_cast %swap3A_1005 : vector<1x1x16xi32> to vector<16xi32>
    %swap3A_1007 = vector.shape_cast %convert_element_type3A_999 : vector<16xi32> to vector<1x1x16xi32>
    tpu.vector_store %arg9[%swap3A_1002, %swap3A_1003, %swap3A_1004], %swap3A_1007 {strides = array<i32>} : memref<3x4x128xi32, #tpu.memory_space<vmem>>, vector<1x1x16xi32>,
    %get3A_1008 = arith.constant 1 : i32
    %get3A_1009 = arith.constant 3 : i32
    %get3A_1010 = arith.index_cast %get3A_1008 : i32 to index
    %get3A_1011 = arith.index_cast %get3A_1009 : i32 to index
    %get3A_1012 = arith.constant 112 : index
    %get3A_1013 = tpu.vector_load %arg10[%get3A_1010, %get3A_1011, %get3A_1012] {strides = array<i32>} : memref<3x4x128xf32, #tpu.memory_space<vmem>>, vector<1x1x16xf32>,
    %get3A_1014 = vector.shape_cast %get3A_1013 : vector<1x1x16xf32> to vector<16xf32>
    %convert_element_type3A_1015 = arith.fptosi %get3A_1014 : vector<16xf32> to vector<16xi32>
    %swap3A_1016 = arith.constant 1 : i32
    %swap3A_1017 = arith.constant 3 : i32
    %swap3A_1018 = arith.index_cast %swap3A_1016 : i32 to index
    %swap3A_1019 = arith.index_cast %swap3A_1017 : i32 to index
    %swap3A_1020 = arith.constant 112 : index
    %swap3A_1021 = tpu.vector_load %arg9[%swap3A_1018, %swap3A_1019, %swap3A_1020] {strides = array<i32>} : memref<3x4x128xi32, #tpu.memory_space<vmem>>, vector<1x1x16xi32>,
    %swap3A_1022 = vector.shape_cast %swap3A_1021 : vector<1x1x16xi32> to vector<16xi32>
    %swap3A_1023 = vector.shape_cast %convert_element_type3A_1015 : vector<16xi32> to vector<1x1x16xi32>
    tpu.vector_store %arg9[%swap3A_1018, %swap3A_1019, %swap3A_1020], %swap3A_1023 {strides = array<i32>} : memref<3x4x128xi32, #tpu.memory_space<vmem>>, vector<1x1x16xi32>,
    %get3A_1024 = arith.constant 2 : i32
    %get3A_1025 = arith.constant 0 : i32
    %get3A_1026 = arith.index_cast %get3A_1024 : i32 to index
    %get3A_1027 = arith.index_cast %get3A_1025 : i32 to index
    %get3A_1028 = arith.constant 0 : index
    %get3A_1029 = tpu.vector_load %arg10[%get3A_1026, %get3A_1027, %get3A_1028] {strides = array<i32>} : memref<3x4x128xf32, #tpu.memory_space<vmem>>, vector<1x1x16xf32>,
    %get3A_1030 = vector.shape_cast %get3A_1029 : vector<1x1x16xf32> to vector<16xf32>
    %convert_element_type3A_1031 = arith.fptosi %get3A_1030 : vector<16xf32> to vector<16xi32>
    %swap3A_1032 = arith.constant 2 : i32
    %swap3A_1033 = arith.constant 0 : i32
    %swap3A_1034 = arith.index_cast %swap3A_1032 : i32 to index
    %swap3A_1035 = arith.index_cast %swap3A_1033 : i32 to index
    %swap3A_1036 = arith.constant 0 : index
    %swap3A_1037 = tpu.vector_load %arg9[%swap3A_1034, %swap3A_1035, %swap3A_1036] {strides = array<i32>} : memref<3x4x128xi32, #tpu.memory_space<vmem>>, vector<1x1x16xi32>,
    %swap3A_1038 = vector.shape_cast %swap3A_1037 : vector<1x1x16xi32> to vector<16xi32>
    %swap3A_1039 = vector.shape_cast %convert_element_type3A_1031 : vector<16xi32> to vector<1x1x16xi32>
    tpu.vector_store %arg9[%swap3A_1034, %swap3A_1035, %swap3A_1036], %swap3A_1039 {strides = array<i32>} : memref<3x4x128xi32, #tpu.memory_space<vmem>>, vector<1x1x16xi32>,
    %get3A_1040 = arith.constant 2 : i32
    %get3A_1041 = arith.constant 0 : i32
    %get3A_1042 = arith.index_cast %get3A_1040 : i32 to index
    %get3A_1043 = arith.index_cast %get3A_1041 : i32 to index
    %get3A_1044 = arith.constant 16 : index
    %get3A_1045 = tpu.vector_load %arg10[%get3A_1042, %get3A_1043, %get3A_1044] {strides = array<i32>} : memref<3x4x128xf32, #tpu.memory_space<vmem>>, vector<1x1x16xf32>,
    %get3A_1046 = vector.shape_cast %get3A_1045 : vector<1x1x16xf32> to vector<16xf32>
    %convert_element_type3A_1047 = arith.fptosi %get3A_1046 : vector<16xf32> to vector<16xi32>
    %swap3A_1048 = arith.constant 2 : i32
    %swap3A_1049 = arith.constant 0 : i32
    %swap3A_1050 = arith.index_cast %swap3A_1048 : i32 to index
    %swap3A_1051 = arith.index_cast %swap3A_1049 : i32 to index
    %swap3A_1052 = arith.constant 16 : index
    %swap3A_1053 = tpu.vector_load %arg9[%swap3A_1050, %swap3A_1051, %swap3A_1052] {strides = array<i32>} : memref<3x4x128xi32, #tpu.memory_space<vmem>>, vector<1x1x16xi32>,
    %swap3A_1054 = vector.shape_cast %swap3A_1053 : vector<1x1x16xi32> to vector<16xi32>
    %swap3A_1055 = vector.shape_cast %convert_element_type3A_1047 : vector<16xi32> to vector<1x1x16xi32>
    tpu.vector_store %arg9[%swap3A_1050, %swap3A_1051, %swap3A_1052], %swap3A_1055 {strides = array<i32>} : memref<3x4x128xi32, #tpu.memory_space<vmem>>, vector<1x1x16xi32>,
    %get3A_1056 = arith.constant 2 : i32
    %get3A_1057 = arith.constant 0 : i32
    %get3A_1058 = arith.index_cast %get3A_1056 : i32 to index
    %get3A_1059 = arith.index_cast %get3A_1057 : i32 to index
    %get3A_1060 = arith.constant 32 : index
    %get3A_1061 = tpu.vector_load %arg10[%get3A_1058, %get3A_1059, %get3A_1060] {strides = array<i32>} : memref<3x4x128xf32, #tpu.memory_space<vmem>>, vector<1x1x16xf32>,
    %get3A_1062 = vector.shape_cast %get3A_1061 : vector<1x1x16xf32> to vector<16xf32>
    %convert_element_type3A_1063 = arith.fptosi %get3A_1062 : vector<16xf32> to vector<16xi32>
    %swap3A_1064 = arith.constant 2 : i32
    %swap3A_1065 = arith.constant 0 : i32
    %swap3A_1066 = arith.index_cast %swap3A_1064 : i32 to index
    %swap3A_1067 = arith.index_cast %swap3A_1065 : i32 to index
    %swap3A_1068 = arith.constant 32 : index
    %swap3A_1069 = tpu.vector_load %arg9[%swap3A_1066, %swap3A_1067, %swap3A_1068] {strides = array<i32>} : memref<3x4x128xi32, #tpu.memory_space<vmem>>, vector<1x1x16xi32>,
    %swap3A_1070 = vector.shape_cast %swap3A_1069 : vector<1x1x16xi32> to vector<16xi32>
    %swap3A_1071 = vector.shape_cast %convert_element_type3A_1063 : vector<16xi32> to vector<1x1x16xi32>
    tpu.vector_store %arg9[%swap3A_1066, %swap3A_1067, %swap3A_1068], %swap3A_1071 {strides = array<i32>} : memref<3x4x128xi32, #tpu.memory_space<vmem>>, vector<1x1x16xi32>,
    %get3A_1072 = arith.constant 2 : i32
    %get3A_1073 = arith.constant 0 : i32
    %get3A_1074 = arith.index_cast %get3A_1072 : i32 to index
    %get3A_1075 = arith.index_cast %get3A_1073 : i32 to index
    %get3A_1076 = arith.constant 48 : index
    %get3A_1077 = tpu.vector_load %arg10[%get3A_1074, %get3A_1075, %get3A_1076] {strides = array<i32>} : memref<3x4x128xf32, #tpu.memory_space<vmem>>, vector<1x1x16xf32>,
    %get3A_1078 = vector.shape_cast %get3A_1077 : vector<1x1x16xf32> to vector<16xf32>
    %convert_element_type3A_1079 = arith.fptosi %get3A_1078 : vector<16xf32> to vector<16xi32>
    %swap3A_1080 = arith.constant 2 : i32
    %swap3A_1081 = arith.constant 0 : i32
    %swap3A_1082 = arith.index_cast %swap3A_1080 : i32 to index
    %swap3A_1083 = arith.index_cast %swap3A_1081 : i32 to index
    %swap3A_1084 = arith.constant 48 : index
    %swap3A_1085 = tpu.vector_load %arg9[%swap3A_1082, %swap3A_1083, %swap3A_1084] {strides = array<i32>} : memref<3x4x128xi32, #tpu.memory_space<vmem>>, vector<1x1x16xi32>,
    %swap3A_1086 = vector.shape_cast %swap3A_1085 : vector<1x1x16xi32> to vector<16xi32>
    %swap3A_1087 = vector.shape_cast %convert_element_type3A_1079 : vector<16xi32> to vector<1x1x16xi32>
    tpu.vector_store %arg9[%swap3A_1082, %swap3A_1083, %swap3A_1084], %swap3A_1087 {strides = array<i32>} : memref<3x4x128xi32, #tpu.memory_space<vmem>>, vector<1x1x16xi32>,
    %get3A_1088 = arith.constant 2 : i32
    %get3A_1089 = arith.constant 0 : i32
    %get3A_1090 = arith.index_cast %get3A_1088 : i32 to index
    %get3A_1091 = arith.index_cast %get3A_1089 : i32 to index
    %get3A_1092 = arith.constant 64 : index
    %get3A_1093 = tpu.vector_load %arg10[%get3A_1090, %get3A_1091, %get3A_1092] {strides = array<i32>} : memref<3x4x128xf32, #tpu.memory_space<vmem>>, vector<1x1x16xf32>,
    %get3A_1094 = vector.shape_cast %get3A_1093 : vector<1x1x16xf32> to vector<16xf32>
    %convert_element_type3A_1095 = arith.fptosi %get3A_1094 : vector<16xf32> to vector<16xi32>
    %swap3A_1096 = arith.constant 2 : i32
    %swap3A_1097 = arith.constant 0 : i32
    %swap3A_1098 = arith.index_cast %swap3A_1096 : i32 to index
    %swap3A_1099 = arith.index_cast %swap3A_1097 : i32 to index
    %swap3A_1100 = arith.constant 64 : index
    %swap3A_1101 = tpu.vector_load %arg9[%swap3A_1098, %swap3A_1099, %swap3A_1100] {strides = array<i32>} : memref<3x4x128xi32, #tpu.memory_space<vmem>>, vector<1x1x16xi32>,
    %swap3A_1102 = vector.shape_cast %swap3A_1101 : vector<1x1x16xi32> to vector<16xi32>
    %swap3A_1103 = vector.shape_cast %convert_element_type3A_1095 : vector<16xi32> to vector<1x1x16xi32>
    tpu.vector_store %arg9[%swap3A_1098, %swap3A_1099, %swap3A_1100], %swap3A_1103 {strides = array<i32>} : memref<3x4x128xi32, #tpu.memory_space<vmem>>, vector<1x1x16xi32>,
    %get3A_1104 = arith.constant 2 : i32
    %get3A_1105 = arith.constant 0 : i32
    %get3A_1106 = arith.index_cast %get3A_1104 : i32 to index
    %get3A_1107 = arith.index_cast %get3A_1105 : i32 to index
    %get3A_1108 = arith.constant 80 : index
    %get3A_1109 = tpu.vector_load %arg10[%get3A_1106, %get3A_1107, %get3A_1108] {strides = array<i32>} : memref<3x4x128xf32, #tpu.memory_space<vmem>>, vector<1x1x16xf32>,
    %get3A_1110 = vector.shape_cast %get3A_1109 : vector<1x1x16xf32> to vector<16xf32>
    %convert_element_type3A_1111 = arith.fptosi %get3A_1110 : vector<16xf32> to vector<16xi32>
    %swap3A_1112 = arith.constant 2 : i32
    %swap3A_1113 = arith.constant 0 : i32
    %swap3A_1114 = arith.index_cast %swap3A_1112 : i32 to index
    %swap3A_1115 = arith.index_cast %swap3A_1113 : i32 to index
    %swap3A_1116 = arith.constant 80 : index
    %swap3A_1117 = tpu.vector_load %arg9[%swap3A_1114, %swap3A_1115, %swap3A_1116] {strides = array<i32>} : memref<3x4x128xi32, #tpu.memory_space<vmem>>, vector<1x1x16xi32>,
    %swap3A_1118 = vector.shape_cast %swap3A_1117 : vector<1x1x16xi32> to vector<16xi32>
    %swap3A_1119 = vector.shape_cast %convert_element_type3A_1111 : vector<16xi32> to vector<1x1x16xi32>
    tpu.vector_store %arg9[%swap3A_1114, %swap3A_1115, %swap3A_1116], %swap3A_1119 {strides = array<i32>} : memref<3x4x128xi32, #tpu.memory_space<vmem>>, vector<1x1x16xi32>,
    %get3A_1120 = arith.constant 2 : i32
    %get3A_1121 = arith.constant 0 : i32
    %get3A_1122 = arith.index_cast %get3A_1120 : i32 to index
    %get3A_1123 = arith.index_cast %get3A_1121 : i32 to index
    %get3A_1124 = arith.constant 96 : index
    %get3A_1125 = tpu.vector_load %arg10[%get3A_1122, %get3A_1123, %get3A_1124] {strides = array<i32>} : memref<3x4x128xf32, #tpu.memory_space<vmem>>, vector<1x1x16xf32>,
    %get3A_1126 = vector.shape_cast %get3A_1125 : vector<1x1x16xf32> to vector<16xf32>
    %convert_element_type3A_1127 = arith.fptosi %get3A_1126 : vector<16xf32> to vector<16xi32>
    %swap3A_1128 = arith.constant 2 : i32
    %swap3A_1129 = arith.constant 0 : i32
    %swap3A_1130 = arith.index_cast %swap3A_1128 : i32 to index
    %swap3A_1131 = arith.index_cast %swap3A_1129 : i32 to index
    %swap3A_1132 = arith.constant 96 : index
    %swap3A_1133 = tpu.vector_load %arg9[%swap3A_1130, %swap3A_1131, %swap3A_1132] {strides = array<i32>} : memref<3x4x128xi32, #tpu.memory_space<vmem>>, vector<1x1x16xi32>,
    %swap3A_1134 = vector.shape_cast %swap3A_1133 : vector<1x1x16xi32> to vector<16xi32>
    %swap3A_1135 = vector.shape_cast %convert_element_type3A_1127 : vector<16xi32> to vector<1x1x16xi32>
    tpu.vector_store %arg9[%swap3A_1130, %swap3A_1131, %swap3A_1132], %swap3A_1135 {strides = array<i32>} : memref<3x4x128xi32, #tpu.memory_space<vmem>>, vector<1x1x16xi32>,
    %get3A_1136 = arith.constant 2 : i32
    %get3A_1137 = arith.constant 0 : i32
    %get3A_1138 = arith.index_cast %get3A_1136 : i32 to index
    %get3A_1139 = arith.index_cast %get3A_1137 : i32 to index
    %get3A_1140 = arith.constant 112 : index
    %get3A_1141 = tpu.vector_load %arg10[%get3A_1138, %get3A_1139, %get3A_1140] {strides = array<i32>} : memref<3x4x128xf32, #tpu.memory_space<vmem>>, vector<1x1x16xf32>,
    %get3A_1142 = vector.shape_cast %get3A_1141 : vector<1x1x16xf32> to vector<16xf32>
    %convert_element_type3A_1143 = arith.fptosi %get3A_1142 : vector<16xf32> to vector<16xi32>
    %swap3A_1144 = arith.constant 2 : i32
    %swap3A_1145 = arith.constant 0 : i32
    %swap3A_1146 = arith.index_cast %swap3A_1144 : i32 to index
    %swap3A_1147 = arith.index_cast %swap3A_1145 : i32 to index
    %swap3A_1148 = arith.constant 112 : index
    %swap3A_1149 = tpu.vector_load %arg9[%swap3A_1146, %swap3A_1147, %swap3A_1148] {strides = array<i32>} : memref<3x4x128xi32, #tpu.memory_space<vmem>>, vector<1x1x16xi32>,
    %swap3A_1150 = vector.shape_cast %swap3A_1149 : vector<1x1x16xi32> to vector<16xi32>
    %swap3A_1151 = vector.shape_cast %convert_element_type3A_1143 : vector<16xi32> to vector<1x1x16xi32>
    tpu.vector_store %arg9[%swap3A_1146, %swap3A_1147, %swap3A_1148], %swap3A_1151 {strides = array<i32>} : memref<3x4x128xi32, #tpu.memory_space<vmem>>, vector<1x1x16xi32>,
    %get3A_1152 = arith.constant 2 : i32
    %get3A_1153 = arith.constant 1 : i32
    %get3A_1154 = arith.index_cast %get3A_1152 : i32 to index
    %get3A_1155 = arith.index_cast %get3A_1153 : i32 to index
    %get3A_1156 = arith.constant 0 : index
    %get3A_1157 = tpu.vector_load %arg10[%get3A_1154, %get3A_1155, %get3A_1156] {strides = array<i32>} : memref<3x4x128xf32, #tpu.memory_space<vmem>>, vector<1x1x16xf32>,
    %get3A_1158 = vector.shape_cast %get3A_1157 : vector<1x1x16xf32> to vector<16xf32>
    %convert_element_type3A_1159 = arith.fptosi %get3A_1158 : vector<16xf32> to vector<16xi32>
    %swap3A_1160 = arith.constant 2 : i32
    %swap3A_1161 = arith.constant 1 : i32
    %swap3A_1162 = arith.index_cast %swap3A_1160 : i32 to index
    %swap3A_1163 = arith.index_cast %swap3A_1161 : i32 to index
    %swap3A_1164 = arith.constant 0 : index
    %swap3A_1165 = tpu.vector_load %arg9[%swap3A_1162, %swap3A_1163, %swap3A_1164] {strides = array<i32>} : memref<3x4x128xi32, #tpu.memory_space<vmem>>, vector<1x1x16xi32>,
    %swap3A_1166 = vector.shape_cast %swap3A_1165 : vector<1x1x16xi32> to vector<16xi32>
    %swap3A_1167 = vector.shape_cast %convert_element_type3A_1159 : vector<16xi32> to vector<1x1x16xi32>
    tpu.vector_store %arg9[%swap3A_1162, %swap3A_1163, %swap3A_1164], %swap3A_1167 {strides = array<i32>} : memref<3x4x128xi32, #tpu.memory_space<vmem>>, vector<1x1x16xi32>,
    %get3A_1168 = arith.constant 2 : i32
    %get3A_1169 = arith.constant 1 : i32
    %get3A_1170 = arith.index_cast %get3A_1168 : i32 to index
    %get3A_1171 = arith.index_cast %get3A_1169 : i32 to index
    %get3A_1172 = arith.constant 16 : index
    %get3A_1173 = tpu.vector_load %arg10[%get3A_1170, %get3A_1171, %get3A_1172] {strides = array<i32>} : memref<3x4x128xf32, #tpu.memory_space<vmem>>, vector<1x1x16xf32>,
    %get3A_1174 = vector.shape_cast %get3A_1173 : vector<1x1x16xf32> to vector<16xf32>
    %convert_element_type3A_1175 = arith.fptosi %get3A_1174 : vector<16xf32> to vector<16xi32>
    %swap3A_1176 = arith.constant 2 : i32
    %swap3A_1177 = arith.constant 1 : i32
    %swap3A_1178 = arith.index_cast %swap3A_1176 : i32 to index
    %swap3A_1179 = arith.index_cast %swap3A_1177 : i32 to index
    %swap3A_1180 = arith.constant 16 : index
    %swap3A_1181 = tpu.vector_load %arg9[%swap3A_1178, %swap3A_1179, %swap3A_1180] {strides = array<i32>} : memref<3x4x128xi32, #tpu.memory_space<vmem>>, vector<1x1x16xi32>,
    %swap3A_1182 = vector.shape_cast %swap3A_1181 : vector<1x1x16xi32> to vector<16xi32>
    %swap3A_1183 = vector.shape_cast %convert_element_type3A_1175 : vector<16xi32> to vector<1x1x16xi32>
    tpu.vector_store %arg9[%swap3A_1178, %swap3A_1179, %swap3A_1180], %swap3A_1183 {strides = array<i32>} : memref<3x4x128xi32, #tpu.memory_space<vmem>>, vector<1x1x16xi32>,
    %get3A_1184 = arith.constant 2 : i32
    %get3A_1185 = arith.constant 1 : i32
    %get3A_1186 = arith.index_cast %get3A_1184 : i32 to index
    %get3A_1187 = arith.index_cast %get3A_1185 : i32 to index
    %get3A_1188 = arith.constant 32 : index
    %get3A_1189 = tpu.vector_load %arg10[%get3A_1186, %get3A_1187, %get3A_1188] {strides = array<i32>} : memref<3x4x128xf32, #tpu.memory_space<vmem>>, vector<1x1x16xf32>,
    %get3A_1190 = vector.shape_cast %get3A_1189 : vector<1x1x16xf32> to vector<16xf32>
    %convert_element_type3A_1191 = arith.fptosi %get3A_1190 : vector<16xf32> to vector<16xi32>
    %swap3A_1192 = arith.constant 2 : i32
    %swap3A_1193 = arith.constant 1 : i32
    %swap3A_1194 = arith.index_cast %swap3A_1192 : i32 to index
    %swap3A_1195 = arith.index_cast %swap3A_1193 : i32 to index
    %swap3A_1196 = arith.constant 32 : index
    %swap3A_1197 = tpu.vector_load %arg9[%swap3A_1194, %swap3A_1195, %swap3A_1196] {strides = array<i32>} : memref<3x4x128xi32, #tpu.memory_space<vmem>>, vector<1x1x16xi32>,
    %swap3A_1198 = vector.shape_cast %swap3A_1197 : vector<1x1x16xi32> to vector<16xi32>
    %swap3A_1199 = vector.shape_cast %convert_element_type3A_1191 : vector<16xi32> to vector<1x1x16xi32>
    tpu.vector_store %arg9[%swap3A_1194, %swap3A_1195, %swap3A_1196], %swap3A_1199 {strides = array<i32>} : memref<3x4x128xi32, #tpu.memory_space<vmem>>, vector<1x1x16xi32>,
    %get3A_1200 = arith.constant 2 : i32
    %get3A_1201 = arith.constant 1 : i32
    %get3A_1202 = arith.index_cast %get3A_1200 : i32 to index
    %get3A_1203 = arith.index_cast %get3A_1201 : i32 to index
    %get3A_1204 = arith.constant 48 : index
    %get3A_1205 = tpu.vector_load %arg10[%get3A_1202, %get3A_1203, %get3A_1204] {strides = array<i32>} : memref<3x4x128xf32, #tpu.memory_space<vmem>>, vector<1x1x16xf32>,
    %get3A_1206 = vector.shape_cast %get3A_1205 : vector<1x1x16xf32> to vector<16xf32>
    %convert_element_type3A_1207 = arith.fptosi %get3A_1206 : vector<16xf32> to vector<16xi32>
    %swap3A_1208 = arith.constant 2 : i32
    %swap3A_1209 = arith.constant 1 : i32
    %swap3A_1210 = arith.index_cast %swap3A_1208 : i32 to index
    %swap3A_1211 = arith.index_cast %swap3A_1209 : i32 to index
    %swap3A_1212 = arith.constant 48 : index
    %swap3A_1213 = tpu.vector_load %arg9[%swap3A_1210, %swap3A_1211, %swap3A_1212] {strides = array<i32>} : memref<3x4x128xi32, #tpu.memory_space<vmem>>, vector<1x1x16xi32>,
    %swap3A_1214 = vector.shape_cast %swap3A_1213 : vector<1x1x16xi32> to vector<16xi32>
    %swap3A_1215 = vector.shape_cast %convert_element_type3A_1207 : vector<16xi32> to vector<1x1x16xi32>
    tpu.vector_store %arg9[%swap3A_1210, %swap3A_1211, %swap3A_1212], %swap3A_1215 {strides = array<i32>} : memref<3x4x128xi32, #tpu.memory_space<vmem>>, vector<1x1x16xi32>,
    %get3A_1216 = arith.constant 2 : i32
    %get3A_1217 = arith.constant 1 : i32
    %get3A_1218 = arith.index_cast %get3A_1216 : i32 to index
    %get3A_1219 = arith.index_cast %get3A_1217 : i32 to index
    %get3A_1220 = arith.constant 64 : index
    %get3A_1221 = tpu.vector_load %arg10[%get3A_1218, %get3A_1219, %get3A_1220] {strides = array<i32>} : memref<3x4x128xf32, #tpu.memory_space<vmem>>, vector<1x1x16xf32>,
    %get3A_1222 = vector.shape_cast %get3A_1221 : vector<1x1x16xf32> to vector<16xf32>
    %convert_element_type3A_1223 = arith.fptosi %get3A_1222 : vector<16xf32> to vector<16xi32>
    %swap3A_1224 = arith.constant 2 : i32
    %swap3A_1225 = arith.constant 1 : i32
    %swap3A_1226 = arith.index_cast %swap3A_1224 : i32 to index
    %swap3A_1227 = arith.index_cast %swap3A_1225 : i32 to index
    %swap3A_1228 = arith.constant 64 : index
    %swap3A_1229 = tpu.vector_load %arg9[%swap3A_1226, %swap3A_1227, %swap3A_1228] {strides = array<i32>} : memref<3x4x128xi32, #tpu.memory_space<vmem>>, vector<1x1x16xi32>,
    %swap3A_1230 = vector.shape_cast %swap3A_1229 : vector<1x1x16xi32> to vector<16xi32>
    %swap3A_1231 = vector.shape_cast %convert_element_type3A_1223 : vector<16xi32> to vector<1x1x16xi32>
    tpu.vector_store %arg9[%swap3A_1226, %swap3A_1227, %swap3A_1228], %swap3A_1231 {strides = array<i32>} : memref<3x4x128xi32, #tpu.memory_space<vmem>>, vector<1x1x16xi32>,
    %get3A_1232 = arith.constant 2 : i32
    %get3A_1233 = arith.constant 1 : i32
    %get3A_1234 = arith.index_cast %get3A_1232 : i32 to index
    %get3A_1235 = arith.index_cast %get3A_1233 : i32 to index
    %get3A_1236 = arith.constant 80 : index
    %get3A_1237 = tpu.vector_load %arg10[%get3A_1234, %get3A_1235, %get3A_1236] {strides = array<i32>} : memref<3x4x128xf32, #tpu.memory_space<vmem>>, vector<1x1x16xf32>,
    %get3A_1238 = vector.shape_cast %get3A_1237 : vector<1x1x16xf32> to vector<16xf32>
    %convert_element_type3A_1239 = arith.fptosi %get3A_1238 : vector<16xf32> to vector<16xi32>
    %swap3A_1240 = arith.constant 2 : i32
    %swap3A_1241 = arith.constant 1 : i32
    %swap3A_1242 = arith.index_cast %swap3A_1240 : i32 to index
    %swap3A_1243 = arith.index_cast %swap3A_1241 : i32 to index
    %swap3A_1244 = arith.constant 80 : index
    %swap3A_1245 = tpu.vector_load %arg9[%swap3A_1242, %swap3A_1243, %swap3A_1244] {strides = array<i32>} : memref<3x4x128xi32, #tpu.memory_space<vmem>>, vector<1x1x16xi32>,
    %swap3A_1246 = vector.shape_cast %swap3A_1245 : vector<1x1x16xi32> to vector<16xi32>
    %swap3A_1247 = vector.shape_cast %convert_element_type3A_1239 : vector<16xi32> to vector<1x1x16xi32>
    tpu.vector_store %arg9[%swap3A_1242, %swap3A_1243, %swap3A_1244], %swap3A_1247 {strides = array<i32>} : memref<3x4x128xi32, #tpu.memory_space<vmem>>, vector<1x1x16xi32>,
    %get3A_1248 = arith.constant 2 : i32
    %get3A_1249 = arith.constant 1 : i32
    %get3A_1250 = arith.index_cast %get3A_1248 : i32 to index
    %get3A_1251 = arith.index_cast %get3A_1249 : i32 to index
    %get3A_1252 = arith.constant 96 : index
    %get3A_1253 = tpu.vector_load %arg10[%get3A_1250, %get3A_1251, %get3A_1252] {strides = array<i32>} : memref<3x4x128xf32, #tpu.memory_space<vmem>>, vector<1x1x16xf32>,
    %get3A_1254 = vector.shape_cast %get3A_1253 : vector<1x1x16xf32> to vector<16xf32>
    %convert_element_type3A_1255 = arith.fptosi %get3A_1254 : vector<16xf32> to vector<16xi32>
    %swap3A_1256 = arith.constant 2 : i32
    %swap3A_1257 = arith.constant 1 : i32
    %swap3A_1258 = arith.index_cast %swap3A_1256 : i32 to index
    %swap3A_1259 = arith.index_cast %swap3A_1257 : i32 to index
    %swap3A_1260 = arith.constant 96 : index
    %swap3A_1261 = tpu.vector_load %arg9[%swap3A_1258, %swap3A_1259, %swap3A_1260] {strides = array<i32>} : memref<3x4x128xi32, #tpu.memory_space<vmem>>, vector<1x1x16xi32>,
    %swap3A_1262 = vector.shape_cast %swap3A_1261 : vector<1x1x16xi32> to vector<16xi32>
    %swap3A_1263 = vector.shape_cast %convert_element_type3A_1255 : vector<16xi32> to vector<1x1x16xi32>
    tpu.vector_store %arg9[%swap3A_1258, %swap3A_1259, %swap3A_1260], %swap3A_1263 {strides = array<i32>} : memref<3x4x128xi32, #tpu.memory_space<vmem>>, vector<1x1x16xi32>,
    %get3A_1264 = arith.constant 2 : i32
    %get3A_1265 = arith.constant 1 : i32
    %get3A_1266 = arith.index_cast %get3A_1264 : i32 to index
    %get3A_1267 = arith.index_cast %get3A_1265 : i32 to index
    %get3A_1268 = arith.constant 112 : index
    %get3A_1269 = tpu.vector_load %arg10[%get3A_1266, %get3A_1267, %get3A_1268] {strides = array<i32>} : memref<3x4x128xf32, #tpu.memory_space<vmem>>, vector<1x1x16xf32>,
    %get3A_1270 = vector.shape_cast %get3A_1269 : vector<1x1x16xf32> to vector<16xf32>
    %convert_element_type3A_1271 = arith.fptosi %get3A_1270 : vector<16xf32> to vector<16xi32>
    %swap3A_1272 = arith.constant 2 : i32
    %swap3A_1273 = arith.constant 1 : i32
    %swap3A_1274 = arith.index_cast %swap3A_1272 : i32 to index
    %swap3A_1275 = arith.index_cast %swap3A_1273 : i32 to index
    %swap3A_1276 = arith.constant 112 : index
    %swap3A_1277 = tpu.vector_load %arg9[%swap3A_1274, %swap3A_1275, %swap3A_1276] {strides = array<i32>} : memref<3x4x128xi32, #tpu.memory_space<vmem>>, vector<1x1x16xi32>,
    %swap3A_1278 = vector.shape_cast %swap3A_1277 : vector<1x1x16xi32> to vector<16xi32>
    %swap3A_1279 = vector.shape_cast %convert_element_type3A_1271 : vector<16xi32> to vector<1x1x16xi32>
    tpu.vector_store %arg9[%swap3A_1274, %swap3A_1275, %swap3A_1276], %swap3A_1279 {strides = array<i32>} : memref<3x4x128xi32, #tpu.memory_space<vmem>>, vector<1x1x16xi32>,
    %get3A_1280 = arith.constant 2 : i32
    %get3A_1281 = arith.constant 2 : i32
    %get3A_1282 = arith.index_cast %get3A_1280 : i32 to index
    %get3A_1283 = arith.index_cast %get3A_1281 : i32 to index
    %get3A_1284 = arith.constant 0 : index
    %get3A_1285 = tpu.vector_load %arg10[%get3A_1282, %get3A_1283, %get3A_1284] {strides = array<i32>} : memref<3x4x128xf32, #tpu.memory_space<vmem>>, vector<1x1x16xf32>,
    %get3A_1286 = vector.shape_cast %get3A_1285 : vector<1x1x16xf32> to vector<16xf32>
    %convert_element_type3A_1287 = arith.fptosi %get3A_1286 : vector<16xf32> to vector<16xi32>
    %swap3A_1288 = arith.constant 2 : i32
    %swap3A_1289 = arith.constant 2 : i32
    %swap3A_1290 = arith.index_cast %swap3A_1288 : i32 to index
    %swap3A_1291 = arith.index_cast %swap3A_1289 : i32 to index
    %swap3A_1292 = arith.constant 0 : index
    %swap3A_1293 = tpu.vector_load %arg9[%swap3A_1290, %swap3A_1291, %swap3A_1292] {strides = array<i32>} : memref<3x4x128xi32, #tpu.memory_space<vmem>>, vector<1x1x16xi32>,
    %swap3A_1294 = vector.shape_cast %swap3A_1293 : vector<1x1x16xi32> to vector<16xi32>
    %swap3A_1295 = vector.shape_cast %convert_element_type3A_1287 : vector<16xi32> to vector<1x1x16xi32>
    tpu.vector_store %arg9[%swap3A_1290, %swap3A_1291, %swap3A_1292], %swap3A_1295 {strides = array<i32>} : memref<3x4x128xi32, #tpu.memory_space<vmem>>, vector<1x1x16xi32>,
    %get3A_1296 = arith.constant 2 : i32
    %get3A_1297 = arith.constant 2 : i32
    %get3A_1298 = arith.index_cast %get3A_1296 : i32 to index
    %get3A_1299 = arith.index_cast %get3A_1297 : i32 to index
    %get3A_1300 = arith.constant 16 : index
    %get3A_1301 = tpu.vector_load %arg10[%get3A_1298, %get3A_1299, %get3A_1300] {strides = array<i32>} : memref<3x4x128xf32, #tpu.memory_space<vmem>>, vector<1x1x16xf32>,
    %get3A_1302 = vector.shape_cast %get3A_1301 : vector<1x1x16xf32> to vector<16xf32>
    %convert_element_type3A_1303 = arith.fptosi %get3A_1302 : vector<16xf32> to vector<16xi32>
    %swap3A_1304 = arith.constant 2 : i32
    %swap3A_1305 = arith.constant 2 : i32
    %swap3A_1306 = arith.index_cast %swap3A_1304 : i32 to index
    %swap3A_1307 = arith.index_cast %swap3A_1305 : i32 to index
    %swap3A_1308 = arith.constant 16 : index
    %swap3A_1309 = tpu.vector_load %arg9[%swap3A_1306, %swap3A_1307, %swap3A_1308] {strides = array<i32>} : memref<3x4x128xi32, #tpu.memory_space<vmem>>, vector<1x1x16xi32>,
    %swap3A_1310 = vector.shape_cast %swap3A_1309 : vector<1x1x16xi32> to vector<16xi32>
    %swap3A_1311 = vector.shape_cast %convert_element_type3A_1303 : vector<16xi32> to vector<1x1x16xi32>
    tpu.vector_store %arg9[%swap3A_1306, %swap3A_1307, %swap3A_1308], %swap3A_1311 {strides = array<i32>} : memref<3x4x128xi32, #tpu.memory_space<vmem>>, vector<1x1x16xi32>,
    %get3A_1312 = arith.constant 2 : i32
    %get3A_1313 = arith.constant 2 : i32
    %get3A_1314 = arith.index_cast %get3A_1312 : i32 to index
    %get3A_1315 = arith.index_cast %get3A_1313 : i32 to index
    %get3A_1316 = arith.constant 32 : index
    %get3A_1317 = tpu.vector_load %arg10[%get3A_1314, %get3A_1315, %get3A_1316] {strides = array<i32>} : memref<3x4x128xf32, #tpu.memory_space<vmem>>, vector<1x1x16xf32>,
    %get3A_1318 = vector.shape_cast %get3A_1317 : vector<1x1x16xf32> to vector<16xf32>
    %convert_element_type3A_1319 = arith.fptosi %get3A_1318 : vector<16xf32> to vector<16xi32>
    %swap3A_1320 = arith.constant 2 : i32
    %swap3A_1321 = arith.constant 2 : i32
    %swap3A_1322 = arith.index_cast %swap3A_1320 : i32 to index
    %swap3A_1323 = arith.index_cast %swap3A_1321 : i32 to index
    %swap3A_1324 = arith.constant 32 : index
    %swap3A_1325 = tpu.vector_load %arg9[%swap3A_1322, %swap3A_1323, %swap3A_1324] {strides = array<i32>} : memref<3x4x128xi32, #tpu.memory_space<vmem>>, vector<1x1x16xi32>,
    %swap3A_1326 = vector.shape_cast %swap3A_1325 : vector<1x1x16xi32> to vector<16xi32>
    %swap3A_1327 = vector.shape_cast %convert_element_type3A_1319 : vector<16xi32> to vector<1x1x16xi32>
    tpu.vector_store %arg9[%swap3A_1322, %swap3A_1323, %swap3A_1324], %swap3A_1327 {strides = array<i32>} : memref<3x4x128xi32, #tpu.memory_space<vmem>>, vector<1x1x16xi32>,
    %get3A_1328 = arith.constant 2 : i32
    %get3A_1329 = arith.constant 2 : i32
    %get3A_1330 = arith.index_cast %get3A_1328 : i32 to index
    %get3A_1331 = arith.index_cast %get3A_1329 : i32 to index
    %get3A_1332 = arith.constant 48 : index
    %get3A_1333 = tpu.vector_load %arg10[%get3A_1330, %get3A_1331, %get3A_1332] {strides = array<i32>} : memref<3x4x128xf32, #tpu.memory_space<vmem>>, vector<1x1x16xf32>,
    %get3A_1334 = vector.shape_cast %get3A_1333 : vector<1x1x16xf32> to vector<16xf32>
    %convert_element_type3A_1335 = arith.fptosi %get3A_1334 : vector<16xf32> to vector<16xi32>
    %swap3A_1336 = arith.constant 2 : i32
    %swap3A_1337 = arith.constant 2 : i32
    %swap3A_1338 = arith.index_cast %swap3A_1336 : i32 to index
    %swap3A_1339 = arith.index_cast %swap3A_1337 : i32 to index
    %swap3A_1340 = arith.constant 48 : index
    %swap3A_1341 = tpu.vector_load %arg9[%swap3A_1338, %swap3A_1339, %swap3A_1340] {strides = array<i32>} : memref<3x4x128xi32, #tpu.memory_space<vmem>>, vector<1x1x16xi32>,
    %swap3A_1342 = vector.shape_cast %swap3A_1341 : vector<1x1x16xi32> to vector<16xi32>
    %swap3A_1343 = vector.shape_cast %convert_element_type3A_1335 : vector<16xi32> to vector<1x1x16xi32>
    tpu.vector_store %arg9[%swap3A_1338, %swap3A_1339, %swap3A_1340], %swap3A_1343 {strides = array<i32>} : memref<3x4x128xi32, #tpu.memory_space<vmem>>, vector<1x1x16xi32>,
    %get3A_1344 = arith.constant 2 : i32
    %get3A_1345 = arith.constant 2 : i32
    %get3A_1346 = arith.index_cast %get3A_1344 : i32 to index
    %get3A_1347 = arith.index_cast %get3A_1345 : i32 to index
    %get3A_1348 = arith.constant 64 : index
    %get3A_1349 = tpu.vector_load %arg10[%get3A_1346, %get3A_1347, %get3A_1348] {strides = array<i32>} : memref<3x4x128xf32, #tpu.memory_space<vmem>>, vector<1x1x16xf32>,
    %get3A_1350 = vector.shape_cast %get3A_1349 : vector<1x1x16xf32> to vector<16xf32>
    %convert_element_type3A_1351 = arith.fptosi %get3A_1350 : vector<16xf32> to vector<16xi32>
    %swap3A_1352 = arith.constant 2 : i32
    %swap3A_1353 = arith.constant 2 : i32
    %swap3A_1354 = arith.index_cast %swap3A_1352 : i32 to index
    %swap3A_1355 = arith.index_cast %swap3A_1353 : i32 to index
    %swap3A_1356 = arith.constant 64 : index
    %swap3A_1357 = tpu.vector_load %arg9[%swap3A_1354, %swap3A_1355, %swap3A_1356] {strides = array<i32>} : memref<3x4x128xi32, #tpu.memory_space<vmem>>, vector<1x1x16xi32>,
    %swap3A_1358 = vector.shape_cast %swap3A_1357 : vector<1x1x16xi32> to vector<16xi32>
    %swap3A_1359 = vector.shape_cast %convert_element_type3A_1351 : vector<16xi32> to vector<1x1x16xi32>
    tpu.vector_store %arg9[%swap3A_1354, %swap3A_1355, %swap3A_1356], %swap3A_1359 {strides = array<i32>} : memref<3x4x128xi32, #tpu.memory_space<vmem>>, vector<1x1x16xi32>,
    %get3A_1360 = arith.constant 2 : i32
    %get3A_1361 = arith.constant 2 : i32
    %get3A_1362 = arith.index_cast %get3A_1360 : i32 to index
    %get3A_1363 = arith.index_cast %get3A_1361 : i32 to index
    %get3A_1364 = arith.constant 80 : index
    %get3A_1365 = tpu.vector_load %arg10[%get3A_1362, %get3A_1363, %get3A_1364] {strides = array<i32>} : memref<3x4x128xf32, #tpu.memory_space<vmem>>, vector<1x1x16xf32>,
    %get3A_1366 = vector.shape_cast %get3A_1365 : vector<1x1x16xf32> to vector<16xf32>
    %convert_element_type3A_1367 = arith.fptosi %get3A_1366 : vector<16xf32> to vector<16xi32>
    %swap3A_1368 = arith.constant 2 : i32
    %swap3A_1369 = arith.constant 2 : i32
    %swap3A_1370 = arith.index_cast %swap3A_1368 : i32 to index
    %swap3A_1371 = arith.index_cast %swap3A_1369 : i32 to index
    %swap3A_1372 = arith.constant 80 : index
    %swap3A_1373 = tpu.vector_load %arg9[%swap3A_1370, %swap3A_1371, %swap3A_1372] {strides = array<i32>} : memref<3x4x128xi32, #tpu.memory_space<vmem>>, vector<1x1x16xi32>,
    %swap3A_1374 = vector.shape_cast %swap3A_1373 : vector<1x1x16xi32> to vector<16xi32>
    %swap3A_1375 = vector.shape_cast %convert_element_type3A_1367 : vector<16xi32> to vector<1x1x16xi32>
    tpu.vector_store %arg9[%swap3A_1370, %swap3A_1371, %swap3A_1372], %swap3A_1375 {strides = array<i32>} : memref<3x4x128xi32, #tpu.memory_space<vmem>>, vector<1x1x16xi32>,
    %get3A_1376 = arith.constant 2 : i32
    %get3A_1377 = arith.constant 2 : i32
    %get3A_1378 = arith.index_cast %get3A_1376 : i32 to index
    %get3A_1379 = arith.index_cast %get3A_1377 : i32 to index
    %get3A_1380 = arith.constant 96 : index
    %get3A_1381 = tpu.vector_load %arg10[%get3A_1378, %get3A_1379, %get3A_1380] {strides = array<i32>} : memref<3x4x128xf32, #tpu.memory_space<vmem>>, vector<1x1x16xf32>,
    %get3A_1382 = vector.shape_cast %get3A_1381 : vector<1x1x16xf32> to vector<16xf32>
    %convert_element_type3A_1383 = arith.fptosi %get3A_1382 : vector<16xf32> to vector<16xi32>
    %swap3A_1384 = arith.constant 2 : i32
    %swap3A_1385 = arith.constant 2 : i32
    %swap3A_1386 = arith.index_cast %swap3A_1384 : i32 to index
    %swap3A_1387 = arith.index_cast %swap3A_1385 : i32 to index
    %swap3A_1388 = arith.constant 96 : index
    %swap3A_1389 = tpu.vector_load %arg9[%swap3A_1386, %swap3A_1387, %swap3A_1388] {strides = array<i32>} : memref<3x4x128xi32, #tpu.memory_space<vmem>>, vector<1x1x16xi32>,
    %swap3A_1390 = vector.shape_cast %swap3A_1389 : vector<1x1x16xi32> to vector<16xi32>
    %swap3A_1391 = vector.shape_cast %convert_element_type3A_1383 : vector<16xi32> to vector<1x1x16xi32>
    tpu.vector_store %arg9[%swap3A_1386, %swap3A_1387, %swap3A_1388], %swap3A_1391 {strides = array<i32>} : memref<3x4x128xi32, #tpu.memory_space<vmem>>, vector<1x1x16xi32>,
    %get3A_1392 = arith.constant 2 : i32
    %get3A_1393 = arith.constant 2 : i32
    %get3A_1394 = arith.index_cast %get3A_1392 : i32 to index
    %get3A_1395 = arith.index_cast %get3A_1393 : i32 to index
    %get3A_1396 = arith.constant 112 : index
    %get3A_1397 = tpu.vector_load %arg10[%get3A_1394, %get3A_1395, %get3A_1396] {strides = array<i32>} : memref<3x4x128xf32, #tpu.memory_space<vmem>>, vector<1x1x16xf32>,
    %get3A_1398 = vector.shape_cast %get3A_1397 : vector<1x1x16xf32> to vector<16xf32>
    %convert_element_type3A_1399 = arith.fptosi %get3A_1398 : vector<16xf32> to vector<16xi32>
    %swap3A_1400 = arith.constant 2 : i32
    %swap3A_1401 = arith.constant 2 : i32
    %swap3A_1402 = arith.index_cast %swap3A_1400 : i32 to index
    %swap3A_1403 = arith.index_cast %swap3A_1401 : i32 to index
    %swap3A_1404 = arith.constant 112 : index
    %swap3A_1405 = tpu.vector_load %arg9[%swap3A_1402, %swap3A_1403, %swap3A_1404] {strides = array<i32>} : memref<3x4x128xi32, #tpu.memory_space<vmem>>, vector<1x1x16xi32>,
    %swap3A_1406 = vector.shape_cast %swap3A_1405 : vector<1x1x16xi32> to vector<16xi32>
    %swap3A_1407 = vector.shape_cast %convert_element_type3A_1399 : vector<16xi32> to vector<1x1x16xi32>
    tpu.vector_store %arg9[%swap3A_1402, %swap3A_1403, %swap3A_1404], %swap3A_1407 {strides = array<i32>} : memref<3x4x128xi32, #tpu.memory_space<vmem>>, vector<1x1x16xi32>,
    %get3A_1408 = arith.constant 2 : i32
    %get3A_1409 = arith.constant 3 : i32
    %get3A_1410 = arith.index_cast %get3A_1408 : i32 to index
    %get3A_1411 = arith.index_cast %get3A_1409 : i32 to index
    %get3A_1412 = arith.constant 0 : index
    %get3A_1413 = tpu.vector_load %arg10[%get3A_1410, %get3A_1411, %get3A_1412] {strides = array<i32>} : memref<3x4x128xf32, #tpu.memory_space<vmem>>, vector<1x1x16xf32>,
    %get3A_1414 = vector.shape_cast %get3A_1413 : vector<1x1x16xf32> to vector<16xf32>
    %convert_element_type3A_1415 = arith.fptosi %get3A_1414 : vector<16xf32> to vector<16xi32>
    %swap3A_1416 = arith.constant 2 : i32
    %swap3A_1417 = arith.constant 3 : i32
    %swap3A_1418 = arith.index_cast %swap3A_1416 : i32 to index
    %swap3A_1419 = arith.index_cast %swap3A_1417 : i32 to index
    %swap3A_1420 = arith.constant 0 : index
    %swap3A_1421 = tpu.vector_load %arg9[%swap3A_1418, %swap3A_1419, %swap3A_1420] {strides = array<i32>} : memref<3x4x128xi32, #tpu.memory_space<vmem>>, vector<1x1x16xi32>,
    %swap3A_1422 = vector.shape_cast %swap3A_1421 : vector<1x1x16xi32> to vector<16xi32>
    %swap3A_1423 = vector.shape_cast %convert_element_type3A_1415 : vector<16xi32> to vector<1x1x16xi32>
    tpu.vector_store %arg9[%swap3A_1418, %swap3A_1419, %swap3A_1420], %swap3A_1423 {strides = array<i32>} : memref<3x4x128xi32, #tpu.memory_space<vmem>>, vector<1x1x16xi32>,
    %get3A_1424 = arith.constant 2 : i32
    %get3A_1425 = arith.constant 3 : i32
    %get3A_1426 = arith.index_cast %get3A_1424 : i32 to index
    %get3A_1427 = arith.index_cast %get3A_1425 : i32 to index
    %get3A_1428 = arith.constant 16 : index
    %get3A_1429 = tpu.vector_load %arg10[%get3A_1426, %get3A_1427, %get3A_1428] {strides = array<i32>} : memref<3x4x128xf32, #tpu.memory_space<vmem>>, vector<1x1x16xf32>,
    %get3A_1430 = vector.shape_cast %get3A_1429 : vector<1x1x16xf32> to vector<16xf32>
    %convert_element_type3A_1431 = arith.fptosi %get3A_1430 : vector<16xf32> to vector<16xi32>
    %swap3A_1432 = arith.constant 2 : i32
    %swap3A_1433 = arith.constant 3 : i32
    %swap3A_1434 = arith.index_cast %swap3A_1432 : i32 to index
    %swap3A_1435 = arith.index_cast %swap3A_1433 : i32 to index
    %swap3A_1436 = arith.constant 16 : index
    %swap3A_1437 = tpu.vector_load %arg9[%swap3A_1434, %swap3A_1435, %swap3A_1436] {strides = array<i32>} : memref<3x4x128xi32, #tpu.memory_space<vmem>>, vector<1x1x16xi32>,
    %swap3A_1438 = vector.shape_cast %swap3A_1437 : vector<1x1x16xi32> to vector<16xi32>
    %swap3A_1439 = vector.shape_cast %convert_element_type3A_1431 : vector<16xi32> to vector<1x1x16xi32>
    tpu.vector_store %arg9[%swap3A_1434, %swap3A_1435, %swap3A_1436], %swap3A_1439 {strides = array<i32>} : memref<3x4x128xi32, #tpu.memory_space<vmem>>, vector<1x1x16xi32>,
    %get3A_1440 = arith.constant 2 : i32
    %get3A_1441 = arith.constant 3 : i32
    %get3A_1442 = arith.index_cast %get3A_1440 : i32 to index
    %get3A_1443 = arith.index_cast %get3A_1441 : i32 to index
    %get3A_1444 = arith.constant 32 : index
    %get3A_1445 = tpu.vector_load %arg10[%get3A_1442, %get3A_1443, %get3A_1444] {strides = array<i32>} : memref<3x4x128xf32, #tpu.memory_space<vmem>>, vector<1x1x16xf32>,
    %get3A_1446 = vector.shape_cast %get3A_1445 : vector<1x1x16xf32> to vector<16xf32>
    %convert_element_type3A_1447 = arith.fptosi %get3A_1446 : vector<16xf32> to vector<16xi32>
    %swap3A_1448 = arith.constant 2 : i32
    %swap3A_1449 = arith.constant 3 : i32
    %swap3A_1450 = arith.index_cast %swap3A_1448 : i32 to index
    %swap3A_1451 = arith.index_cast %swap3A_1449 : i32 to index
    %swap3A_1452 = arith.constant 32 : index
    %swap3A_1453 = tpu.vector_load %arg9[%swap3A_1450, %swap3A_1451, %swap3A_1452] {strides = array<i32>} : memref<3x4x128xi32, #tpu.memory_space<vmem>>, vector<1x1x16xi32>,
    %swap3A_1454 = vector.shape_cast %swap3A_1453 : vector<1x1x16xi32> to vector<16xi32>
    %swap3A_1455 = vector.shape_cast %convert_element_type3A_1447 : vector<16xi32> to vector<1x1x16xi32>
    tpu.vector_store %arg9[%swap3A_1450, %swap3A_1451, %swap3A_1452], %swap3A_1455 {strides = array<i32>} : memref<3x4x128xi32, #tpu.memory_space<vmem>>, vector<1x1x16xi32>,
    %get3A_1456 = arith.constant 2 : i32
    %get3A_1457 = arith.constant 3 : i32
    %get3A_1458 = arith.index_cast %get3A_1456 : i32 to index
    %get3A_1459 = arith.index_cast %get3A_1457 : i32 to index
    %get3A_1460 = arith.constant 48 : index
    %get3A_1461 = tpu.vector_load %arg10[%get3A_1458, %get3A_1459, %get3A_1460] {strides = array<i32>} : memref<3x4x128xf32, #tpu.memory_space<vmem>>, vector<1x1x16xf32>,
    %get3A_1462 = vector.shape_cast %get3A_1461 : vector<1x1x16xf32> to vector<16xf32>
    %convert_element_type3A_1463 = arith.fptosi %get3A_1462 : vector<16xf32> to vector<16xi32>
    %swap3A_1464 = arith.constant 2 : i32
    %swap3A_1465 = arith.constant 3 : i32
    %swap3A_1466 = arith.index_cast %swap3A_1464 : i32 to index
    %swap3A_1467 = arith.index_cast %swap3A_1465 : i32 to index
    %swap3A_1468 = arith.constant 48 : index
    %swap3A_1469 = tpu.vector_load %arg9[%swap3A_1466, %swap3A_1467, %swap3A_1468] {strides = array<i32>} : memref<3x4x128xi32, #tpu.memory_space<vmem>>, vector<1x1x16xi32>,
    %swap3A_1470 = vector.shape_cast %swap3A_1469 : vector<1x1x16xi32> to vector<16xi32>
    %swap3A_1471 = vector.shape_cast %convert_element_type3A_1463 : vector<16xi32> to vector<1x1x16xi32>
    tpu.vector_store %arg9[%swap3A_1466, %swap3A_1467, %swap3A_1468], %swap3A_1471 {strides = array<i32>} : memref<3x4x128xi32, #tpu.memory_space<vmem>>, vector<1x1x16xi32>,
    %get3A_1472 = arith.constant 2 : i32
    %get3A_1473 = arith.constant 3 : i32
    %get3A_1474 = arith.index_cast %get3A_1472 : i32 to index
    %get3A_1475 = arith.index_cast %get3A_1473 : i32 to index
    %get3A_1476 = arith.constant 64 : index
    %get3A_1477 = tpu.vector_load %arg10[%get3A_1474, %get3A_1475, %get3A_1476] {strides = array<i32>} : memref<3x4x128xf32, #tpu.memory_space<vmem>>, vector<1x1x16xf32>,
    %get3A_1478 = vector.shape_cast %get3A_1477 : vector<1x1x16xf32> to vector<16xf32>
    %convert_element_type3A_1479 = arith.fptosi %get3A_1478 : vector<16xf32> to vector<16xi32>
    %swap3A_1480 = arith.constant 2 : i32
    %swap3A_1481 = arith.constant 3 : i32
    %swap3A_1482 = arith.index_cast %swap3A_1480 : i32 to index
    %swap3A_1483 = arith.index_cast %swap3A_1481 : i32 to index
    %swap3A_1484 = arith.constant 64 : index
    %swap3A_1485 = tpu.vector_load %arg9[%swap3A_1482, %swap3A_1483, %swap3A_1484] {strides = array<i32>} : memref<3x4x128xi32, #tpu.memory_space<vmem>>, vector<1x1x16xi32>,
    %swap3A_1486 = vector.shape_cast %swap3A_1485 : vector<1x1x16xi32> to vector<16xi32>
    %swap3A_1487 = vector.shape_cast %convert_element_type3A_1479 : vector<16xi32> to vector<1x1x16xi32>
    tpu.vector_store %arg9[%swap3A_1482, %swap3A_1483, %swap3A_1484], %swap3A_1487 {strides = array<i32>} : memref<3x4x128xi32, #tpu.memory_space<vmem>>, vector<1x1x16xi32>,
    %get3A_1488 = arith.constant 2 : i32
    %get3A_1489 = arith.constant 3 : i32
    %get3A_1490 = arith.index_cast %get3A_1488 : i32 to index
    %get3A_1491 = arith.index_cast %get3A_1489 : i32 to index
    %get3A_1492 = arith.constant 80 : index
    %get3A_1493 = tpu.vector_load %arg10[%get3A_1490, %get3A_1491, %get3A_1492] {strides = array<i32>} : memref<3x4x128xf32, #tpu.memory_space<vmem>>, vector<1x1x16xf32>,
    %get3A_1494 = vector.shape_cast %get3A_1493 : vector<1x1x16xf32> to vector<16xf32>
    %convert_element_type3A_1495 = arith.fptosi %get3A_1494 : vector<16xf32> to vector<16xi32>
    %swap3A_1496 = arith.constant 2 : i32
    %swap3A_1497 = arith.constant 3 : i32
    %swap3A_1498 = arith.index_cast %swap3A_1496 : i32 to index
    %swap3A_1499 = arith.index_cast %swap3A_1497 : i32 to index
    %swap3A_1500 = arith.constant 80 : index
    %swap3A_1501 = tpu.vector_load %arg9[%swap3A_1498, %swap3A_1499, %swap3A_1500] {strides = array<i32>} : memref<3x4x128xi32, #tpu.memory_space<vmem>>, vector<1x1x16xi32>,
    %swap3A_1502 = vector.shape_cast %swap3A_1501 : vector<1x1x16xi32> to vector<16xi32>
    %swap3A_1503 = vector.shape_cast %convert_element_type3A_1495 : vector<16xi32> to vector<1x1x16xi32>
    tpu.vector_store %arg9[%swap3A_1498, %swap3A_1499, %swap3A_1500], %swap3A_1503 {strides = array<i32>} : memref<3x4x128xi32, #tpu.memory_space<vmem>>, vector<1x1x16xi32>,
    %get3A_1504 = arith.constant 2 : i32
    %get3A_1505 = arith.constant 3 : i32
    %get3A_1506 = arith.index_cast %get3A_1504 : i32 to index
    %get3A_1507 = arith.index_cast %get3A_1505 : i32 to index
    %get3A_1508 = arith.constant 96 : index
    %get3A_1509 = tpu.vector_load %arg10[%get3A_1506, %get3A_1507, %get3A_1508] {strides = array<i32>} : memref<3x4x128xf32, #tpu.memory_space<vmem>>, vector<1x1x16xf32>,
    %get3A_1510 = vector.shape_cast %get3A_1509 : vector<1x1x16xf32> to vector<16xf32>
    %convert_element_type3A_1511 = arith.fptosi %get3A_1510 : vector<16xf32> to vector<16xi32>
    %swap3A_1512 = arith.constant 2 : i32
    %swap3A_1513 = arith.constant 3 : i32
    %swap3A_1514 = arith.index_cast %swap3A_1512 : i32 to index
    %swap3A_1515 = arith.index_cast %swap3A_1513 : i32 to index
    %swap3A_1516 = arith.constant 96 : index
    %swap3A_1517 = tpu.vector_load %arg9[%swap3A_1514, %swap3A_1515, %swap3A_1516] {strides = array<i32>} : memref<3x4x128xi32, #tpu.memory_space<vmem>>, vector<1x1x16xi32>,
    %swap3A_1518 = vector.shape_cast %swap3A_1517 : vector<1x1x16xi32> to vector<16xi32>
    %swap3A_1519 = vector.shape_cast %convert_element_type3A_1511 : vector<16xi32> to vector<1x1x16xi32>
    tpu.vector_store %arg9[%swap3A_1514, %swap3A_1515, %swap3A_1516], %swap3A_1519 {strides = array<i32>} : memref<3x4x128xi32, #tpu.memory_space<vmem>>, vector<1x1x16xi32>,
    %get3A_1520 = arith.constant 2 : i32
    %get3A_1521 = arith.constant 3 : i32
    %get3A_1522 = arith.index_cast %get3A_1520 : i32 to index
    %get3A_1523 = arith.index_cast %get3A_1521 : i32 to index
    %get3A_1524 = arith.constant 112 : index
    %get3A_1525 = tpu.vector_load %arg10[%get3A_1522, %get3A_1523, %get3A_1524] {strides = array<i32>} : memref<3x4x128xf32, #tpu.memory_space<vmem>>, vector<1x1x16xf32>,
    %get3A_1526 = vector.shape_cast %get3A_1525 : vector<1x1x16xf32> to vector<16xf32>
    %convert_element_type3A_1527 = arith.fptosi %get3A_1526 : vector<16xf32> to vector<16xi32>
    %swap3A_1528 = arith.constant 2 : i32
    %swap3A_1529 = arith.constant 3 : i32
    %swap3A_1530 = arith.index_cast %swap3A_1528 : i32 to index
    %swap3A_1531 = arith.index_cast %swap3A_1529 : i32 to index
    %swap3A_1532 = arith.constant 112 : index
    %swap3A_1533 = tpu.vector_load %arg9[%swap3A_1530, %swap3A_1531, %swap3A_1532] {strides = array<i32>} : memref<3x4x128xi32, #tpu.memory_space<vmem>>, vector<1x1x16xi32>,
    %swap3A_1534 = vector.shape_cast %swap3A_1533 : vector<1x1x16xi32> to vector<16xi32>
    %swap3A_1535 = vector.shape_cast %convert_element_type3A_1527 : vector<16xi32> to vector<1x1x16xi32>
    tpu.vector_store %arg9[%swap3A_1530, %swap3A_1531, %swap3A_1532], %swap3A_1535 {strides = array<i32>} : memref<3x4x128xi32, #tpu.memory_space<vmem>>, vector<1x1x16xi32>,
    %dma_start3A = arith.constant 0 : i32
    %dma_start3A_1536 = arith.constant 0 : i32
    %dma_start3A_1537 = arith.constant 0 : i32
    %dma_start3A_1538 = tpu.memref_slice %arg9[%dma_start3A, %dma_start3A_1536, %dma_start3A_1537] : memref<3x4x128xi32, #tpu.memory_space<vmem>> -> memref<1x1x128xi32, #tpu.memory_space<vmem>>
    %dma_start3A_1539 = tpu.memref_squeeze %dma_start3A_1538 : memref<1x1x128xi32, #tpu.memory_space<vmem>> -> memref<128xi32, #tpu.memory_space<vmem>>
    %dma_start3A_1540 = arith.constant 0 : i32
    %dma_start3A_1541 = arith.constant 0 : i32
    %dma_start3A_1542 = tpu.memref_slice %arg2[%dma_start3A_1540, %dma_start3A_1541] : memref<100002x128xf32, #tpu.memory_space<hbm>> -> memref<100002x128xf32, #tpu.memory_space<hbm>>
    tpu.enqueue_indirect_dma source(%dma_start3A_1542 : memref<100002x128xf32, #tpu.memory_space<hbm>>) target(%arg11 : memref<128x128xf32, #tpu.memory_space<vmem>>) offsets(%dma_start3A_1539 : memref<128xi32, #tpu.memory_space<vmem>>) semaphore(%arg15 : memref<!tpu.dma_semaphore, #tpu.memory_space<semaphore_mem>>)
    %dma_start3A_1543 = arith.constant 0 : i32
    %dma_start3A_1544 = arith.constant 1 : i32
    %dma_start3A_1545 = arith.constant 0 : i32
    %dma_start3A_1546 = tpu.memref_slice %arg9[%dma_start3A_1543, %dma_start3A_1544, %dma_start3A_1545] : memref<3x4x128xi32, #tpu.memory_space<vmem>> -> memref<1x1x128xi32, #tpu.memory_space<vmem>>
    %dma_start3A_1547 = tpu.memref_squeeze %dma_start3A_1546 : memref<1x1x128xi32, #tpu.memory_space<vmem>> -> memref<128xi32, #tpu.memory_space<vmem>>
    %dma_start3A_1548 = arith.constant 0 : i32
    %dma_start3A_1549 = arith.constant 0 : i32
    %dma_start3A_1550 = tpu.memref_slice %arg2[%dma_start3A_1548, %dma_start3A_1549] : memref<100002x128xf32, #tpu.memory_space<hbm>> -> memref<100002x128xf32, #tpu.memory_space<hbm>>
    tpu.enqueue_indirect_dma source(%dma_start3A_1550 : memref<100002x128xf32, #tpu.memory_space<hbm>>) target(%arg12 : memref<128x128xf32, #tpu.memory_space<vmem>>) offsets(%dma_start3A_1547 : memref<128xi32, #tpu.memory_space<vmem>>) semaphore(%arg16 : memref<!tpu.dma_semaphore, #tpu.memory_space<semaphore_mem>>)
    %dma_start3A_1551 = arith.constant 0 : i32
    %dma_start3A_1552 = arith.constant 2 : i32
    %dma_start3A_1553 = arith.constant 0 : i32
    %dma_start3A_1554 = tpu.memref_slice %arg9[%dma_start3A_1551, %dma_start3A_1552, %dma_start3A_1553] : memref<3x4x128xi32, #tpu.memory_space<vmem>> -> memref<1x1x128xi32, #tpu.memory_space<vmem>>
    %dma_start3A_1555 = tpu.memref_squeeze %dma_start3A_1554 : memref<1x1x128xi32, #tpu.memory_space<vmem>> -> memref<128xi32, #tpu.memory_space<vmem>>
    %dma_start3A_1556 = arith.constant 0 : i32
    %dma_start3A_1557 = arith.constant 0 : i32
    %dma_start3A_1558 = tpu.memref_slice %arg2[%dma_start3A_1556, %dma_start3A_1557] : memref<100002x128xf32, #tpu.memory_space<hbm>> -> memref<100002x128xf32, #tpu.memory_space<hbm>>
    tpu.enqueue_indirect_dma source(%dma_start3A_1558 : memref<100002x128xf32, #tpu.memory_space<hbm>>) target(%arg13 : memref<128x128xf32, #tpu.memory_space<vmem>>) offsets(%dma_start3A_1555 : memref<128xi32, #tpu.memory_space<vmem>>) semaphore(%arg17 : memref<!tpu.dma_semaphore, #tpu.memory_space<semaphore_mem>>)
    %dma_start3A_1559 = arith.constant 0 : i32
    %dma_start3A_1560 = arith.constant 3 : i32
    %dma_start3A_1561 = arith.constant 0 : i32
    %dma_start3A_1562 = tpu.memref_slice %arg9[%dma_start3A_1559, %dma_start3A_1560, %dma_start3A_1561] : memref<3x4x128xi32, #tpu.memory_space<vmem>> -> memref<1x1x128xi32, #tpu.memory_space<vmem>>
    %dma_start3A_1563 = tpu.memref_squeeze %dma_start3A_1562 : memref<1x1x128xi32, #tpu.memory_space<vmem>> -> memref<128xi32, #tpu.memory_space<vmem>>
    %dma_start3A_1564 = arith.constant 0 : i32
    %dma_start3A_1565 = arith.constant 0 : i32
    %dma_start3A_1566 = tpu.memref_slice %arg2[%dma_start3A_1564, %dma_start3A_1565] : memref<100002x128xf32, #tpu.memory_space<hbm>> -> memref<100002x128xf32, #tpu.memory_space<hbm>>
    tpu.enqueue_indirect_dma source(%dma_start3A_1566 : memref<100002x128xf32, #tpu.memory_space<hbm>>) target(%arg14 : memref<128x128xf32, #tpu.memory_space<vmem>>) offsets(%dma_start3A_1563 : memref<128xi32, #tpu.memory_space<vmem>>) semaphore(%arg18 : memref<!tpu.dma_semaphore, #tpu.memory_space<semaphore_mem>>)
    %dma_wait3A = arith.constant 0 : i32
    %dma_wait3A_1567 = arith.constant 0 : i32
    %dma_wait3A_1568 = arith.constant 0 : i32
    %dma_wait3A_1569 = tpu.memref_slice %arg9[%dma_wait3A, %dma_wait3A_1567, %dma_wait3A_1568] : memref<3x4x128xi32, #tpu.memory_space<vmem>> -> memref<1x1x128xi32, #tpu.memory_space<vmem>>
    %dma_wait3A_1570 = tpu.memref_squeeze %dma_wait3A_1569 : memref<1x1x128xi32, #tpu.memory_space<vmem>> -> memref<128xi32, #tpu.memory_space<vmem>>
    %dma_wait3A_1571 = arith.constant 0 : i32
    %dma_wait3A_1572 = arith.constant 0 : i32
    %dma_wait3A_1573 = tpu.memref_slice %arg2[%dma_wait3A_1571, %dma_wait3A_1572] : memref<100002x128xf32, #tpu.memory_space<hbm>> -> memref<100002x128xf32, #tpu.memory_space<hbm>>
    tpu.wait_indirect_dma semaphore(%arg15 : memref<!tpu.dma_semaphore, #tpu.memory_space<semaphore_mem>>) src(%dma_wait3A_1573 : memref<100002x128xf32, #tpu.memory_space<hbm>>) dst(%arg11 : memref<128x128xf32, #tpu.memory_space<vmem>>)
    %add3A_1574 = arith.constant 0 : i32
    %add3A_1575 = arith.addi %mul3A_2, %add3A_1574 : i32
    %dma_start3A_1576 = arith.constant 0 : i32
    %dma_start3A_1577 = tpu.memref_slice %arg6[%add3A_1575, %dma_start3A_1576] : memref<16384x128xf32, #tpu.memory_space<hbm>> -> memref<128x128xf32, #tpu.memory_space<hbm>>
    %dma_start3A_1578 = arith.constant 0 : i32
    %dma_start3A_1579 = tpu.memref_slice %arg6[%add3A_1575, %dma_start3A_1578] : memref<16384x128xf32, #tpu.memory_space<hbm>> -> memref<128x128xf32, #tpu.memory_space<hbm>>
    tpu.enqueue_dma source(%arg11 : memref<128x128xf32, #tpu.memory_space<vmem>>) target(%dma_start3A_1579 : memref<128x128xf32, #tpu.memory_space<hbm>>) target_semaphore(%arg19 : memref<!tpu.dma_semaphore, #tpu.memory_space<semaphore_mem>>)
    %dma_wait3A_1580 = arith.constant 0 : i32
    %dma_wait3A_1581 = tpu.memref_slice %arg6[%add3A_1575, %dma_wait3A_1580] : memref<16384x128xf32, #tpu.memory_space<hbm>> -> memref<128x128xf32, #tpu.memory_space<hbm>>
    %dma_wait3A_1582 = arith.constant 0 : i32
    %dma_wait3A_1583 = tpu.memref_slice %arg6[%add3A_1575, %dma_wait3A_1582] : memref<16384x128xf32, #tpu.memory_space<hbm>> -> memref<128x128xf32, #tpu.memory_space<hbm>>
    tpu.wait_dma2 semaphore(%arg19 : memref<!tpu.dma_semaphore, #tpu.memory_space<semaphore_mem>>) src(%arg11 : memref<128x128xf32, #tpu.memory_space<vmem>>) dst(%dma_wait3A_1583 : memref<128x128xf32, #tpu.memory_space<hbm>>)
    %dma_start3A_1584 = arith.constant 1 : i32
    %dma_start3A_1585 = arith.constant 0 : i32
    %dma_start3A_1586 = arith.constant 0 : i32
    %dma_start3A_1587 = tpu.memref_slice %arg9[%dma_start3A_1584, %dma_start3A_1585, %dma_start3A_1586] : memref<3x4x128xi32, #tpu.memory_space<vmem>> -> memref<1x1x128xi32, #tpu.memory_space<vmem>>
    %dma_start3A_1588 = tpu.memref_squeeze %dma_start3A_1587 : memref<1x1x128xi32, #tpu.memory_space<vmem>> -> memref<128xi32, #tpu.memory_space<vmem>>
    %dma_start3A_1589 = arith.constant 0 : i32
    %dma_start3A_1590 = arith.constant 0 : i32
    %dma_start3A_1591 = tpu.memref_slice %arg3[%dma_start3A_1589, %dma_start3A_1590] : memref<1002x128xf32, #tpu.memory_space<hbm>> -> memref<1002x128xf32, #tpu.memory_space<hbm>>
    tpu.enqueue_indirect_dma source(%dma_start3A_1591 : memref<1002x128xf32, #tpu.memory_space<hbm>>) target(%arg11 : memref<128x128xf32, #tpu.memory_space<vmem>>) offsets(%dma_start3A_1588 : memref<128xi32, #tpu.memory_space<vmem>>) semaphore(%arg15 : memref<!tpu.dma_semaphore, #tpu.memory_space<semaphore_mem>>)
    %dma_wait3A_1592 = arith.constant 0 : i32
    %dma_wait3A_1593 = arith.constant 1 : i32
    %dma_wait3A_1594 = arith.constant 0 : i32
    %dma_wait3A_1595 = tpu.memref_slice %arg9[%dma_wait3A_1592, %dma_wait3A_1593, %dma_wait3A_1594] : memref<3x4x128xi32, #tpu.memory_space<vmem>> -> memref<1x1x128xi32, #tpu.memory_space<vmem>>
    %dma_wait3A_1596 = tpu.memref_squeeze %dma_wait3A_1595 : memref<1x1x128xi32, #tpu.memory_space<vmem>> -> memref<128xi32, #tpu.memory_space<vmem>>
    %dma_wait3A_1597 = arith.constant 0 : i32
    %dma_wait3A_1598 = arith.constant 0 : i32
    %dma_wait3A_1599 = tpu.memref_slice %arg2[%dma_wait3A_1597, %dma_wait3A_1598] : memref<100002x128xf32, #tpu.memory_space<hbm>> -> memref<100002x128xf32, #tpu.memory_space<hbm>>
    tpu.wait_indirect_dma semaphore(%arg16 : memref<!tpu.dma_semaphore, #tpu.memory_space<semaphore_mem>>) src(%dma_wait3A_1599 : memref<100002x128xf32, #tpu.memory_space<hbm>>) dst(%arg12 : memref<128x128xf32, #tpu.memory_space<vmem>>)
    %add3A_1600 = arith.constant 128 : i32
    %add3A_1601 = arith.addi %mul3A_2, %add3A_1600 : i32
    %dma_start3A_1602 = arith.constant 0 : i32
    %dma_start3A_1603 = tpu.memref_slice %arg6[%add3A_1601, %dma_start3A_1602] : memref<16384x128xf32, #tpu.memory_space<hbm>> -> memref<128x128xf32, #tpu.memory_space<hbm>>
    %dma_start3A_1604 = arith.constant 0 : i32
    %dma_start3A_1605 = tpu.memref_slice %arg6[%add3A_1601, %dma_start3A_1604] : memref<16384x128xf32, #tpu.memory_space<hbm>> -> memref<128x128xf32, #tpu.memory_space<hbm>>
    tpu.enqueue_dma source(%arg12 : memref<128x128xf32, #tpu.memory_space<vmem>>) target(%dma_start3A_1605 : memref<128x128xf32, #tpu.memory_space<hbm>>) target_semaphore(%arg20 : memref<!tpu.dma_semaphore, #tpu.memory_space<semaphore_mem>>)
    %dma_wait3A_1606 = arith.constant 0 : i32
    %dma_wait3A_1607 = tpu.memref_slice %arg6[%add3A_1601, %dma_wait3A_1606] : memref<16384x128xf32, #tpu.memory_space<hbm>> -> memref<128x128xf32, #tpu.memory_space<hbm>>
    %dma_wait3A_1608 = arith.constant 0 : i32
    %dma_wait3A_1609 = tpu.memref_slice %arg6[%add3A_1601, %dma_wait3A_1608] : memref<16384x128xf32, #tpu.memory_space<hbm>> -> memref<128x128xf32, #tpu.memory_space<hbm>>
    tpu.wait_dma2 semaphore(%arg20 : memref<!tpu.dma_semaphore, #tpu.memory_space<semaphore_mem>>) src(%arg12 : memref<128x128xf32, #tpu.memory_space<vmem>>) dst(%dma_wait3A_1609 : memref<128x128xf32, #tpu.memory_space<hbm>>)
    %dma_start3A_1610 = arith.constant 1 : i32
    %dma_start3A_1611 = arith.constant 1 : i32
    %dma_start3A_1612 = arith.constant 0 : i32
    %dma_start3A_1613 = tpu.memref_slice %arg9[%dma_start3A_1610, %dma_start3A_1611, %dma_start3A_1612] : memref<3x4x128xi32, #tpu.memory_space<vmem>> -> memref<1x1x128xi32, #tpu.memory_space<vmem>>
    %dma_start3A_1614 = tpu.memref_squeeze %dma_start3A_1613 : memref<1x1x128xi32, #tpu.memory_space<vmem>> -> memref<128xi32, #tpu.memory_space<vmem>>
    %dma_start3A_1615 = arith.constant 0 : i32
    %dma_start3A_1616 = arith.constant 0 : i32
    %dma_start3A_1617 = tpu.memref_slice %arg3[%dma_start3A_1615, %dma_start3A_1616] : memref<1002x128xf32, #tpu.memory_space<hbm>> -> memref<1002x128xf32, #tpu.memory_space<hbm>>
    tpu.enqueue_indirect_dma source(%dma_start3A_1617 : memref<1002x128xf32, #tpu.memory_space<hbm>>) target(%arg12 : memref<128x128xf32, #tpu.memory_space<vmem>>) offsets(%dma_start3A_1614 : memref<128xi32, #tpu.memory_space<vmem>>) semaphore(%arg16 : memref<!tpu.dma_semaphore, #tpu.memory_space<semaphore_mem>>)
    %dma_wait3A_1618 = arith.constant 0 : i32
    %dma_wait3A_1619 = arith.constant 2 : i32
    %dma_wait3A_1620 = arith.constant 0 : i32
    %dma_wait3A_1621 = tpu.memref_slice %arg9[%dma_wait3A_1618, %dma_wait3A_1619, %dma_wait3A_1620] : memref<3x4x128xi32, #tpu.memory_space<vmem>> -> memref<1x1x128xi32, #tpu.memory_space<vmem>>
    %dma_wait3A_1622 = tpu.memref_squeeze %dma_wait3A_1621 : memref<1x1x128xi32, #tpu.memory_space<vmem>> -> memref<128xi32, #tpu.memory_space<vmem>>
    %dma_wait3A_1623 = arith.constant 0 : i32
    %dma_wait3A_1624 = arith.constant 0 : i32
    %dma_wait3A_1625 = tpu.memref_slice %arg2[%dma_wait3A_1623, %dma_wait3A_1624] : memref<100002x128xf32, #tpu.memory_space<hbm>> -> memref<100002x128xf32, #tpu.memory_space<hbm>>
    tpu.wait_indirect_dma semaphore(%arg17 : memref<!tpu.dma_semaphore, #tpu.memory_space<semaphore_mem>>) src(%dma_wait3A_1625 : memref<100002x128xf32, #tpu.memory_space<hbm>>) dst(%arg13 : memref<128x128xf32, #tpu.memory_space<vmem>>)
    %add3A_1626 = arith.constant 256 : i32
    %add3A_1627 = arith.addi %mul3A_2, %add3A_1626 : i32
    %dma_start3A_1628 = arith.constant 0 : i32
    %dma_start3A_1629 = tpu.memref_slice %arg6[%add3A_1627, %dma_start3A_1628] : memref<16384x128xf32, #tpu.memory_space<hbm>> -> memref<128x128xf32, #tpu.memory_space<hbm>>
    %dma_start3A_1630 = arith.constant 0 : i32
    %dma_start3A_1631 = tpu.memref_slice %arg6[%add3A_1627, %dma_start3A_1630] : memref<16384x128xf32, #tpu.memory_space<hbm>> -> memref<128x128xf32, #tpu.memory_space<hbm>>
    tpu.enqueue_dma source(%arg13 : memref<128x128xf32, #tpu.memory_space<vmem>>) target(%dma_start3A_1631 : memref<128x128xf32, #tpu.memory_space<hbm>>) target_semaphore(%arg21 : memref<!tpu.dma_semaphore, #tpu.memory_space<semaphore_mem>>)
    %dma_wait3A_1632 = arith.constant 0 : i32
    %dma_wait3A_1633 = tpu.memref_slice %arg6[%add3A_1627, %dma_wait3A_1632] : memref<16384x128xf32, #tpu.memory_space<hbm>> -> memref<128x128xf32, #tpu.memory_space<hbm>>
    %dma_wait3A_1634 = arith.constant 0 : i32
    %dma_wait3A_1635 = tpu.memref_slice %arg6[%add3A_1627, %dma_wait3A_1634] : memref<16384x128xf32, #tpu.memory_space<hbm>> -> memref<128x128xf32, #tpu.memory_space<hbm>>
    tpu.wait_dma2 semaphore(%arg21 : memref<!tpu.dma_semaphore, #tpu.memory_space<semaphore_mem>>) src(%arg13 : memref<128x128xf32, #tpu.memory_space<vmem>>) dst(%dma_wait3A_1635 : memref<128x128xf32, #tpu.memory_space<hbm>>)
    %dma_start3A_1636 = arith.constant 1 : i32
    %dma_start3A_1637 = arith.constant 2 : i32
    %dma_start3A_1638 = arith.constant 0 : i32
    %dma_start3A_1639 = tpu.memref_slice %arg9[%dma_start3A_1636, %dma_start3A_1637, %dma_start3A_1638] : memref<3x4x128xi32, #tpu.memory_space<vmem>> -> memref<1x1x128xi32, #tpu.memory_space<vmem>>
    %dma_start3A_1640 = tpu.memref_squeeze %dma_start3A_1639 : memref<1x1x128xi32, #tpu.memory_space<vmem>> -> memref<128xi32, #tpu.memory_space<vmem>>
    %dma_start3A_1641 = arith.constant 0 : i32
    %dma_start3A_1642 = arith.constant 0 : i32
    %dma_start3A_1643 = tpu.memref_slice %arg3[%dma_start3A_1641, %dma_start3A_1642] : memref<1002x128xf32, #tpu.memory_space<hbm>> -> memref<1002x128xf32, #tpu.memory_space<hbm>>
    tpu.enqueue_indirect_dma source(%dma_start3A_1643 : memref<1002x128xf32, #tpu.memory_space<hbm>>) target(%arg13 : memref<128x128xf32, #tpu.memory_space<vmem>>) offsets(%dma_start3A_1640 : memref<128xi32, #tpu.memory_space<vmem>>) semaphore(%arg17 : memref<!tpu.dma_semaphore, #tpu.memory_space<semaphore_mem>>)
    %dma_wait3A_1644 = arith.constant 0 : i32
    %dma_wait3A_1645 = arith.constant 3 : i32
    %dma_wait3A_1646 = arith.constant 0 : i32
    %dma_wait3A_1647 = tpu.memref_slice %arg9[%dma_wait3A_1644, %dma_wait3A_1645, %dma_wait3A_1646] : memref<3x4x128xi32, #tpu.memory_space<vmem>> -> memref<1x1x128xi32, #tpu.memory_space<vmem>>
    %dma_wait3A_1648 = tpu.memref_squeeze %dma_wait3A_1647 : memref<1x1x128xi32, #tpu.memory_space<vmem>> -> memref<128xi32, #tpu.memory_space<vmem>>
    %dma_wait3A_1649 = arith.constant 0 : i32
    %dma_wait3A_1650 = arith.constant 0 : i32
    %dma_wait3A_1651 = tpu.memref_slice %arg2[%dma_wait3A_1649, %dma_wait3A_1650] : memref<100002x128xf32, #tpu.memory_space<hbm>> -> memref<100002x128xf32, #tpu.memory_space<hbm>>
    tpu.wait_indirect_dma semaphore(%arg18 : memref<!tpu.dma_semaphore, #tpu.memory_space<semaphore_mem>>) src(%dma_wait3A_1651 : memref<100002x128xf32, #tpu.memory_space<hbm>>) dst(%arg14 : memref<128x128xf32, #tpu.memory_space<vmem>>)
    %add3A_1652 = arith.constant 384 : i32
    %add3A_1653 = arith.addi %mul3A_2, %add3A_1652 : i32
    %dma_start3A_1654 = arith.constant 0 : i32
    %dma_start3A_1655 = tpu.memref_slice %arg6[%add3A_1653, %dma_start3A_1654] : memref<16384x128xf32, #tpu.memory_space<hbm>> -> memref<128x128xf32, #tpu.memory_space<hbm>>
    %dma_start3A_1656 = arith.constant 0 : i32
    %dma_start3A_1657 = tpu.memref_slice %arg6[%add3A_1653, %dma_start3A_1656] : memref<16384x128xf32, #tpu.memory_space<hbm>> -> memref<128x128xf32, #tpu.memory_space<hbm>>
    tpu.enqueue_dma source(%arg14 : memref<128x128xf32, #tpu.memory_space<vmem>>) target(%dma_start3A_1657 : memref<128x128xf32, #tpu.memory_space<hbm>>) target_semaphore(%arg22 : memref<!tpu.dma_semaphore, #tpu.memory_space<semaphore_mem>>)
    %dma_wait3A_1658 = arith.constant 0 : i32
    %dma_wait3A_1659 = tpu.memref_slice %arg6[%add3A_1653, %dma_wait3A_1658] : memref<16384x128xf32, #tpu.memory_space<hbm>> -> memref<128x128xf32, #tpu.memory_space<hbm>>
    %dma_wait3A_1660 = arith.constant 0 : i32
    %dma_wait3A_1661 = tpu.memref_slice %arg6[%add3A_1653, %dma_wait3A_1660] : memref<16384x128xf32, #tpu.memory_space<hbm>> -> memref<128x128xf32, #tpu.memory_space<hbm>>
    tpu.wait_dma2 semaphore(%arg22 : memref<!tpu.dma_semaphore, #tpu.memory_space<semaphore_mem>>) src(%arg14 : memref<128x128xf32, #tpu.memory_space<vmem>>) dst(%dma_wait3A_1661 : memref<128x128xf32, #tpu.memory_space<hbm>>)
    %dma_start3A_1662 = arith.constant 1 : i32
    %dma_start3A_1663 = arith.constant 3 : i32
    %dma_start3A_1664 = arith.constant 0 : i32
    %dma_start3A_1665 = tpu.memref_slice %arg9[%dma_start3A_1662, %dma_start3A_1663, %dma_start3A_1664] : memref<3x4x128xi32, #tpu.memory_space<vmem>> -> memref<1x1x128xi32, #tpu.memory_space<vmem>>
    %dma_start3A_1666 = tpu.memref_squeeze %dma_start3A_1665 : memref<1x1x128xi32, #tpu.memory_space<vmem>> -> memref<128xi32, #tpu.memory_space<vmem>>
    %dma_start3A_1667 = arith.constant 0 : i32
    %dma_start3A_1668 = arith.constant 0 : i32
    %dma_start3A_1669 = tpu.memref_slice %arg3[%dma_start3A_1667, %dma_start3A_1668] : memref<1002x128xf32, #tpu.memory_space<hbm>> -> memref<1002x128xf32, #tpu.memory_space<hbm>>
    tpu.enqueue_indirect_dma source(%dma_start3A_1669 : memref<1002x128xf32, #tpu.memory_space<hbm>>) target(%arg14 : memref<128x128xf32, #tpu.memory_space<vmem>>) offsets(%dma_start3A_1666 : memref<128xi32, #tpu.memory_space<vmem>>) semaphore(%arg18 : memref<!tpu.dma_semaphore, #tpu.memory_space<semaphore_mem>>)
    %dma_wait3A_1670 = arith.constant 1 : i32
    %dma_wait3A_1671 = arith.constant 0 : i32
    %dma_wait3A_1672 = arith.constant 0 : i32
    %dma_wait3A_1673 = tpu.memref_slice %arg9[%dma_wait3A_1670, %dma_wait3A_1671, %dma_wait3A_1672] : memref<3x4x128xi32, #tpu.memory_space<vmem>> -> memref<1x1x128xi32, #tpu.memory_space<vmem>>
    %dma_wait3A_1674 = tpu.memref_squeeze %dma_wait3A_1673 : memref<1x1x128xi32, #tpu.memory_space<vmem>> -> memref<128xi32, #tpu.memory_space<vmem>>
    %dma_wait3A_1675 = arith.constant 0 : i32
    %dma_wait3A_1676 = arith.constant 0 : i32
    %dma_wait3A_1677 = tpu.memref_slice %arg3[%dma_wait3A_1675, %dma_wait3A_1676] : memref<1002x128xf32, #tpu.memory_space<hbm>> -> memref<1002x128xf32, #tpu.memory_space<hbm>>
    tpu.wait_indirect_dma semaphore(%arg15 : memref<!tpu.dma_semaphore, #tpu.memory_space<semaphore_mem>>) src(%dma_wait3A_1677 : memref<1002x128xf32, #tpu.memory_space<hbm>>) dst(%arg11 : memref<128x128xf32, #tpu.memory_space<vmem>>)
    %add3A_1678 = arith.constant 0 : i32
    %add3A_1679 = arith.addi %mul3A_2, %add3A_1678 : i32
    %dma_start3A_1680 = arith.constant 0 : i32
    %dma_start3A_1681 = tpu.memref_slice %arg7[%add3A_1679, %dma_start3A_1680] : memref<16384x128xf32, #tpu.memory_space<hbm>> -> memref<128x128xf32, #tpu.memory_space<hbm>>
    %dma_start3A_1682 = arith.constant 0 : i32
    %dma_start3A_1683 = tpu.memref_slice %arg7[%add3A_1679, %dma_start3A_1682] : memref<16384x128xf32, #tpu.memory_space<hbm>> -> memref<128x128xf32, #tpu.memory_space<hbm>>
    tpu.enqueue_dma source(%arg11 : memref<128x128xf32, #tpu.memory_space<vmem>>) target(%dma_start3A_1683 : memref<128x128xf32, #tpu.memory_space<hbm>>) target_semaphore(%arg19 : memref<!tpu.dma_semaphore, #tpu.memory_space<semaphore_mem>>)
    %dma_wait3A_1684 = arith.constant 0 : i32
    %dma_wait3A_1685 = tpu.memref_slice %arg7[%add3A_1679, %dma_wait3A_1684] : memref<16384x128xf32, #tpu.memory_space<hbm>> -> memref<128x128xf32, #tpu.memory_space<hbm>>
    %dma_wait3A_1686 = arith.constant 0 : i32
    %dma_wait3A_1687 = tpu.memref_slice %arg7[%add3A_1679, %dma_wait3A_1686] : memref<16384x128xf32, #tpu.memory_space<hbm>> -> memref<128x128xf32, #tpu.memory_space<hbm>>
    tpu.wait_dma2 semaphore(%arg19 : memref<!tpu.dma_semaphore, #tpu.memory_space<semaphore_mem>>) src(%arg11 : memref<128x128xf32, #tpu.memory_space<vmem>>) dst(%dma_wait3A_1687 : memref<128x128xf32, #tpu.memory_space<hbm>>)
    %dma_start3A_1688 = arith.constant 2 : i32
    %dma_start3A_1689 = arith.constant 0 : i32
    %dma_start3A_1690 = arith.constant 0 : i32
    %dma_start3A_1691 = tpu.memref_slice %arg9[%dma_start3A_1688, %dma_start3A_1689, %dma_start3A_1690] : memref<3x4x128xi32, #tpu.memory_space<vmem>> -> memref<1x1x128xi32, #tpu.memory_space<vmem>>
    %dma_start3A_1692 = tpu.memref_squeeze %dma_start3A_1691 : memref<1x1x128xi32, #tpu.memory_space<vmem>> -> memref<128xi32, #tpu.memory_space<vmem>>
    %dma_start3A_1693 = arith.constant 0 : i32
    %dma_start3A_1694 = arith.constant 0 : i32
    %dma_start3A_1695 = tpu.memref_slice %arg4[%dma_start3A_1693, %dma_start3A_1694] : memref<1002x128xf32, #tpu.memory_space<hbm>> -> memref<1002x128xf32, #tpu.memory_space<hbm>>
    tpu.enqueue_indirect_dma source(%dma_start3A_1695 : memref<1002x128xf32, #tpu.memory_space<hbm>>) target(%arg11 : memref<128x128xf32, #tpu.memory_space<vmem>>) offsets(%dma_start3A_1692 : memref<128xi32, #tpu.memory_space<vmem>>) semaphore(%arg15 : memref<!tpu.dma_semaphore, #tpu.memory_space<semaphore_mem>>)
    %dma_wait3A_1696 = arith.constant 1 : i32
    %dma_wait3A_1697 = arith.constant 1 : i32
    %dma_wait3A_1698 = arith.constant 0 : i32
    %dma_wait3A_1699 = tpu.memref_slice %arg9[%dma_wait3A_1696, %dma_wait3A_1697, %dma_wait3A_1698] : memref<3x4x128xi32, #tpu.memory_space<vmem>> -> memref<1x1x128xi32, #tpu.memory_space<vmem>>
    %dma_wait3A_1700 = tpu.memref_squeeze %dma_wait3A_1699 : memref<1x1x128xi32, #tpu.memory_space<vmem>> -> memref<128xi32, #tpu.memory_space<vmem>>
    %dma_wait3A_1701 = arith.constant 0 : i32
    %dma_wait3A_1702 = arith.constant 0 : i32
    %dma_wait3A_1703 = tpu.memref_slice %arg3[%dma_wait3A_1701, %dma_wait3A_1702] : memref<1002x128xf32, #tpu.memory_space<hbm>> -> memref<1002x128xf32, #tpu.memory_space<hbm>>
    tpu.wait_indirect_dma semaphore(%arg16 : memref<!tpu.dma_semaphore, #tpu.memory_space<semaphore_mem>>) src(%dma_wait3A_1703 : memref<1002x128xf32, #tpu.memory_space<hbm>>) dst(%arg12 : memref<128x128xf32, #tpu.memory_space<vmem>>)
    %add3A_1704 = arith.constant 128 : i32
    %add3A_1705 = arith.addi %mul3A_2, %add3A_1704 : i32
    %dma_start3A_1706 = arith.constant 0 : i32
    %dma_start3A_1707 = tpu.memref_slice %arg7[%add3A_1705, %dma_start3A_1706] : memref<16384x128xf32, #tpu.memory_space<hbm>> -> memref<128x128xf32, #tpu.memory_space<hbm>>
    %dma_start3A_1708 = arith.constant 0 : i32
    %dma_start3A_1709 = tpu.memref_slice %arg7[%add3A_1705, %dma_start3A_1708] : memref<16384x128xf32, #tpu.memory_space<hbm>> -> memref<128x128xf32, #tpu.memory_space<hbm>>
    tpu.enqueue_dma source(%arg12 : memref<128x128xf32, #tpu.memory_space<vmem>>) target(%dma_start3A_1709 : memref<128x128xf32, #tpu.memory_space<hbm>>) target_semaphore(%arg20 : memref<!tpu.dma_semaphore, #tpu.memory_space<semaphore_mem>>)
    %dma_wait3A_1710 = arith.constant 0 : i32
    %dma_wait3A_1711 = tpu.memref_slice %arg7[%add3A_1705, %dma_wait3A_1710] : memref<16384x128xf32, #tpu.memory_space<hbm>> -> memref<128x128xf32, #tpu.memory_space<hbm>>
    %dma_wait3A_1712 = arith.constant 0 : i32
    %dma_wait3A_1713 = tpu.memref_slice %arg7[%add3A_1705, %dma_wait3A_1712] : memref<16384x128xf32, #tpu.memory_space<hbm>> -> memref<128x128xf32, #tpu.memory_space<hbm>>
    tpu.wait_dma2 semaphore(%arg20 : memref<!tpu.dma_semaphore, #tpu.memory_space<semaphore_mem>>) src(%arg12 : memref<128x128xf32, #tpu.memory_space<vmem>>) dst(%dma_wait3A_1713 : memref<128x128xf32, #tpu.memory_space<hbm>>)
    %dma_start3A_1714 = arith.constant 2 : i32
    %dma_start3A_1715 = arith.constant 1 : i32
    %dma_start3A_1716 = arith.constant 0 : i32
    %dma_start3A_1717 = tpu.memref_slice %arg9[%dma_start3A_1714, %dma_start3A_1715, %dma_start3A_1716] : memref<3x4x128xi32, #tpu.memory_space<vmem>> -> memref<1x1x128xi32, #tpu.memory_space<vmem>>
    %dma_start3A_1718 = tpu.memref_squeeze %dma_start3A_1717 : memref<1x1x128xi32, #tpu.memory_space<vmem>> -> memref<128xi32, #tpu.memory_space<vmem>>
    %dma_start3A_1719 = arith.constant 0 : i32
    %dma_start3A_1720 = arith.constant 0 : i32
    %dma_start3A_1721 = tpu.memref_slice %arg4[%dma_start3A_1719, %dma_start3A_1720] : memref<1002x128xf32, #tpu.memory_space<hbm>> -> memref<1002x128xf32, #tpu.memory_space<hbm>>
    tpu.enqueue_indirect_dma source(%dma_start3A_1721 : memref<1002x128xf32, #tpu.memory_space<hbm>>) target(%arg12 : memref<128x128xf32, #tpu.memory_space<vmem>>) offsets(%dma_start3A_1718 : memref<128xi32, #tpu.memory_space<vmem>>) semaphore(%arg16 : memref<!tpu.dma_semaphore, #tpu.memory_space<semaphore_mem>>)
    %dma_wait3A_1722 = arith.constant 1 : i32
    %dma_wait3A_1723 = arith.constant 2 : i32
    %dma_wait3A_1724 = arith.constant 0 : i32
    %dma_wait3A_1725 = tpu.memref_slice %arg9[%dma_wait3A_1722, %dma_wait3A_1723, %dma_wait3A_1724] : memref<3x4x128xi32, #tpu.memory_space<vmem>> -> memref<1x1x128xi32, #tpu.memory_space<vmem>>
    %dma_wait3A_1726 = tpu.memref_squeeze %dma_wait3A_1725 : memref<1x1x128xi32, #tpu.memory_space<vmem>> -> memref<128xi32, #tpu.memory_space<vmem>>
    %dma_wait3A_1727 = arith.constant 0 : i32
    %dma_wait3A_1728 = arith.constant 0 : i32
    %dma_wait3A_1729 = tpu.memref_slice %arg3[%dma_wait3A_1727, %dma_wait3A_1728] : memref<1002x128xf32, #tpu.memory_space<hbm>> -> memref<1002x128xf32, #tpu.memory_space<hbm>>
    tpu.wait_indirect_dma semaphore(%arg17 : memref<!tpu.dma_semaphore, #tpu.memory_space<semaphore_mem>>) src(%dma_wait3A_1729 : memref<1002x128xf32, #tpu.memory_space<hbm>>) dst(%arg13 : memref<128x128xf32, #tpu.memory_space<vmem>>)
    %add3A_1730 = arith.constant 256 : i32
    %add3A_1731 = arith.addi %mul3A_2, %add3A_1730 : i32
    %dma_start3A_1732 = arith.constant 0 : i32
    %dma_start3A_1733 = tpu.memref_slice %arg7[%add3A_1731, %dma_start3A_1732] : memref<16384x128xf32, #tpu.memory_space<hbm>> -> memref<128x128xf32, #tpu.memory_space<hbm>>
    %dma_start3A_1734 = arith.constant 0 : i32
    %dma_start3A_1735 = tpu.memref_slice %arg7[%add3A_1731, %dma_start3A_1734] : memref<16384x128xf32, #tpu.memory_space<hbm>> -> memref<128x128xf32, #tpu.memory_space<hbm>>
    tpu.enqueue_dma source(%arg13 : memref<128x128xf32, #tpu.memory_space<vmem>>) target(%dma_start3A_1735 : memref<128x128xf32, #tpu.memory_space<hbm>>) target_semaphore(%arg21 : memref<!tpu.dma_semaphore, #tpu.memory_space<semaphore_mem>>)
    %dma_wait3A_1736 = arith.constant 0 : i32
    %dma_wait3A_1737 = tpu.memref_slice %arg7[%add3A_1731, %dma_wait3A_1736] : memref<16384x128xf32, #tpu.memory_space<hbm>> -> memref<128x128xf32, #tpu.memory_space<hbm>>
    %dma_wait3A_1738 = arith.constant 0 : i32
    %dma_wait3A_1739 = tpu.memref_slice %arg7[%add3A_1731, %dma_wait3A_1738] : memref<16384x128xf32, #tpu.memory_space<hbm>> -> memref<128x128xf32, #tpu.memory_space<hbm>>
    tpu.wait_dma2 semaphore(%arg21 : memref<!tpu.dma_semaphore, #tpu.memory_space<semaphore_mem>>) src(%arg13 : memref<128x128xf32, #tpu.memory_space<vmem>>) dst(%dma_wait3A_1739 : memref<128x128xf32, #tpu.memory_space<hbm>>)
    %dma_start3A_1740 = arith.constant 2 : i32
    %dma_start3A_1741 = arith.constant 2 : i32
    %dma_start3A_1742 = arith.constant 0 : i32
    %dma_start3A_1743 = tpu.memref_slice %arg9[%dma_start3A_1740, %dma_start3A_1741, %dma_start3A_1742] : memref<3x4x128xi32, #tpu.memory_space<vmem>> -> memref<1x1x128xi32, #tpu.memory_space<vmem>>
    %dma_start3A_1744 = tpu.memref_squeeze %dma_start3A_1743 : memref<1x1x128xi32, #tpu.memory_space<vmem>> -> memref<128xi32, #tpu.memory_space<vmem>>
    %dma_start3A_1745 = arith.constant 0 : i32
    %dma_start3A_1746 = arith.constant 0 : i32
    %dma_start3A_1747 = tpu.memref_slice %arg4[%dma_start3A_1745, %dma_start3A_1746] : memref<1002x128xf32, #tpu.memory_space<hbm>> -> memref<1002x128xf32, #tpu.memory_space<hbm>>
    tpu.enqueue_indirect_dma source(%dma_start3A_1747 : memref<1002x128xf32, #tpu.memory_space<hbm>>) target(%arg13 : memref<128x128xf32, #tpu.memory_space<vmem>>) offsets(%dma_start3A_1744 : memref<128xi32, #tpu.memory_space<vmem>>) semaphore(%arg17 : memref<!tpu.dma_semaphore, #tpu.memory_space<semaphore_mem>>)
    %dma_wait3A_1748 = arith.constant 1 : i32
    %dma_wait3A_1749 = arith.constant 3 : i32
    %dma_wait3A_1750 = arith.constant 0 : i32
    %dma_wait3A_1751 = tpu.memref_slice %arg9[%dma_wait3A_1748, %dma_wait3A_1749, %dma_wait3A_1750] : memref<3x4x128xi32, #tpu.memory_space<vmem>> -> memref<1x1x128xi32, #tpu.memory_space<vmem>>
    %dma_wait3A_1752 = tpu.memref_squeeze %dma_wait3A_1751 : memref<1x1x128xi32, #tpu.memory_space<vmem>> -> memref<128xi32, #tpu.memory_space<vmem>>
    %dma_wait3A_1753 = arith.constant 0 : i32
    %dma_wait3A_1754 = arith.constant 0 : i32
    %dma_wait3A_1755 = tpu.memref_slice %arg3[%dma_wait3A_1753, %dma_wait3A_1754] : memref<1002x128xf32, #tpu.memory_space<hbm>> -> memref<1002x128xf32, #tpu.memory_space<hbm>>
    tpu.wait_indirect_dma semaphore(%arg18 : memref<!tpu.dma_semaphore, #tpu.memory_space<semaphore_mem>>) src(%dma_wait3A_1755 : memref<1002x128xf32, #tpu.memory_space<hbm>>) dst(%arg14 : memref<128x128xf32, #tpu.memory_space<vmem>>)
    %add3A_1756 = arith.constant 384 : i32
    %add3A_1757 = arith.addi %mul3A_2, %add3A_1756 : i32
    %dma_start3A_1758 = arith.constant 0 : i32
    %dma_start3A_1759 = tpu.memref_slice %arg7[%add3A_1757, %dma_start3A_1758] : memref<16384x128xf32, #tpu.memory_space<hbm>> -> memref<128x128xf32, #tpu.memory_space<hbm>>
    %dma_start3A_1760 = arith.constant 0 : i32
    %dma_start3A_1761 = tpu.memref_slice %arg7[%add3A_1757, %dma_start3A_1760] : memref<16384x128xf32, #tpu.memory_space<hbm>> -> memref<128x128xf32, #tpu.memory_space<hbm>>
    tpu.enqueue_dma source(%arg14 : memref<128x128xf32, #tpu.memory_space<vmem>>) target(%dma_start3A_1761 : memref<128x128xf32, #tpu.memory_space<hbm>>) target_semaphore(%arg22 : memref<!tpu.dma_semaphore, #tpu.memory_space<semaphore_mem>>)
    %dma_wait3A_1762 = arith.constant 0 : i32
    %dma_wait3A_1763 = tpu.memref_slice %arg7[%add3A_1757, %dma_wait3A_1762] : memref<16384x128xf32, #tpu.memory_space<hbm>> -> memref<128x128xf32, #tpu.memory_space<hbm>>
    %dma_wait3A_1764 = arith.constant 0 : i32
    %dma_wait3A_1765 = tpu.memref_slice %arg7[%add3A_1757, %dma_wait3A_1764] : memref<16384x128xf32, #tpu.memory_space<hbm>> -> memref<128x128xf32, #tpu.memory_space<hbm>>
    tpu.wait_dma2 semaphore(%arg22 : memref<!tpu.dma_semaphore, #tpu.memory_space<semaphore_mem>>) src(%arg14 : memref<128x128xf32, #tpu.memory_space<vmem>>) dst(%dma_wait3A_1765 : memref<128x128xf32, #tpu.memory_space<hbm>>)
    %dma_start3A_1766 = arith.constant 2 : i32
    %dma_start3A_1767 = arith.constant 3 : i32
    %dma_start3A_1768 = arith.constant 0 : i32
    %dma_start3A_1769 = tpu.memref_slice %arg9[%dma_start3A_1766, %dma_start3A_1767, %dma_start3A_1768] : memref<3x4x128xi32, #tpu.memory_space<vmem>> -> memref<1x1x128xi32, #tpu.memory_space<vmem>>
    %dma_start3A_1770 = tpu.memref_squeeze %dma_start3A_1769 : memref<1x1x128xi32, #tpu.memory_space<vmem>> -> memref<128xi32, #tpu.memory_space<vmem>>
    %dma_start3A_1771 = arith.constant 0 : i32
    %dma_start3A_1772 = arith.constant 0 : i32
    %dma_start3A_1773 = tpu.memref_slice %arg4[%dma_start3A_1771, %dma_start3A_1772] : memref<1002x128xf32, #tpu.memory_space<hbm>> -> memref<1002x128xf32, #tpu.memory_space<hbm>>
    tpu.enqueue_indirect_dma source(%dma_start3A_1773 : memref<1002x128xf32, #tpu.memory_space<hbm>>) target(%arg14 : memref<128x128xf32, #tpu.memory_space<vmem>>) offsets(%dma_start3A_1770 : memref<128xi32, #tpu.memory_space<vmem>>) semaphore(%arg18 : memref<!tpu.dma_semaphore, #tpu.memory_space<semaphore_mem>>)
    %dma_wait3A_1774 = arith.constant 2 : i32
    %dma_wait3A_1775 = arith.constant 0 : i32
    %dma_wait3A_1776 = arith.constant 0 : i32
    %dma_wait3A_1777 = tpu.memref_slice %arg9[%dma_wait3A_1774, %dma_wait3A_1775, %dma_wait3A_1776] : memref<3x4x128xi32, #tpu.memory_space<vmem>> -> memref<1x1x128xi32, #tpu.memory_space<vmem>>
    %dma_wait3A_1778 = tpu.memref_squeeze %dma_wait3A_1777 : memref<1x1x128xi32, #tpu.memory_space<vmem>> -> memref<128xi32, #tpu.memory_space<vmem>>
    %dma_wait3A_1779 = arith.constant 0 : i32
    %dma_wait3A_1780 = arith.constant 0 : i32
    %dma_wait3A_1781 = tpu.memref_slice %arg4[%dma_wait3A_1779, %dma_wait3A_1780] : memref<1002x128xf32, #tpu.memory_space<hbm>> -> memref<1002x128xf32, #tpu.memory_space<hbm>>
    tpu.wait_indirect_dma semaphore(%arg15 : memref<!tpu.dma_semaphore, #tpu.memory_space<semaphore_mem>>) src(%dma_wait3A_1781 : memref<1002x128xf32, #tpu.memory_space<hbm>>) dst(%arg11 : memref<128x128xf32, #tpu.memory_space<vmem>>)
    %add3A_1782 = arith.constant 0 : i32
    %add3A_1783 = arith.addi %mul3A_2, %add3A_1782 : i32
    %dma_start3A_1784 = arith.constant 0 : i32
    %dma_start3A_1785 = tpu.memref_slice %arg8[%add3A_1783, %dma_start3A_1784] : memref<16384x128xf32, #tpu.memory_space<hbm>> -> memref<128x128xf32, #tpu.memory_space<hbm>>
    %dma_start3A_1786 = arith.constant 0 : i32
    %dma_start3A_1787 = tpu.memref_slice %arg8[%add3A_1783, %dma_start3A_1786] : memref<16384x128xf32, #tpu.memory_space<hbm>> -> memref<128x128xf32, #tpu.memory_space<hbm>>
    tpu.enqueue_dma source(%arg11 : memref<128x128xf32, #tpu.memory_space<vmem>>) target(%dma_start3A_1787 : memref<128x128xf32, #tpu.memory_space<hbm>>) target_semaphore(%arg19 : memref<!tpu.dma_semaphore, #tpu.memory_space<semaphore_mem>>)
    %dma_wait3A_1788 = arith.constant 2 : i32
    %dma_wait3A_1789 = arith.constant 1 : i32
    %dma_wait3A_1790 = arith.constant 0 : i32
    %dma_wait3A_1791 = tpu.memref_slice %arg9[%dma_wait3A_1788, %dma_wait3A_1789, %dma_wait3A_1790] : memref<3x4x128xi32, #tpu.memory_space<vmem>> -> memref<1x1x128xi32, #tpu.memory_space<vmem>>
    %dma_wait3A_1792 = tpu.memref_squeeze %dma_wait3A_1791 : memref<1x1x128xi32, #tpu.memory_space<vmem>> -> memref<128xi32, #tpu.memory_space<vmem>>
    %dma_wait3A_1793 = arith.constant 0 : i32
    %dma_wait3A_1794 = arith.constant 0 : i32
    %dma_wait3A_1795 = tpu.memref_slice %arg4[%dma_wait3A_1793, %dma_wait3A_1794] : memref<1002x128xf32, #tpu.memory_space<hbm>> -> memref<1002x128xf32, #tpu.memory_space<hbm>>
    tpu.wait_indirect_dma semaphore(%arg16 : memref<!tpu.dma_semaphore, #tpu.memory_space<semaphore_mem>>) src(%dma_wait3A_1795 : memref<1002x128xf32, #tpu.memory_space<hbm>>) dst(%arg12 : memref<128x128xf32, #tpu.memory_space<vmem>>)
    %add3A_1796 = arith.constant 128 : i32
    %add3A_1797 = arith.addi %mul3A_2, %add3A_1796 : i32
    %dma_start3A_1798 = arith.constant 0 : i32
    %dma_start3A_1799 = tpu.memref_slice %arg8[%add3A_1797, %dma_start3A_1798] : memref<16384x128xf32, #tpu.memory_space<hbm>> -> memref<128x128xf32, #tpu.memory_space<hbm>>
    %dma_start3A_1800 = arith.constant 0 : i32
    %dma_start3A_1801 = tpu.memref_slice %arg8[%add3A_1797, %dma_start3A_1800] : memref<16384x128xf32, #tpu.memory_space<hbm>> -> memref<128x128xf32, #tpu.memory_space<hbm>>
    tpu.enqueue_dma source(%arg12 : memref<128x128xf32, #tpu.memory_space<vmem>>) target(%dma_start3A_1801 : memref<128x128xf32, #tpu.memory_space<hbm>>) target_semaphore(%arg20 : memref<!tpu.dma_semaphore, #tpu.memory_space<semaphore_mem>>)
    %dma_wait3A_1802 = arith.constant 2 : i32
    %dma_wait3A_1803 = arith.constant 2 : i32
    %dma_wait3A_1804 = arith.constant 0 : i32
    %dma_wait3A_1805 = tpu.memref_slice %arg9[%dma_wait3A_1802, %dma_wait3A_1803, %dma_wait3A_1804] : memref<3x4x128xi32, #tpu.memory_space<vmem>> -> memref<1x1x128xi32, #tpu.memory_space<vmem>>
    %dma_wait3A_1806 = tpu.memref_squeeze %dma_wait3A_1805 : memref<1x1x128xi32, #tpu.memory_space<vmem>> -> memref<128xi32, #tpu.memory_space<vmem>>
    %dma_wait3A_1807 = arith.constant 0 : i32
    %dma_wait3A_1808 = arith.constant 0 : i32
    %dma_wait3A_1809 = tpu.memref_slice %arg4[%dma_wait3A_1807, %dma_wait3A_1808] : memref<1002x128xf32, #tpu.memory_space<hbm>> -> memref<1002x128xf32, #tpu.memory_space<hbm>>
    tpu.wait_indirect_dma semaphore(%arg17 : memref<!tpu.dma_semaphore, #tpu.memory_space<semaphore_mem>>) src(%dma_wait3A_1809 : memref<1002x128xf32, #tpu.memory_space<hbm>>) dst(%arg13 : memref<128x128xf32, #tpu.memory_space<vmem>>)
    %add3A_1810 = arith.constant 256 : i32
    %add3A_1811 = arith.addi %mul3A_2, %add3A_1810 : i32
    %dma_start3A_1812 = arith.constant 0 : i32
    %dma_start3A_1813 = tpu.memref_slice %arg8[%add3A_1811, %dma_start3A_1812] : memref<16384x128xf32, #tpu.memory_space<hbm>> -> memref<128x128xf32, #tpu.memory_space<hbm>>
    %dma_start3A_1814 = arith.constant 0 : i32
    %dma_start3A_1815 = tpu.memref_slice %arg8[%add3A_1811, %dma_start3A_1814] : memref<16384x128xf32, #tpu.memory_space<hbm>> -> memref<128x128xf32, #tpu.memory_space<hbm>>
    tpu.enqueue_dma source(%arg13 : memref<128x128xf32, #tpu.memory_space<vmem>>) target(%dma_start3A_1815 : memref<128x128xf32, #tpu.memory_space<hbm>>) target_semaphore(%arg21 : memref<!tpu.dma_semaphore, #tpu.memory_space<semaphore_mem>>)
    %dma_wait3A_1816 = arith.constant 2 : i32
    %dma_wait3A_1817 = arith.constant 3 : i32
    %dma_wait3A_1818 = arith.constant 0 : i32
    %dma_wait3A_1819 = tpu.memref_slice %arg9[%dma_wait3A_1816, %dma_wait3A_1817, %dma_wait3A_1818] : memref<3x4x128xi32, #tpu.memory_space<vmem>> -> memref<1x1x128xi32, #tpu.memory_space<vmem>>
    %dma_wait3A_1820 = tpu.memref_squeeze %dma_wait3A_1819 : memref<1x1x128xi32, #tpu.memory_space<vmem>> -> memref<128xi32, #tpu.memory_space<vmem>>
    %dma_wait3A_1821 = arith.constant 0 : i32
    %dma_wait3A_1822 = arith.constant 0 : i32
    %dma_wait3A_1823 = tpu.memref_slice %arg4[%dma_wait3A_1821, %dma_wait3A_1822] : memref<1002x128xf32, #tpu.memory_space<hbm>> -> memref<1002x128xf32, #tpu.memory_space<hbm>>
    tpu.wait_indirect_dma semaphore(%arg18 : memref<!tpu.dma_semaphore, #tpu.memory_space<semaphore_mem>>) src(%dma_wait3A_1823 : memref<1002x128xf32, #tpu.memory_space<hbm>>) dst(%arg14 : memref<128x128xf32, #tpu.memory_space<vmem>>)
    %add3A_1824 = arith.constant 384 : i32
    %add3A_1825 = arith.addi %mul3A_2, %add3A_1824 : i32
    %dma_start3A_1826 = arith.constant 0 : i32
    %dma_start3A_1827 = tpu.memref_slice %arg8[%add3A_1825, %dma_start3A_1826] : memref<16384x128xf32, #tpu.memory_space<hbm>> -> memref<128x128xf32, #tpu.memory_space<hbm>>
    %dma_start3A_1828 = arith.constant 0 : i32
    %dma_start3A_1829 = tpu.memref_slice %arg8[%add3A_1825, %dma_start3A_1828] : memref<16384x128xf32, #tpu.memory_space<hbm>> -> memref<128x128xf32, #tpu.memory_space<hbm>>
    tpu.enqueue_dma source(%arg14 : memref<128x128xf32, #tpu.memory_space<vmem>>) target(%dma_start3A_1829 : memref<128x128xf32, #tpu.memory_space<hbm>>) target_semaphore(%arg22 : memref<!tpu.dma_semaphore, #tpu.memory_space<semaphore_mem>>)
    %dma_wait3A_1830 = arith.constant 0 : i32
    %dma_wait3A_1831 = tpu.memref_slice %arg8[%add3A_1783, %dma_wait3A_1830] : memref<16384x128xf32, #tpu.memory_space<hbm>> -> memref<128x128xf32, #tpu.memory_space<hbm>>
    %dma_wait3A_1832 = arith.constant 0 : i32
    %dma_wait3A_1833 = tpu.memref_slice %arg8[%add3A_1783, %dma_wait3A_1832] : memref<16384x128xf32, #tpu.memory_space<hbm>> -> memref<128x128xf32, #tpu.memory_space<hbm>>
    tpu.wait_dma2 semaphore(%arg19 : memref<!tpu.dma_semaphore, #tpu.memory_space<semaphore_mem>>) src(%arg11 : memref<128x128xf32, #tpu.memory_space<vmem>>) dst(%dma_wait3A_1833 : memref<128x128xf32, #tpu.memory_space<hbm>>)
    %dma_wait3A_1834 = arith.constant 0 : i32
    %dma_wait3A_1835 = tpu.memref_slice %arg8[%add3A_1797, %dma_wait3A_1834] : memref<16384x128xf32, #tpu.memory_space<hbm>> -> memref<128x128xf32, #tpu.memory_space<hbm>>
    %dma_wait3A_1836 = arith.constant 0 : i32
    %dma_wait3A_1837 = tpu.memref_slice %arg8[%add3A_1797, %dma_wait3A_1836] : memref<16384x128xf32, #tpu.memory_space<hbm>> -> memref<128x128xf32, #tpu.memory_space<hbm>>
    tpu.wait_dma2 semaphore(%arg20 : memref<!tpu.dma_semaphore, #tpu.memory_space<semaphore_mem>>) src(%arg12 : memref<128x128xf32, #tpu.memory_space<vmem>>) dst(%dma_wait3A_1837 : memref<128x128xf32, #tpu.memory_space<hbm>>)
    %dma_wait3A_1838 = arith.constant 0 : i32
    %dma_wait3A_1839 = tpu.memref_slice %arg8[%add3A_1811, %dma_wait3A_1838] : memref<16384x128xf32, #tpu.memory_space<hbm>> -> memref<128x128xf32, #tpu.memory_space<hbm>>
    %dma_wait3A_1840 = arith.constant 0 : i32
    %dma_wait3A_1841 = tpu.memref_slice %arg8[%add3A_1811, %dma_wait3A_1840] : memref<16384x128xf32, #tpu.memory_space<hbm>> -> memref<128x128xf32, #tpu.memory_space<hbm>>
    tpu.wait_dma2 semaphore(%arg21 : memref<!tpu.dma_semaphore, #tpu.memory_space<semaphore_mem>>) src(%arg13 : memref<128x128xf32, #tpu.memory_space<vmem>>) dst(%dma_wait3A_1841 : memref<128x128xf32, #tpu.memory_space<hbm>>)
    %dma_wait3A_1842 = arith.constant 0 : i32
    %dma_wait3A_1843 = tpu.memref_slice %arg8[%add3A_1825, %dma_wait3A_1842] : memref<16384x128xf32, #tpu.memory_space<hbm>> -> memref<128x128xf32, #tpu.memory_space<hbm>>
    %dma_wait3A_1844 = arith.constant 0 : i32
    %dma_wait3A_1845 = tpu.memref_slice %arg8[%add3A_1825, %dma_wait3A_1844] : memref<16384x128xf32, #tpu.memory_space<hbm>> -> memref<128x128xf32, #tpu.memory_space<hbm>>
    tpu.wait_dma2 semaphore(%arg22 : memref<!tpu.dma_semaphore, #tpu.memory_space<semaphore_mem>>) src(%arg14 : memref<128x128xf32, #tpu.memory_space<vmem>>) dst(%dma_wait3A_1845 : memref<128x128xf32, #tpu.memory_space<hbm>>)
    return
  }
}

module attributes {stable_mosaic.version = 14 : i64} {
  func.func @_tower_body(%arg0: i32, %arg1: memref<4096x128xf32, #tpu.memory_space<vmem>>, %arg2: memref<4096x128xf32, #tpu.memory_space<vmem>>, %arg3: memref<4096x128xf32, #tpu.memory_space<vmem>>, %arg4: memref<4096x15xf32, #tpu.memory_space<vmem>>, %arg5: memref<384x256xbf16, #tpu.memory_space<vmem>>, %arg6: memref<15x256xbf16, #tpu.memory_space<vmem>>, %arg7: memref<1x256xf32, #tpu.memory_space<vmem>>, %arg8: memref<256x128xbf16, #tpu.memory_space<vmem>>, %arg9: memref<1x128xf32, #tpu.memory_space<vmem>>, %arg10: memref<128x32xbf16, #tpu.memory_space<vmem>>, %arg11: memref<1x32xf32, #tpu.memory_space<vmem>>, %arg12: memref<4096x32xf32, #tpu.memory_space<vmem>>) attributes {dimension_semantics = [#tpu.dimension_semantics<arbitrary>], iteration_bounds = array<i64: 4>, scalar_prefetch = 0 : i64, scratch_operands = 0 : i64, tpu.core_type = #tpu.core_type<tc>, window_params = [{transform_indices = @transform_0, window_bounds = array<i64: 4096, 128>}, {transform_indices = @transform_1, window_bounds = array<i64: 4096, 128>}, {transform_indices = @transform_2, window_bounds = array<i64: 4096, 128>}, {transform_indices = @transform_3, window_bounds = array<i64: 4096, 15>}, {pipeline_mode = #tpu.pipeline_mode<synchronous>, transform_indices = @transform_4, window_bounds = array<i64: 384, 256>}, {pipeline_mode = #tpu.pipeline_mode<synchronous>, transform_indices = @transform_5, window_bounds = array<i64: 15, 256>}, {pipeline_mode = #tpu.pipeline_mode<synchronous>, transform_indices = @transform_6, window_bounds = array<i64: 1, 256>}, {pipeline_mode = #tpu.pipeline_mode<synchronous>, transform_indices = @transform_7, window_bounds = array<i64: 256, 128>}, {pipeline_mode = #tpu.pipeline_mode<synchronous>, transform_indices = @transform_8, window_bounds = array<i64: 1, 128>}, {pipeline_mode = #tpu.pipeline_mode<synchronous>, transform_indices = @transform_9, window_bounds = array<i64: 128, 32>}, {pipeline_mode = #tpu.pipeline_mode<synchronous>, transform_indices = @transform_10, window_bounds = array<i64: 1, 32>}, {transform_indices = @transform_11, window_bounds = array<i64: 4096, 32>}]} {
    %get3A = arith.constant 0 : index
    %get3A_0 = arith.constant 0 : index
    %get3A_1 = vector.load %arg1[%get3A, %get3A_0] : memref<4096x128xf32, #tpu.memory_space<vmem>>, vector<4096x128xf32>
    %get3A_2 = arith.constant 0 : index
    %get3A_3 = arith.constant 0 : index
    %get3A_4 = vector.load %arg2[%get3A_2, %get3A_3] : memref<4096x128xf32, #tpu.memory_space<vmem>>, vector<4096x128xf32>
    %get3A_5 = arith.constant 0 : index
    %get3A_6 = arith.constant 0 : index
    %get3A_7 = vector.load %arg3[%get3A_5, %get3A_6] : memref<4096x128xf32, #tpu.memory_space<vmem>>, vector<4096x128xf32>
    %concatenate3A = tpu.concatenate %get3A_1, %get3A_4, %get3A_7 in 1 : vector<4096x128xf32>, vector<4096x128xf32>, vector<4096x128xf32> -> vector<4096x384xf32>
    %convert_element_type3A = arith.truncf %concatenate3A : vector<4096x384xf32> to vector<4096x384xbf16>
    %get3A_8 = arith.constant 0 : index
    %get3A_9 = arith.constant 0 : index
    %get3A_10 = vector.load %arg5[%get3A_8, %get3A_9] : memref<384x256xbf16, #tpu.memory_space<vmem>>, vector<384x256xbf16>
    %dot_general3A = arith.constant dense<0.000000e+00> : vector<4096x256xf32>
    %dot_general3A_11 = tpu.matmul %convert_element_type3A, %get3A_10, %dot_general3A {dimension_numbers = #tpu.dot_dimension_numbers<[1], [0], [0], [1], [0, 0, 1, 1], [], []>, transpose_lhs_hint = false} : vector<4096x384xbf16>, vector<384x256xbf16>, vector<4096x256xf32> -> vector<4096x256xf32>
    %get3A_12 = arith.constant 0 : index
    %get3A_13 = arith.constant 0 : index
    %get3A_14 = vector.load %arg4[%get3A_12, %get3A_13] : memref<4096x15xf32, #tpu.memory_space<vmem>>, vector<4096x15xf32>
    %convert_element_type3A_15 = arith.truncf %get3A_14 : vector<4096x15xf32> to vector<4096x15xbf16>
    %get3A_16 = arith.constant 0 : index
    %get3A_17 = arith.constant 0 : index
    %get3A_18 = vector.load %arg6[%get3A_16, %get3A_17] : memref<15x256xbf16, #tpu.memory_space<vmem>>, vector<15x256xbf16>
    %dot_general3A_19 = arith.constant dense<0.000000e+00> : vector<4096x256xf32>
    %dot_general3A_20 = tpu.matmul %convert_element_type3A_15, %get3A_18, %dot_general3A_19 {dimension_numbers = #tpu.dot_dimension_numbers<[1], [0], [0], [1], [0, 0, 1, 1], [], []>, transpose_lhs_hint = false} : vector<4096x15xbf16>, vector<15x256xbf16>, vector<4096x256xf32> -> vector<4096x256xf32>
    %add3A = arith.addf %dot_general3A_11, %dot_general3A_20 : vector<4096x256xf32>
    %get3A_21 = arith.constant 0 : index
    %get3A_22 = arith.constant 0 : index
    %get3A_23 = vector.load %arg7[%get3A_21, %get3A_22] : memref<1x256xf32, #tpu.memory_space<vmem>>, vector<1x256xf32>
    %add3A_24 = vector.broadcast %get3A_23 : vector<1x256xf32> to vector<4096x256xf32>
    %add3A_25 = arith.addf %add3A, %add3A_24 : vector<4096x256xf32>
    %max3A = arith.constant 0.000000e+00 : f32
    %max3A_26 = vector.broadcast %max3A : f32 to vector<4096x256xf32>
    %max3A_27 = arith.maximumf %add3A_25, %max3A_26 : vector<4096x256xf32>
    %convert_element_type3A_28 = arith.truncf %max3A_27 : vector<4096x256xf32> to vector<4096x256xbf16>
    %get3A_29 = arith.constant 0 : index
    %get3A_30 = arith.constant 0 : index
    %get3A_31 = vector.load %arg8[%get3A_29, %get3A_30] : memref<256x128xbf16, #tpu.memory_space<vmem>>, vector<256x128xbf16>
    %dot_general3A_32 = arith.constant dense<0.000000e+00> : vector<4096x128xf32>
    %dot_general3A_33 = tpu.matmul %convert_element_type3A_28, %get3A_31, %dot_general3A_32 {dimension_numbers = #tpu.dot_dimension_numbers<[1], [0], [0], [1], [0, 0, 1, 1], [], []>, transpose_lhs_hint = false} : vector<4096x256xbf16>, vector<256x128xbf16>, vector<4096x128xf32> -> vector<4096x128xf32>
    %get3A_34 = arith.constant 0 : index
    %get3A_35 = arith.constant 0 : index
    %get3A_36 = vector.load %arg9[%get3A_34, %get3A_35] : memref<1x128xf32, #tpu.memory_space<vmem>>, vector<1x128xf32>
    %add3A_37 = vector.broadcast %get3A_36 : vector<1x128xf32> to vector<4096x128xf32>
    %add3A_38 = arith.addf %dot_general3A_33, %add3A_37 : vector<4096x128xf32>
    %max3A_39 = arith.constant 0.000000e+00 : f32
    %max3A_40 = vector.broadcast %max3A_39 : f32 to vector<4096x128xf32>
    %max3A_41 = arith.maximumf %add3A_38, %max3A_40 : vector<4096x128xf32>
    %convert_element_type3A_42 = arith.truncf %max3A_41 : vector<4096x128xf32> to vector<4096x128xbf16>
    %get3A_43 = arith.constant 0 : index
    %get3A_44 = arith.constant 0 : index
    %get3A_45 = vector.load %arg10[%get3A_43, %get3A_44] : memref<128x32xbf16, #tpu.memory_space<vmem>>, vector<128x32xbf16>
    %dot_general3A_46 = arith.constant dense<0.000000e+00> : vector<4096x32xf32>
    %dot_general3A_47 = tpu.matmul %convert_element_type3A_42, %get3A_45, %dot_general3A_46 {dimension_numbers = #tpu.dot_dimension_numbers<[1], [0], [0], [1], [0, 0, 1, 1], [], []>, transpose_lhs_hint = false} : vector<4096x128xbf16>, vector<128x32xbf16>, vector<4096x32xf32> -> vector<4096x32xf32>
    %get3A_48 = arith.constant 0 : index
    %get3A_49 = arith.constant 0 : index
    %get3A_50 = vector.load %arg11[%get3A_48, %get3A_49] : memref<1x32xf32, #tpu.memory_space<vmem>>, vector<1x32xf32>
    %add3A_51 = vector.broadcast %get3A_50 : vector<1x32xf32> to vector<4096x32xf32>
    %add3A_52 = arith.addf %dot_general3A_47, %add3A_51 : vector<4096x32xf32>
    %swap3A = arith.constant 0 : index
    %swap3A_53 = arith.constant 0 : index
    %swap3A_54 = vector.load %arg12[%swap3A, %swap3A_53] : memref<4096x32xf32, #tpu.memory_space<vmem>>, vector<4096x32xf32>
    tpu.vector_store %arg12[%swap3A, %swap3A_53], %add3A_52 {strides = array<i32>} : memref<4096x32xf32, #tpu.memory_space<vmem>>, vector<4096x32xf32>,
    return
  }
  func.func @transform_0(%arg0: i32) -> (i32, i32) {
    %c0_i32 = arith.constant 0 : i32
    %c0_i32_0 = arith.constant 0 : i32
    return %arg0, %c0_i32 : i32, i32
  }
  func.func @transform_1(%arg0: i32) -> (i32, i32) {
    %c0_i32 = arith.constant 0 : i32
    %c0_i32_0 = arith.constant 0 : i32
    return %arg0, %c0_i32 : i32, i32
  }
  func.func @transform_2(%arg0: i32) -> (i32, i32) {
    %c0_i32 = arith.constant 0 : i32
    %c0_i32_0 = arith.constant 0 : i32
    return %arg0, %c0_i32 : i32, i32
  }
  func.func @transform_3(%arg0: i32) -> (i32, i32) {
    %c0_i32 = arith.constant 0 : i32
    %c0_i32_0 = arith.constant 0 : i32
    return %arg0, %c0_i32 : i32, i32
  }
  func.func @transform_4(%arg0: i32) -> (i32, i32) {
    %c0_i32 = arith.constant 0 : i32
    %c0_i32_0 = arith.constant 0 : i32
    %c0_i32_1 = arith.constant 0 : i32
    return %c0_i32, %c0_i32_0 : i32, i32
  }
  func.func @transform_5(%arg0: i32) -> (i32, i32) {
    %c0_i32 = arith.constant 0 : i32
    %c0_i32_0 = arith.constant 0 : i32
    %c0_i32_1 = arith.constant 0 : i32
    return %c0_i32, %c0_i32_0 : i32, i32
  }
  func.func @transform_6(%arg0: i32) -> (i32, i32) {
    %c0_i32 = arith.constant 0 : i32
    %c0_i32_0 = arith.constant 0 : i32
    %c0_i32_1 = arith.constant 0 : i32
    return %c0_i32, %c0_i32_0 : i32, i32
  }
  func.func @transform_7(%arg0: i32) -> (i32, i32) {
    %c0_i32 = arith.constant 0 : i32
    %c0_i32_0 = arith.constant 0 : i32
    %c0_i32_1 = arith.constant 0 : i32
    return %c0_i32, %c0_i32_0 : i32, i32
  }
  func.func @transform_8(%arg0: i32) -> (i32, i32) {
    %c0_i32 = arith.constant 0 : i32
    %c0_i32_0 = arith.constant 0 : i32
    %c0_i32_1 = arith.constant 0 : i32
    return %c0_i32, %c0_i32_0 : i32, i32
  }
  func.func @transform_9(%arg0: i32) -> (i32, i32) {
    %c0_i32 = arith.constant 0 : i32
    %c0_i32_0 = arith.constant 0 : i32
    %c0_i32_1 = arith.constant 0 : i32
    return %c0_i32, %c0_i32_0 : i32, i32
  }
  func.func @transform_10(%arg0: i32) -> (i32, i32) {
    %c0_i32 = arith.constant 0 : i32
    %c0_i32_0 = arith.constant 0 : i32
    %c0_i32_1 = arith.constant 0 : i32
    return %c0_i32, %c0_i32_0 : i32, i32
  }
  func.func @transform_11(%arg0: i32) -> (i32, i32) {
    %c0_i32 = arith.constant 0 : i32
    %c0_i32_0 = arith.constant 0 : i32
    return %arg0, %c0_i32 : i32, i32
  }
}

</mosaic_0001>

<sc_bundles>
// kernel: kernel.4.cloned.1.call-start
scs
__scs_entry_jumppad:
0x0: {  	(pc) =	sbr.rel $0x88, $3  }
0x1: {  	(tag) =	ssettag $0x0;
	lr =	simm.s32 $0x1  }
0x2: {  	[smem:$0x3F8F] =	sst lr;
	_ =	strace $0xD0000000  }
0x3: {  	_ = 	snop  }
0x4: {  	_ = 	snop  }
0x5: {  	_ = 	snop  }
0x6: {  	_ = 	snop  }
0x7: {  	_ = 	snop  }
__scs_overlays_trampoline_lowered:
0x8: {  	[smem:$0x3F9E] =	sst s0  }
0x9: {  	[smem:$0x3F9F] =	sst s1  }
0xa: {  	[smem:$0x3FA0] =	sst s2  }
0xb: {  	[smem:$0x3FA1] =	sst s3  }
0xc: {  	[smem:$0x3FA2] =	sst s4  }
0xd: {  	[smem:$0x3FA3] =	sst s5  }
0xe: {  	[smem:$0x3FA4] =	sst s6  }
0xf: {  	[smem:$0x3FA5] =	sst s7  }
0x10: {  	[smem:$0x3FA6] =	sst s8  }
0x11: {  	[smem:$0x3FA7] =	sst s9;
	s0 =	simm.s32 @!p0 $0x0  }
0x12: {  	s1 =	sld [smem:$0x3F8D];
	s0 =	simm.s32 @p0 $0x1  }
0x13: {  	[smem:$0x3FA8] =	sst s0;
	s0 =	simm.s32 @!p1 $0x0  }
0x14: {  	s2 =	sld [smem:$0x3F8C];
	s0 =	simm.s32 @p1 $0x1  }
0x15: {  	[smem:$0x3FA9] =	sst s0;
	s0 =	simm.s32 @!p2 $0x0  }
0x16: {  	s3 =	sld [smem:$0x3FDB];
	s0 =	simm.s32 @p2 $0x1  }
0x17: {  	s4 =	simm.s32 $0x1BF5;
	[smem:$0x3FAB] =	sst s0  }
0x18: {  	s0 =	sld [smem:$0x3F8E];
	_ =	swait.ge [sflag:s4], $0x0  }
0x19: {  	s7 =	sld [smem:$0x3F8F]  }
0x1a: {  	s8 =	sadd.s32 $0xFFFFE003, lr  }
0x1b: {  	s9 =	sadd.s32 $0xFFFFFEF7, lr;
	s5 =	simm.s32 $0xFFFFFFFF;
	p2 =	slt.u32 s8, $0xFFFFF086  }
0x1c: {  	p1 =	slt.u32 s9, $0xF7A;
	s5 =	simm.s32 @!p2 $0x0  }
0x1d: {  	s5 =	simm.s32 @p1 $0x1;
	p0 =	seq.s32 s7, s2  }
0x1e: {  	s7 =	smul.u32 @!p0 $0xF7A, s2;
	p2 =	seq.s32 @!p0 s5, $0x0  }
0x1f: {  	s9 =	smul.u32 $0xF7A, s1;
	s8 =	simm.s32 @!p0 $0x1BF5;
	p2 =	por !p2, p0  }
0x20: {  	[sflag:s8] =	ssyncset.s32 @!p0 $0xFFFFF086;
	s6 =	sadd.s32 @!p0 s3, s7;
	s7 =	simm.s32 @!p0 $0x108  }
0x21: {  	s3 =	sadd.s32 s3, s9;
	s6 =	sadd.s32 @!p0 $0x88, s6;
	s7 =	simm.s32 @p2 $0x1082  }
0x22: {  	[simem:s7], [sflag:s8] =	dma.local @!p0 [hbm:s6], $0xF7A  }
0x23: {  	s9 =	sor.u32 $0xD0000000, s2;
	s6 =	simm.s32 $0x108;
	_ =	swait.ge @!p0 [sflag:s8], $0x0  }
0x24: {  	s3 =	sadd.s32 $0x88, s3;
	s6 =	simm.s32 @!p1 $0x1082;
	[sflag:s4] =	ssyncset.s32 $0xFFFFF086  }
0x25: {  	[simem:s6], [sflag:s4] =	dma.local [hbm:s3], $0xF7A  }
0x26: {  	[smem:$0x3F8F] =	sst s1;
	(tag) =	ssettag s2;
	_ =	strace s9  }
0x27: {  	s1 =	sld [smem:$0x3F9F]  }
0x28: {  	s2 =	sld [smem:$0x3FA0]  }
0x29: {  	s4 =	sld [smem:$0x3FA2]  }
0x2a: {  	p0 =	seq.s32 s5, $0x0;
	s5 =	sld [smem:$0x3FA3]  }
0x2b: {  	s6 =	sld [smem:$0x3FA4]  }
0x2c: {  	s7 =	sld [smem:$0x3FA5]  }
0x2d: {  	s3 =	simm.s32 $0x108;
	s8 =	sld [smem:$0x3FA6]  }
0x2e: {  	s3 =	simm.s32 @!p0 $0x1082;
	s9 =	sld [smem:$0x3FA7]  }
0x2f: {  	lr =	sadd.s32 s0, s3;
	s0 =	sld [smem:$0x3F9E]  }
0x30: {  	s3 =	sld [smem:$0x3FA1]  }
0x31: {  	[smem:$0x3FAA] =	sst s10  }
0x32: {  	s10 =	sld [smem:$0x3FA8];
	_ =	sdelay $0x3  }
0x33: {  	p0 =	seq.s32 s10, $0x1;
	s10 =	sld [smem:$0x3FAA];
	_ =	sdelay $0x3  }
0x34: {  	[smem:$0x3FAA] =	sst s10  }
0x35: {  	s10 =	sld [smem:$0x3FA9];
	_ =	sdelay $0x3  }
0x36: {  	p1 =	seq.s32 s10, $0x1;
	s10 =	sld [smem:$0x3FAA];
	_ =	sdelay $0x3  }
0x37: {  	[smem:$0x3FAA] =	sst s10  }
0x38: {  	s10 =	sld [smem:$0x3FAB]  }
0x39: {  	_ = 	snop;
	(pc) =	sbr.ind lr, $3  }
0x3a: {  	_ = 	snop  }
0x3b: {  	_ = 	snop  }
0x3c: {  	p2 =	seq.s32 s10, $0x1;
	s10 =	sld [smem:$0x3FAA]  }
0x3d: {  	_ =	shalt  }
0x3e: {  	_ =	shalt  }
0x3f: {  	_ =	shalt  }
0x40: {  	_ =	shalt  }
0x41: {  	_ =	shalt  }
0x42: {  	_ =	shalt  }
0x43: {  	_ =	shalt  }
0x44: {  	_ =	shalt  }
0x45: {  	_ =	shalt  }
0x46: {  	_ =	shalt  }
0x47: {  	_ =	shalt  }
0x48: {  	_ =	shalt  }
0x49: {  	_ =	shalt  }
0x4a: {  	_ =	shalt  }
0x4b: {  	_ =	shalt  }
0x4c: {  	_ =	shalt  }
0x4d: {  	_ =	shalt  }
0x4e: {  	_ =	shalt  }
0x4f: {  	_ =	shalt  }
0x50: {  	_ =	shalt  }
0x51: {  	_ =	shalt  }
0x52: {  	_ =	shalt  }
0x53: {  	_ =	shalt  }
0x54: {  	_ =	shalt  }
0x55: {  	_ =	shalt  }
0x56: {  	_ =	shalt  }
0x57: {  	_ =	shalt  }
0x58: {  	_ =	shalt  }
0x59: {  	_ =	shalt  }
0x5a: {  	_ =	shalt  }
0x5b: {  	_ =	shalt  }
0x5c: {  	_ =	shalt  }
0x5d: {  	_ =	shalt  }
0x5e: {  	_ =	shalt  }
0x5f: {  	_ =	shalt  }
0x60: {  	_ =	shalt  }
0x61: {  	_ =	shalt  }
0x62: {  	_ =	shalt  }
0x63: {  	_ =	shalt  }
0x64: {  	_ =	shalt  }
0x65: {  	_ =	shalt  }
0x66: {  	_ =	shalt  }
0x67: {  	_ =	shalt  }
0x68: {  	_ =	shalt  }
0x69: {  	_ =	shalt  }
0x6a: {  	_ =	shalt  }
0x6b: {  	_ =	shalt  }
0x6c: {  	_ =	shalt  }
0x6d: {  	_ =	shalt  }
0x6e: {  	_ =	shalt  }
0x6f: {  	_ =	shalt  }
0x70: {  	_ =	shalt  }
0x71: {  	_ =	shalt  }
0x72: {  	_ =	shalt  }
0x73: {  	_ =	shalt  }
0x74: {  	_ =	shalt  }
0x75: {  	_ =	shalt  }
0x76: {  	_ =	shalt  }
0x77: {  	_ =	shalt  }
0x78: {  	_ =	shalt  }
0x79: {  	_ =	shalt  }
0x7a: {  	_ =	shalt  }
0x7b: {  	_ =	shalt  }
0x7c: {  	_ =	shalt  }
0x7d: {  	_ =	shalt  }
0x7e: {  	_ =	shalt  }
0x7f: {  	_ =	shalt  }
0x80: {  	_ =	shalt  }
0x81: {  	_ =	shalt  }
0x82: {  	_ =	shalt  }
0x83: {  	_ =	shalt  }
0x84: {  	_ =	shalt  }
0x85: {  	_ =	shalt  }
0x86: {  	_ =	shalt  }
0x87: {  	_ =	shalt  }
.Lfunc_end0:
.L_simem_size_0:
called_computation_lowered:
.L_overlay_start_0:
0x88: {  	s2 =	sld [smem:$0x3FD9]  }
0x89: {  	s3 =	sld [smem:$0x3FFE];
	_ =	sdelay $0x1  }
0x8a: {  	s1 =	srdreg.scid  }
0x8b: {  	s0 =	sand.u32 $0x1, s1  }
0x8c: {  	s17 =	sshll.u32 s0, $0xA;
	s2 =	sadd.s32 s3, s2  }
0x8d: {  	s2 =	sadd.s32 s2, s17  }
0x8e: {  	[smem:$0x3FB6] =	sst s2  }
0x8f: {  	_ = 	snop  }
0x90: {  	s2 =	sld [smem:$0x3FD0];
	(tm) =	ssettm $0x1  }
0x91: {  	s18 =	sld [smem:$0x3FFB];
	_ =	sdelay $0x3  }
0x92: {  	_ =	strace s18  }
0x93: {  	s3 =	sld [smem:$0x3FFC];
	_ =	sdelay $0x3  }
0x94: {  	_ =	strace s3  }
0x95: {  	s3 =	sld [smem:$0x3FFD];
	_ =	sdelay $0x3  }
0x96: {  	_ =	strace s3  }
0x97: {  	_ =	strace $0x8FFFFFFF  }
0x98: {  	s19 =	sld [smem:$0x3FDB];
	_ =	sdelay $0x1  }
0x99: {  	s4 =	simm.s32 $_scs_section_size  }
0x9a: {  	s5 =	simm.s32 $_size__tile_overlayer_lowered;
	s6 =	simm.s32 $_tile_overlayer_lowered  }
0x9b: {  	s22 =	simm.s32 $0x1BFF;
	s21 =	sshll.u32 s6, $0x1;
	s3 =	sadd.s32 s4, s19  }
0x9c: {  	s7 =	simm.s32 $0x0;
	s20 =	sshll.u32 s5, $0x1;
	s5 =	sadd.s32 s21, s3  }
0x9d: {  	[timem:s7], [sflag:s22] =	dma.local [hbm:s5], s20  }
0x9e: {  	_ =	swait.ge [sflag:s22], s20  }
0x9f: {  	s4 =	ssub.s32 $0x0, s20;
	[sflag:s22] =	ssyncset.done $0x0  }
0xa0: {  	[sflag:s22] =	ssyncadd.s32 s4;
	_ =	sdelay $0x1  }
0xa1: {  	s23 =	simm.s32 $0x1B8B  }
0xa2: {  	_ =	swait.ge [sflag:s23], $0x1  }
0xa3: {  	[sflag:s23] =	ssyncset.done $0x0  }
0xa4: {  	s25 =	simm.s32 $0x1B8E;
	s24 =	sld [smem:$0x3FFE];
	[sflag:s23] =	ssyncadd.s32 $0xFFFFFFFF  }
0xa5: {  	s26 =	simm.s32 $execute0_lowered;
	[smem:$0x3FD2] =	sst s25  }
0xa6: {  	s5 =	sshll.u32 s26, $0x1;
	_ =	strace $0x80000046;
	[dreg:$0x1] =	wrdreg $0xFFFFFFFF  }
0xa7: {  	s28 =	simm.s32 $_size_execute0_lowered;
	s3 =	sadd.s32 s3, s5;
	[dreg:$0x0] =	wrdreg $0x0  }
0xa8: {  	s5 =	sshll.u32 s28, $0x1;
	[dreg:$0x2] =	wrdreg s3  }
0xa9: {  	[dreg:$0x3] =	wrdreg s5  }
0xaa: {  	[dreg:$0x4] =	wrdreg $0xC0  }
0xab: {  	_ =	task [dreg:s7], $0x5FFFF  }
0xac: {  	[dreg:$0x1] =	wrdreg $0xFFFFFFFF  }
0xad: {  	[dreg:$0x0] =	wrdreg $0x60  }
0xae: {  	[dreg:$0x2] =	wrdreg s24  }
0xaf: {  	[dreg:$0x3] =	wrdreg s2  }
0xb0: {  	[dreg:$0x4] =	wrdreg $0x9  }
0xb1: {  	_ =	task.clear_ibuf [dreg:s7], $0x5FFFF;
	_ =	strace $0x90000046  }
0xb2: {  	s29 =	simm.s32 $0x9;
	_ =	strace $0x80000048  }
0xb3: {  	_ =	swait.ge [sflag:s29], $0x1  }
0xb4: {  	[sflag:s29] =	ssyncadd.s32 $0xFFFFFFFF  }
0xb5: {  	_ =	strace $0x90000048  }
0xb6: {  	_ =	sfence  }
0xb7: {  	s30 =	sld [smem:$0x0];
	_ =	sdelay $0x2  }
0xb8: {  	s31 =	sshll.u32 s1, $0xD;
	s1 =	sshrl.u32 s1, $0x2  }
0xb9: {  	s3 =	sand.u32 $0x4000, s31;
	s1 =	sadd.s32 s1, s30  }
0xba: {  	s0 =	sor.u32 s3, s0;
	s1 =	sshll.u32 s1, $0x11  }
0xbb: {  	s0 =	sor.u32 s1, s0  }
0xbc: {  	s0 =	sadd.s32 $0x8F2B, s0  }
0xbd: {  	[sflag:s0] =	ssyncadd.remote.s32 $0x1  }
0xbe: {  	_ =	sfence.sel $0xFFFF  }
0xbf: {  	[dreg:$0x0] =	wrdreg $0xFFFFFFFF;
	(pc) =	sbr.abs _section_cstart, $3  }
0xc0: {  	[dreg:$0x1] =	wrdreg $0xFFFFFFFF  }
0xc1: {  	_ =	task.clear_ibuf [dreg:s7], $0x2FFFF;
	_ =	strace $0x9FFFFFFF  }
0xc2: {  	(tm) =	ssettm $0x7FFFFFFF  }
0xc3: {  	_ =	shalt  }
tec
execute0_lowered:
.L_overlay_start_1:
0x0: {  	(tag) =	ssettag $0x1  }
0x1: {  	s1 =	srdreg.scid;
	s5 =	rddreg [dreg:$0x0]  }
0x2: {  	s0 =	stileid.u32;
	s2 =	rddreg [dreg:$0x1]  }
0x3: {  	s13 =	simm.s32 $0x8C00;
	s14 =	simm.s32 $0x180;
	s28 =	simm.s32 $0x380  }
0x4: {  	s29 =	simm.s32 $0x400;
	s30 =	simm.s32 $0x480;
	s31 =	simm.s32 $0x500  }
0x5: {  	s1 =	sand.u32 $0x1, s1;
	s3 =	sshll.u32 s0, $0x1;
	s7 =	sadd.s32 $0x8400, s5  }
0x6: {  	s11 =	sadd.s32 $0x48400, s5;
	s12 =	sadd.s32 $0x88400, s5;
	s4 =	sor.u32 s1, s3  }
0x7: {  	s3 =	simm.s32 $0x0;
	s1 =	ssub.s32 $0x2, s1;
	s6 =	smul.u32 $0xC0, s4  }
0x8: {  	[smem:$0x7FF] =	sst s3;
	s8 =	sshll.u32 s4, $0xD;
	s24 =	sshrl.u32 s1, $0x1  }
0x9: {  	_ =	strace $0x80000047;
	s4 =	sadd.s32 s7, s8;
	s15 =	sor.u32 $0x800, s8  }
0xa: {  	s9 =	sor.u32 $0x1000, s8;
	s10 =	sor.u32 $0x1800, s8;
	s19 =	sadd.s32 s11, s8  }
0xb: {  	s23 =	sadd.s32 s12, s8;
	s1 =	ssub.s32 s1, s24;
	[dreg:$0x4] =	wrdreg s4  }
0xc: {  	s8 =	simm.s32 $0x9;
	s24 =	simm.s32 $0x300;
	[dreg:$0x8] =	wrdreg s19  }
0xd: {  	s6 =	sadd.s32 s6, s5;
	s16 =	sadd.s32 s7, s15;
	[dreg:$0xc] =	wrdreg s23  }
0xe: {  	s17 =	sadd.s32 s7, s9;
	s18 =	sadd.s32 s7, s10;
	[dreg:$0x5] =	wrdreg s16  }
0xf: {  	s20 =	sadd.s32 s11, s15;
	s4 =	sadd.s32 $0x189800, s5;
	[dreg:$0x6] =	wrdreg s17  }
0x10: {  	s21 =	sadd.s32 s11, s9;
	s22 =	sadd.s32 s11, s10;
	[dreg:$0x7] =	wrdreg s18  }
0x11: {  	s5 =	sadd.s32 $0x2C00, s5;
	s25 =	sadd.s32 s12, s9;
	[dreg:$0x9] =	wrdreg s20  }
0x12: {  	s26 =	sadd.s32 s12, s10;
	s7 =	simm.s32 $0x600;
	[dreg:$0xa] =	wrdreg s21  }
0x13: {  	s9 =	simm.s32 $0x80;
	s10 =	simm.s32 $0xC00;
	[dreg:$0xb] =	wrdreg s22  }
0x14: {  	s11 =	simm.s32 $0x4C00;
	s19 =	simm.s32 $0x2;
	[dreg:$0xe] =	wrdreg s25  }
0x15: {  	s23 =	simm.s32 $0x7;
	s6 =	sadd.s32 $0x6C00, s6;
	[dreg:$0xf] =	wrdreg s26  }
0x16: {  	s16 =	simm.s32 $0x1;
	s17 =	simm.s32 $0x5;
	s18 =	simm.s32 $0x200  }
0x17: {  	s20 =	simm.s32 $0x6;
	s21 =	simm.s32 $0x280;
	s22 =	simm.s32 $0x3  }
0x18: {  	s25 =	simm.s32 $0x4;
	s26 =	simm.s32 $0x8;
	[dreg:$0x3] =	wrdreg s6  }
0x19: {  	s6 =	sadd.s32 s12, s15;
	s12 =	simm.s32 $0x100;
	s15 =	simm.s32 $0xCC00  }
0x1a: {  	[dreg:$0xd] =	wrdreg s6;
	s6 =	smax.u32 s1, $0x1;
	s1 =	simm.s32 $0x580  }
.LBB2_1:
0x1b: {  	s0 =	rddreg [dreg:$0x3]  }
0x1c: {  	[tilespmem:s7], [sflag:$0x9] =	stream.linear.gather [hbm4b:s0+s3], $0x600, $0x38;
	[tilespmem:$0x10C00] =	vst v63  }
0x1d: {  	_ =	swait.ge [sflag:s8], $0x600  }
0x1e: {  	[sflag:s8] =	ssyncset.done $0x0  }
0x1f: {  	[sflag:s8] =	ssyncadd.s32 $0xFFFFFA00  }
0x20: {  	v0 =	vld [tilespmem:$0x600]  }
0x21: {  	v1 =	vld [tilespmem:$0x610]  }
0x22: {  	v2 =	vld [tilespmem:$0x620]  }
0x23: {  	v3 =	vld [tilespmem:$0x630]  }
0x24: {  	v4 =	vld [tilespmem:$0x640]  }
0x25: {  	v5 =	vld [tilespmem:$0x650];
	v0 =	vtrunc.f32 v0  }
0x26: {  	v6 =	vld [tilespmem:$0x660];
	v1 =	vtrunc.f32 v1;
	v0 =	vcvt.f32.s32 v0  }
0x27: {  	v7 =	vld [tilespmem:$0x670];
	v2 =	vtrunc.f32 v2;
	v1 =	vcvt.f32.s32 v1  }
0x28: {  	v12 =	vld [tilespmem:$0x680];
	v11 =	vtrunc.f32 v3;
	v10 =	vcvt.f32.s32 v2;
	[tilespmem:$0x0] =	vst v0  }
0x29: {  	v15 =	vld [tilespmem:$0x690];
	v14 =	vtrunc.f32 v4;
	v13 =	vcvt.f32.s32 v11;
	[tilespmem:$0x10] =	vst v1  }
0x2a: {  	v18 =	vld [tilespmem:$0x6A0];
	v17 =	vtrunc.f32 v5;
	v16 =	vcvt.f32.s32 v14;
	[tilespmem:$0x20] =	vst v10  }
0x2b: {  	v21 =	vld [tilespmem:$0x6B0];
	v20 =	vtrunc.f32 v6;
	v19 =	vcvt.f32.s32 v17;
	[tilespmem:$0x30] =	vst v13  }
0x2c: {  	v24 =	vld [tilespmem:$0x6C0];
	v23 =	vtrunc.f32 v7;
	v22 =	vcvt.f32.s32 v20;
	[tilespmem:$0x40] =	vst v16  }
0x2d: {  	v27 =	vld [tilespmem:$0x6D0];
	v26 =	vtrunc.f32 v12;
	v25 =	vcvt.f32.s32 v23;
	[tilespmem:$0x50] =	vst v19  }
0x2e: {  	v30 =	vld [tilespmem:$0x6E0];
	v29 =	vtrunc.f32 v15;
	v28 =	vcvt.f32.s32 v26;
	[tilespmem:$0x60] =	vst v22  }
0x2f: {  	v33 =	vld [tilespmem:$0x6F0];
	v32 =	vtrunc.f32 v18;
	v31 =	vcvt.f32.s32 v29;
	[tilespmem:$0x70] =	vst v25  }
0x30: {  	v36 =	vld [tilespmem:$0x700];
	v35 =	vtrunc.f32 v21;
	v34 =	vcvt.f32.s32 v32;
	[tilespmem:$0x80] =	vst v28  }
0x31: {  	v39 =	vld [tilespmem:$0x710];
	v38 =	vtrunc.f32 v24;
	v37 =	vcvt.f32.s32 v35;
	[tilespmem:$0x90] =	vst v31  }
0x32: {  	v42 =	vld [tilespmem:$0x720];
	v41 =	vtrunc.f32 v27;
	v40 =	vcvt.f32.s32 v38;
	[tilespmem:$0xA0] =	vst v34  }
0x33: {  	v45 =	vld [tilespmem:$0x730];
	v44 =	vtrunc.f32 v30;
	v43 =	vcvt.f32.s32 v41;
	[tilespmem:$0xB0] =	vst v37  }
0x34: {  	v48 =	vld [tilespmem:$0x740];
	v47 =	vtrunc.f32 v33;
	v46 =	vcvt.f32.s32 v44;
	[tilespmem:$0xC0] =	vst v40  }
0x35: {  	v51 =	vld [tilespmem:$0x750];
	v50 =	vtrunc.f32 v36;
	v49 =	vcvt.f32.s32 v47;
	[tilespmem:$0xD0] =	vst v43  }
0x36: {  	v54 =	vld [tilespmem:$0x760];
	v53 =	vtrunc.f32 v39;
	v52 =	vcvt.f32.s32 v50;
	[tilespmem:$0xE0] =	vst v46  }
0x37: {  	v57 =	vld [tilespmem:$0x770];
	v56 =	vtrunc.f32 v42;
	v55 =	vcvt.f32.s32 v53;
	[tilespmem:$0xF0] =	vst v49  }
0x38: {  	v60 =	vld [tilespmem:$0x780];
	v59 =	vtrunc.f32 v45;
	v58 =	vcvt.f32.s32 v56;
	[tilespmem:$0x100] =	vst v52  }
0x39: {  	v63 =	vld [tilespmem:$0x790];
	v62 =	vtrunc.f32 v48;
	v61 =	vcvt.f32.s32 v59;
	[tilespmem:$0x110] =	vst v55  }
0x3a: {  	v9 =	vcvt.f32.s32 v62;
	v11 =	vld [tilespmem:$0x7A0];
	[tilespmem:$0x120] =	vst v58;
	v10 =	vtrunc.f32 v51  }
0x3b: {  	v14 =	vld [tilespmem:$0x7B0];
	[tilespmem:$0x130] =	vst v61;
	v13 =	vtrunc.f32 v54;
	v12 =	vcvt.f32.s32 v10  }
0x3c: {  	v17 =	vld [tilespmem:$0x7C0];
	[tilespmem:$0x140] =	vst v9;
	v16 =	vtrunc.f32 v57;
	v15 =	vcvt.f32.s32 v13  }
0x3d: {  	v20 =	vld [tilespmem:$0x7D0];
	v19 =	vtrunc.f32 v60;
	v18 =	vcvt.f32.s32 v16;
	[tilespmem:$0x150] =	vst v12  }
0x3e: {  	v23 =	vld [tilespmem:$0x7E0];
	v22 =	vtrunc.f32 v63;
	v21 =	vcvt.f32.s32 v19;
	[tilespmem:$0x160] =	vst v15  }
0x3f: {  	v26 =	vld [tilespmem:$0x7F0];
	v24 =	vcvt.f32.s32 v22;
	[tilespmem:$0x170] =	vst v18;
	v25 =	vtrunc.f32 v11  }
0x40: {  	v29 =	vld [tilespmem:$0x800];
	[tilespmem:$0x180] =	vst v21;
	v28 =	vtrunc.f32 v14;
	v27 =	vcvt.f32.s32 v25  }
0x41: {  	v32 =	vld [tilespmem:$0x810];
	[tilespmem:$0x190] =	vst v24;
	v31 =	vtrunc.f32 v17;
	v30 =	vcvt.f32.s32 v28  }
0x42: {  	v35 =	vld [tilespmem:$0x820];
	v34 =	vtrunc.f32 v20;
	v33 =	vcvt.f32.s32 v31;
	[tilespmem:$0x1A0] =	vst v27  }
0x43: {  	v38 =	vld [tilespmem:$0x830];
	v37 =	vtrunc.f32 v23;
	v36 =	vcvt.f32.s32 v34;
	[tilespmem:$0x1B0] =	vst v30  }
0x44: {  	v41 =	vld [tilespmem:$0x840];
	v40 =	vtrunc.f32 v26;
	v39 =	vcvt.f32.s32 v37;
	[tilespmem:$0x1C0] =	vst v33  }
0x45: {  	v44 =	vld [tilespmem:$0x850];
	v43 =	vtrunc.f32 v29;
	v42 =	vcvt.f32.s32 v40;
	[tilespmem:$0x1D0] =	vst v36  }
0x46: {  	v47 =	vld [tilespmem:$0x860];
	v46 =	vtrunc.f32 v32;
	v45 =	vcvt.f32.s32 v43;
	[tilespmem:$0x1E0] =	vst v39  }
0x47: {  	v50 =	vld [tilespmem:$0x870];
	v49 =	vtrunc.f32 v35;
	v48 =	vcvt.f32.s32 v46;
	[tilespmem:$0x1F0] =	vst v42  }
0x48: {  	v53 =	vld [tilespmem:$0x880];
	v52 =	vtrunc.f32 v38;
	v51 =	vcvt.f32.s32 v49;
	[tilespmem:$0x200] =	vst v45  }
0x49: {  	v56 =	vld [tilespmem:$0x890];
	v55 =	vtrunc.f32 v41;
	v54 =	vcvt.f32.s32 v52;
	[tilespmem:$0x210] =	vst v48  }
0x4a: {  	v59 =	vld [tilespmem:$0x8A0];
	v58 =	vtrunc.f32 v44;
	v57 =	vcvt.f32.s32 v55;
	[tilespmem:$0x220] =	vst v51  }
0x4b: {  	v62 =	vld [tilespmem:$0x8B0];
	v61 =	vtrunc.f32 v47;
	v60 =	vcvt.f32.s32 v58;
	[tilespmem:$0x230] =	vst v54  }
0x4c: {  	v9 =	vld [tilespmem:$0x8C0];
	v8 =	vtrunc.f32 v50;
	v63 =	vcvt.f32.s32 v61;
	[tilespmem:$0x240] =	vst v57  }
0x4d: {  	v11 =	vtrunc.f32 v53;
	v12 =	vld [tilespmem:$0x8D0];
	v10 =	vcvt.f32.s32 v8;
	[tilespmem:$0x250] =	vst v60  }
0x4e: {  	v14 =	vtrunc.f32 v56;
	v15 =	vld [tilespmem:$0x8E0];
	v13 =	vcvt.f32.s32 v11;
	[tilespmem:$0x260] =	vst v63  }
0x4f: {  	v17 =	vtrunc.f32 v59;
	v18 =	vld [tilespmem:$0x8F0];
	v16 =	vcvt.f32.s32 v14;
	[tilespmem:$0x270] =	vst v10  }
0x50: {  	v20 =	vtrunc.f32 v62;
	v21 =	vld [tilespmem:$0x900];
	v19 =	vcvt.f32.s32 v17;
	[tilespmem:$0x280] =	vst v13  }
0x51: {  	v24 =	vld [tilespmem:$0x910];
	v22 =	vcvt.f32.s32 v20;
	v23 =	vtrunc.f32 v9;
	[tilespmem:$0x290] =	vst v16  }
0x52: {  	v11 =	vld [tilespmem:$0x9F0];
	[tilespmem:$0x2A0] =	vst v19;
	v25 =	vcvt.f32.s32 v23;
	v26 =	vtrunc.f32 v12  }
0x53: {  	v27 =	vld [tilespmem:$0x920];
	[tilespmem:$0x2B0] =	vst v22;
	v29 =	vtrunc.f32 v15;
	v28 =	vcvt.f32.s32 v26  }
0x54: {  	v30 =	vld [tilespmem:$0x930];
	[tilespmem:$0x2C0] =	vst v25;
	v32 =	vtrunc.f32 v18;
	v31 =	vcvt.f32.s32 v29  }
0x55: {  	v33 =	vld [tilespmem:$0x940];
	v35 =	vtrunc.f32 v21;
	v34 =	vcvt.f32.s32 v32;
	[tilespmem:$0x2D0] =	vst v28  }
0x56: {  	v36 =	vld [tilespmem:$0x950];
	v38 =	vtrunc.f32 v24;
	v37 =	vcvt.f32.s32 v35;
	[tilespmem:$0x2E0] =	vst v31  }
0x57: {  	v39 =	vld [tilespmem:$0x960];
	v40 =	vcvt.f32.s32 v38;
	v25 =	vtrunc.f32 v11;
	[tilespmem:$0x2F0] =	vst v34  }
0x58: {  	v42 =	vld [tilespmem:$0x970];
	v41 =	vtrunc.f32 v27;
	[tilespmem:$0x300] =	vst v37;
	v27 =	vcvt.f32.s32 v25  }
0x59: {  	v45 =	vld [tilespmem:$0x980];
	v44 =	vtrunc.f32 v30;
	[tilespmem:$0x310] =	vst v40;
	v43 =	vcvt.f32.s32 v41  }
0x5a: {  	v48 =	vld [tilespmem:$0x990];
	v47 =	vtrunc.f32 v33;
	v46 =	vcvt.f32.s32 v44;
	[tilespmem:$0x3F0] =	vst v27  }
0x5b: {  	v51 =	vld [tilespmem:$0x9A0];
	v50 =	vtrunc.f32 v36;
	v49 =	vcvt.f32.s32 v47;
	[tilespmem:$0x320] =	vst v43  }
0x5c: {  	v54 =	vld [tilespmem:$0x9B0];
	v53 =	vtrunc.f32 v39;
	v52 =	vcvt.f32.s32 v50;
	[tilespmem:$0x330] =	vst v46  }
0x5d: {  	v57 =	vld [tilespmem:$0x9C0];
	v56 =	vtrunc.f32 v42;
	v55 =	vcvt.f32.s32 v53;
	[tilespmem:$0x340] =	vst v49  }
0x5e: {  	v60 =	vld [tilespmem:$0x9D0];
	v59 =	vtrunc.f32 v45;
	v58 =	vcvt.f32.s32 v56;
	[tilespmem:$0x350] =	vst v52  }
0x5f: {  	v63 =	vld [tilespmem:$0x9E0];
	v62 =	vtrunc.f32 v48;
	v61 =	vcvt.f32.s32 v59;
	[tilespmem:$0x360] =	vst v55  }
0x60: {  	v14 =	vld [tilespmem:$0xA00];
	v10 =	vtrunc.f32 v51;
	v9 =	vcvt.f32.s32 v62;
	[tilespmem:$0x370] =	vst v58  }
0x61: {  	v17 =	vld [tilespmem:$0xA10];
	v13 =	vtrunc.f32 v54;
	v12 =	vcvt.f32.s32 v10;
	[tilespmem:$0x380] =	vst v61  }
0x62: {  	v20 =	vld [tilespmem:$0xA20];
	v16 =	vtrunc.f32 v57;
	v15 =	vcvt.f32.s32 v13;
	[tilespmem:$0x390] =	vst v9  }
0x63: {  	v23 =	vld [tilespmem:$0xA30];
	v19 =	vtrunc.f32 v60;
	v18 =	vcvt.f32.s32 v16;
	[tilespmem:$0x3A0] =	vst v12  }
0x64: {  	v26 =	vld [tilespmem:$0xA40];
	v22 =	vtrunc.f32 v63;
	v21 =	vcvt.f32.s32 v19;
	[tilespmem:$0x3B0] =	vst v15  }
0x65: {  	v29 =	vld [tilespmem:$0xA50];
	v28 =	vtrunc.f32 v14;
	v24 =	vcvt.f32.s32 v22;
	[tilespmem:$0x3C0] =	vst v18  }
0x66: {  	v32 =	vld [tilespmem:$0xA60];
	v31 =	vtrunc.f32 v17;
	v30 =	vcvt.f32.s32 v28;
	[tilespmem:$0x3D0] =	vst v21  }
0x67: {  	v35 =	vld [tilespmem:$0xA70];
	v34 =	vtrunc.f32 v20;
	v33 =	vcvt.f32.s32 v31;
	[tilespmem:$0x3E0] =	vst v24  }
0x68: {  	v38 =	vld [tilespmem:$0xA80];
	v37 =	vtrunc.f32 v23;
	v36 =	vcvt.f32.s32 v34;
	[tilespmem:$0x400] =	vst v30  }
0x69: {  	v25 =	vld [tilespmem:$0xB60];
	v39 =	vcvt.f32.s32 v37;
	[tilespmem:$0x410] =	vst v33;
	v40 =	vtrunc.f32 v26  }
0x6a: {  	v41 =	vld [tilespmem:$0xA90];
	[tilespmem:$0x420] =	vst v36;
	v43 =	vtrunc.f32 v29;
	v42 =	vcvt.f32.s32 v40  }
0x6b: {  	v44 =	vld [tilespmem:$0xAA0];
	[tilespmem:$0x430] =	vst v39;
	v46 =	vtrunc.f32 v32;
	v45 =	vcvt.f32.s32 v43  }
0x6c: {  	v47 =	vld [tilespmem:$0xAB0];
	v49 =	vtrunc.f32 v35;
	v48 =	vcvt.f32.s32 v46;
	[tilespmem:$0x440] =	vst v42  }
0x6d: {  	v50 =	vld [tilespmem:$0xAC0];
	v52 =	vtrunc.f32 v38;
	v51 =	vcvt.f32.s32 v49;
	[tilespmem:$0x450] =	vst v45  }
0x6e: {  	v53 =	vld [tilespmem:$0xAD0];
	v54 =	vcvt.f32.s32 v52;
	v39 =	vtrunc.f32 v25;
	[tilespmem:$0x460] =	vst v48  }
0x6f: {  	v56 =	vld [tilespmem:$0xAE0];
	v55 =	vtrunc.f32 v41;
	[tilespmem:$0x470] =	vst v51;
	v41 =	vcvt.f32.s32 v39  }
0x70: {  	v59 =	vld [tilespmem:$0xAF0];
	v58 =	vtrunc.f32 v44;
	[tilespmem:$0x480] =	vst v54;
	v57 =	vcvt.f32.s32 v55  }
0x71: {  	v62 =	vld [tilespmem:$0xB00];
	v61 =	vtrunc.f32 v47;
	v60 =	vcvt.f32.s32 v58;
	[tilespmem:$0x560] =	vst v41  }
0x72: {  	v10 =	vld [tilespmem:$0xB10];
	v9 =	vtrunc.f32 v50;
	v63 =	vcvt.f32.s32 v61;
	[tilespmem:$0x490] =	vst v57  }
0x73: {  	v13 =	vld [tilespmem:$0xB20];
	v12 =	vtrunc.f32 v53;
	v11 =	vcvt.f32.s32 v9;
	[tilespmem:$0x4A0] =	vst v60  }
0x74: {  	v16 =	vld [tilespmem:$0xB30];
	v15 =	vtrunc.f32 v56;
	v14 =	vcvt.f32.s32 v12;
	[tilespmem:$0x4B0] =	vst v63  }
0x75: {  	v19 =	vld [tilespmem:$0xB40];
	v18 =	vtrunc.f32 v59;
	v17 =	vcvt.f32.s32 v15;
	[tilespmem:$0x4C0] =	vst v11  }
0x76: {  	v22 =	vld [tilespmem:$0xB50];
	v21 =	vtrunc.f32 v62;
	v20 =	vcvt.f32.s32 v18;
	[tilespmem:$0x4D0] =	vst v14  }
0x77: {  	v28 =	vld [tilespmem:$0xB70];
	v24 =	vtrunc.f32 v10;
	v23 =	vcvt.f32.s32 v21;
	[tilespmem:$0x4E0] =	vst v17  }
0x78: {  	v31 =	vld [tilespmem:$0xB80];
	v27 =	vtrunc.f32 v13;
	v26 =	vcvt.f32.s32 v24;
	[tilespmem:$0x4F0] =	vst v20  }
0x79: {  	v34 =	vld [tilespmem:$0xB90];
	v30 =	vtrunc.f32 v16;
	v29 =	vcvt.f32.s32 v27;
	[tilespmem:$0x500] =	vst v23  }
0x7a: {  	v37 =	vld [tilespmem:$0xBA0];
	v33 =	vtrunc.f32 v19;
	v32 =	vcvt.f32.s32 v30;
	[tilespmem:$0x510] =	vst v26  }
0x7b: {  	v40 =	vld [tilespmem:$0xBB0];
	v36 =	vtrunc.f32 v22;
	v35 =	vcvt.f32.s32 v33;
	[tilespmem:$0x520] =	vst v29  }
0x7c: {  	v43 =	vld [tilespmem:$0xBC0];
	v42 =	vtrunc.f32 v28;
	v38 =	vcvt.f32.s32 v36;
	[tilespmem:$0x530] =	vst v32  }
0x7d: {  	v46 =	vld [tilespmem:$0xBD0];
	v45 =	vtrunc.f32 v31;
	v44 =	vcvt.f32.s32 v42;
	[tilespmem:$0x540] =	vst v35  }
0x7e: {  	v49 =	vld [tilespmem:$0xBE0];
	v48 =	vtrunc.f32 v34;
	v47 =	vcvt.f32.s32 v45;
	[tilespmem:$0x550] =	vst v38  }
0x7f: {  	v52 =	vld [tilespmem:$0xBF0];
	v51 =	vtrunc.f32 v37;
	v50 =	vcvt.f32.s32 v48;
	[tilespmem:$0x570] =	vst v44  }
0x80: {  	v53 =	vcvt.f32.s32 v51;
	[tilespmem:$0x580] =	vst v47;
	v54 =	vtrunc.f32 v40  }
0x81: {  	[tilespmem:$0x590] =	vst v50;
	v56 =	vtrunc.f32 v43;
	v55 =	vcvt.f32.s32 v54  }
0x82: {  	[tilespmem:$0x5A0] =	vst v53;
	v58 =	vtrunc.f32 v46;
	v57 =	vcvt.f32.s32 v56  }
0x83: {  	v60 =	vtrunc.f32 v49;
	v59 =	vcvt.f32.s32 v58;
	[tilespmem:$0x5B0] =	vst v55  }
0x84: {  	v62 =	vtrunc.f32 v52;
	v61 =	vcvt.f32.s32 v60;
	[tilespmem:$0x5C0] =	vst v57  }
0x85: {  	v63 =	vcvt.f32.s32 v62;
	[tilespmem:$0x5D0] =	vst v59  }
0x86: {  	[tilespmem:$0x5E0] =	vst v61  }
0x87: {  	[tilespmem:$0x5F0] =	vst v63  }
0x88: {  	[tilespmem:s10], [sflag:$0x1] =	stream.indirect.gather [hbm4b:s4+s9], $0x80, s3, s9, $0xb8;
	[tilespmem:$0x10C00] =	vst v63  }
0x89: {  	_ = 	snop  }
0x8a: {  	[tilespmem:s11], [sflag:$0x2] =	stream.indirect.gather [hbm4b:s4+s9], $0x80, s9, s9, $0xb8;
	[tilespmem:$0x10C00] =	vst v63  }
0x8b: {  	_ = 	snop  }
0x8c: {  	[tilespmem:s13], [sflag:$0x3] =	stream.indirect.gather [hbm4b:s4+s9], $0x80, s12, s9, $0xb8;
	[tilespmem:$0x10C00] =	vst v63  }
0x8d: {  	_ = 	snop  }
0x8e: {  	[tilespmem:s15], [sflag:$0x4] =	stream.indirect.gather [hbm4b:s4+s9], $0x80, s14, s9, $0xb8;
	[tilespmem:$0x10C00] =	vst v63  }
0x8f: {  	_ =	swait.ge [sflag:s16], $0x4000  }
0x90: {  	[sflag:s16] =	ssyncset.done $0x0  }
0x91: {  	s0 =	rddreg [dreg:$0x4];
	[sflag:s16] =	ssyncadd.s32 $0xFFFFC000  }
0x92: {  	[hbm4b:s0+s3] =	stream.linear.scatter [tilespmem:s10], [sflag:$0x5], $0x4000, $0x38;
	[tilespmem:$0x10C00] =	vst v63  }
0x93: {  	_ =	swait.ge [sflag:s17], $0x4000  }
0x94: {  	[sflag:s17] =	ssyncset.done $0x0  }
0x95: {  	[sflag:s17] =	ssyncadd.s32 $0xFFFFC000  }
0x96: {  	[tilespmem:s10], [sflag:$0x1] =	stream.indirect.gather [hbm4b:s2+s9], $0x80, s18, s9, $0xb8;
	[tilespmem:$0x10C00] =	vst v63  }
0x97: {  	_ =	swait.ge [sflag:s19], $0x4000  }
0x98: {  	[sflag:s19] =	ssyncset.done $0x0  }
0x99: {  	s0 =	rddreg [dreg:$0x5];
	[sflag:s19] =	ssyncadd.s32 $0xFFFFC000  }
0x9a: {  	[hbm4b:s0+s3] =	stream.linear.scatter [tilespmem:s11], [sflag:$0x6], $0x4000, $0x38;
	[tilespmem:$0x10C00] =	vst v63  }
0x9b: {  	_ =	swait.ge [sflag:s20], $0x4000  }
0x9c: {  	[sflag:s20] =	ssyncset.done $0x0  }
0x9d: {  	[sflag:s20] =	ssyncadd.s32 $0xFFFFC000  }
0x9e: {  	[tilespmem:s11], [sflag:$0x2] =	stream.indirect.gather [hbm4b:s2+s9], $0x80, s21, s9, $0xb8;
	[tilespmem:$0x10C00] =	vst v63  }
0x9f: {  	_ =	swait.ge [sflag:s22], $0x4000  }
0xa0: {  	[sflag:s22] =	ssyncset.done $0x0  }
0xa1: {  	s0 =	rddreg [dreg:$0x6];
	[sflag:s22] =	ssyncadd.s32 $0xFFFFC000  }
0xa2: {  	[hbm4b:s0+s3] =	stream.linear.scatter [tilespmem:s13], [sflag:$0x7], $0x4000, $0x38;
	[tilespmem:$0x10C00] =	vst v63  }
0xa3: {  	_ =	swait.ge [sflag:s23], $0x4000  }
0xa4: {  	[sflag:s23] =	ssyncset.done $0x0  }
0xa5: {  	[sflag:s23] =	ssyncadd.s32 $0xFFFFC000  }
0xa6: {  	[tilespmem:s13], [sflag:$0x3] =	stream.indirect.gather [hbm4b:s2+s9], $0x80, s24, s9, $0xb8;
	[tilespmem:$0x10C00] =	vst v63  }
0xa7: {  	_ =	swait.ge [sflag:s25], $0x4000  }
0xa8: {  	[sflag:s25] =	ssyncset.done $0x0  }
0xa9: {  	s0 =	rddreg [dreg:$0x7];
	[sflag:s25] =	ssyncadd.s32 $0xFFFFC000  }
0xaa: {  	[hbm4b:s0+s3] =	stream.linear.scatter [tilespmem:s15], [sflag:$0x8], $0x4000, $0x38;
	[tilespmem:$0x10C00] =	vst v63  }
0xab: {  	_ =	swait.ge [sflag:s26], $0x4000  }
0xac: {  	[sflag:s26] =	ssyncset.done $0x0  }
0xad: {  	[sflag:s26] =	ssyncadd.s32 $0xFFFFC000  }
0xae: {  	[tilespmem:s15], [sflag:$0x4] =	stream.indirect.gather [hbm4b:s2+s9], $0x80, s28, s9, $0xb8;
	[tilespmem:$0x10C00] =	vst v63  }
0xaf: {  	_ =	swait.ge [sflag:s16], $0x4000  }
0xb0: {  	[sflag:s16] =	ssyncset.done $0x0  }
0xb1: {  	s0 =	rddreg [dreg:$0x8];
	[sflag:s16] =	ssyncadd.s32 $0xFFFFC000  }
0xb2: {  	[hbm4b:s0+s3] =	stream.linear.scatter [tilespmem:s10], [sflag:$0x5], $0x4000, $0x38;
	[tilespmem:$0x10C00] =	vst v63  }
0xb3: {  	_ =	swait.ge [sflag:s17], $0x4000  }
0xb4: {  	[sflag:s17] =	ssyncset.done $0x0  }
0xb5: {  	[sflag:s17] =	ssyncadd.s32 $0xFFFFC000  }
0xb6: {  	[tilespmem:s10], [sflag:$0x1] =	stream.indirect.gather [hbm4b:s5+s9], $0x80, s29, s9, $0xb8;
	[tilespmem:$0x10C00] =	vst v63  }
0xb7: {  	_ =	swait.ge [sflag:s19], $0x4000  }
0xb8: {  	[sflag:s19] =	ssyncset.done $0x0  }
0xb9: {  	s0 =	rddreg [dreg:$0x9];
	[sflag:s19] =	ssyncadd.s32 $0xFFFFC000  }
0xba: {  	[hbm4b:s0+s3] =	stream.linear.scatter [tilespmem:s11], [sflag:$0x6], $0x4000, $0x38;
	[tilespmem:$0x10C00] =	vst v63  }
0xbb: {  	_ =	swait.ge [sflag:s20], $0x4000  }
0xbc: {  	[sflag:s20] =	ssyncset.done $0x0  }
0xbd: {  	[sflag:s20] =	ssyncadd.s32 $0xFFFFC000  }
0xbe: {  	[tilespmem:s11], [sflag:$0x2] =	stream.indirect.gather [hbm4b:s5+s9], $0x80, s30, s9, $0xb8;
	[tilespmem:$0x10C00] =	vst v63  }
0xbf: {  	_ =	swait.ge [sflag:s22], $0x4000  }
0xc0: {  	[sflag:s22] =	ssyncset.done $0x0  }
0xc1: {  	s0 =	rddreg [dreg:$0xa];
	[sflag:s22] =	ssyncadd.s32 $0xFFFFC000  }
0xc2: {  	[hbm4b:s0+s3] =	stream.linear.scatter [tilespmem:s13], [sflag:$0x7], $0x4000, $0x38;
	[tilespmem:$0x10C00] =	vst v63  }
0xc3: {  	_ =	swait.ge [sflag:s23], $0x4000  }
0xc4: {  	[sflag:s23] =	ssyncset.done $0x0  }
0xc5: {  	[sflag:s23] =	ssyncadd.s32 $0xFFFFC000  }
0xc6: {  	[tilespmem:s13], [sflag:$0x3] =	stream.indirect.gather [hbm4b:s5+s9], $0x80, s31, s9, $0xb8;
	[tilespmem:$0x10C00] =	vst v63  }
0xc7: {  	_ =	swait.ge [sflag:s25], $0x4000  }
0xc8: {  	[sflag:s25] =	ssyncset.done $0x0  }
0xc9: {  	s0 =	rddreg [dreg:$0xb];
	[sflag:s25] =	ssyncadd.s32 $0xFFFFC000  }
0xca: {  	[hbm4b:s0+s3] =	stream.linear.scatter [tilespmem:s15], [sflag:$0x8], $0x4000, $0x38;
	[tilespmem:$0x10C00] =	vst v63  }
0xcb: {  	_ =	swait.ge [sflag:s26], $0x4000  }
0xcc: {  	[sflag:s26] =	ssyncset.done $0x0  }
0xcd: {  	[sflag:s26] =	ssyncadd.s32 $0xFFFFC000  }
0xce: {  	[tilespmem:s15], [sflag:$0x4] =	stream.indirect.gather [hbm4b:s5+s9], $0x80, s1, s9, $0xb8;
	[tilespmem:$0x10C00] =	vst v63  }
0xcf: {  	_ =	swait.ge [sflag:s16], $0x4000  }
0xd0: {  	[sflag:s16] =	ssyncset.done $0x0  }
0xd1: {  	s0 =	rddreg [dreg:$0xc];
	[sflag:s16] =	ssyncadd.s32 $0xFFFFC000  }
0xd2: {  	[hbm4b:s0+s3] =	stream.linear.scatter [tilespmem:s10], [sflag:$0x5], $0x4000, $0x38;
	[tilespmem:$0x10C00] =	vst v63  }
0xd3: {  	_ =	swait.ge [sflag:s19], $0x4000  }
0xd4: {  	[sflag:s19] =	ssyncset.done $0x0  }
0xd5: {  	s0 =	rddreg [dreg:$0xd];
	[sflag:s19] =	ssyncadd.s32 $0xFFFFC000  }
0xd6: {  	[hbm4b:s0+s3] =	stream.linear.scatter [tilespmem:s11], [sflag:$0x6], $0x4000, $0x38;
	[tilespmem:$0x10C00] =	vst v63  }
0xd7: {  	_ =	swait.ge [sflag:s22], $0x4000  }
0xd8: {  	[sflag:s22] =	ssyncset.done $0x0  }
0xd9: {  	s0 =	rddreg [dreg:$0xe];
	[sflag:s22] =	ssyncadd.s32 $0xFFFFC000  }
0xda: {  	[hbm4b:s0+s3] =	stream.linear.scatter [tilespmem:s13], [sflag:$0x7], $0x4000, $0x38;
	[tilespmem:$0x10C00] =	vst v63  }
0xdb: {  	_ =	swait.ge [sflag:s25], $0x4000  }
0xdc: {  	[sflag:s25] =	ssyncset.done $0x0  }
0xdd: {  	s0 =	rddreg [dreg:$0xf];
	[sflag:s25] =	ssyncadd.s32 $0xFFFFC000  }
0xde: {  	[hbm4b:s0+s3] =	stream.linear.scatter [tilespmem:s15], [sflag:$0x8], $0x4000, $0x38;
	[tilespmem:$0x10C00] =	vst v63  }
0xdf: {  	_ =	swait.ge [sflag:s17], $0x4000  }
0xe0: {  	[sflag:s17] =	ssyncset.done $0x0  }
0xe1: {  	[sflag:s17] =	ssyncadd.s32 $0xFFFFC000  }
0xe2: {  	_ =	swait.ge [sflag:s20], $0x4000  }
0xe3: {  	[sflag:s20] =	ssyncset.done $0x0  }
0xe4: {  	[sflag:s20] =	ssyncadd.s32 $0xFFFFC000  }
0xe5: {  	p0 =	sne.s32 s6, $0x1;
	_ =	swait.ge [sflag:s23], $0x4000  }
.Ltmp0:
0xe6: {  	[sflag:s23] =	ssyncset.done $0x0;
	(pc) =	sbr.rel @p0 .LBB2_1-.Ltmp0, $4  }
0xe7: {  	[sflag:s23] =	ssyncadd.s32 $0xFFFFC000  }
0xe8: {  	_ =	swait.ge [sflag:s26], $0x4000  }
0xe9: {  	[sflag:s26] =	ssyncset.done $0x0  }
0xea: {  	s6 =	sadd.s32 $0xFFFFFFFF, s6;
	[sflag:s26] =	ssyncadd.s32 $0xFFFFC000  }
0xeb: {  	_ =	sfence.sel $0x180000  }
0xec: {  	[bflag:$0x0] =	sbarrier.arrive $0xFFFF  }
0xed: {  	_ =	strace $0x90000047  }
0xee: {  	s0 =	stileid.u32;
	[bflag:$0x2] =	sbarrier.arrive $0xFFFF  }
0xef: {  	p0 =	sne.s32 s0, $0x0;
	s0 =	rddreg [dreg:$0x2]  }
0xf0: {  	s0 =	sadd.s32 @!p0 $0x100000, s0  }
0xf1: {  	[sflag:s0] =	ssyncadd.tile.s32 @!p0 $0x1;
	_ =	shalt  }
.Lfunc_end2:
_tile_overlayer_lowered:
.L_overlay_start_2:
0xf2: {  	(tag) =	ssettag $0x2  }
0xf3: {  	s0 =	rddreg [dreg:$0x0];
	s2 =	stileid.u32  }
0xf4: {  	s1 =	rddreg [dreg:$0x1];
	p0 =	sne.s32 s2, $0x0  }
0xf5: {  	s3 =	rddreg [dreg:$0x2];
	[bflag:$0x3] =	sbarrier.arrive $0xFFFF;
	s2 =	simm.s32 @!p0 $0x1C09  }
0xf6: {  	[timem:s3], [sflag:s2] =	dma.local @!p0 [hbm:s0], s1  }
0xf7: {  	s0 =	simm.s32 @!p0 $0x9  }
0xf8: {  	_ =	swait.ge @!p0 [sflag:s0], s1  }
0xf9: {  	s1 =	ssub.s32 @!p0 $0x0, s1;
	[sflag:s0] =	ssyncset.done @!p0 $0x0  }
0xfa: {  	[sflag:s0] =	ssyncadd.s32 @!p0 s1  }
0xfb: {  	[bflag:$0x3] =	sbarrier.arrive $0xFFFF  }
0xfc: {  	_ =	shalt  }

</sc_bundles>
